<compile_context>
chip_gen: v7x
topology: tpu7x:2x2x1
jax: 0.10.2.dev20260603
libtpu: 0.0.44.dev20260713+nightly
codegen_flags: <defaults>
</compile_context>

<pallas_src>
import jax
import jax.numpy as jnp
from jax import lax
from jax.experimental import pallas as pl
from jax.experimental.pallas import tpu as pltpu
from jax.experimental.pallas import tpu_sc as plsc

N = 10000
D = 128
E = 320000
NSUB = 16
CH = 128
NCHUNK = 160
NB = 4
KBLK = NCHUNK // NB
EPT = NCHUNK * CH
E_PAD = EPT * NSUB
NPAD = 10016
ZR = 632
DUMMY = N

BR = 400
GU = N // BR
GRID = 2 * GU

_mesh = plsc.VectorSubcoreMesh(core_axis_name="c", subcore_axis_name="s")


def _acc_slab(s, copy_fn):

    @pl.when(s < NSUB - 1)
    def _():
        copy_fn(s * ZR, ZR)

    @pl.when(s == NSUB - 1)
    def _():
        copy_fn((NSUB - 1) * ZR, NPAD - (NSUB - 1) * ZR)



def _sc_count_body(idx_hbm, ones_hbm, z_hbm, out_hbm, vbk, ones_v, acc):
    c = lax.axis_index("c")
    s = lax.axis_index("s")
    _acc_slab(s, lambda o, n: pltpu.sync_copy(z_hbm.at[pl.ds(o, n)],
                                              acc.at[pl.ds(o, n)]))
    pltpu.sync_copy(ones_hbm, ones_v)
    plsc.subcore_barrier()

    def block(k, carry):
        pltpu.sync_copy(idx_hbm.at[c, s, k, 1], vbk)

        def chunk(j, carry2):
            pltpu.sync_copy(ones_v, acc.at[vbk.at[j]], add=True)
            return carry2

        return lax.fori_loop(0, NB, chunk, carry)

    lax.fori_loop(0, KBLK, block, 0)
    plsc.subcore_barrier()
    _acc_slab(s, lambda o, n: pltpu.sync_copy(acc.at[pl.ds(o, n)],
                                              out_hbm.at[c, pl.ds(o, n)]))


_sc_count = pl.kernel(
    _sc_count_body,
    out_type=jax.ShapeDtypeStruct((2, NPAD, D), jnp.float32),
    mesh=_mesh,
    scratch_types=[
        pltpu.VMEM((NB, CH), jnp.int32),
        pltpu.VMEM((CH, D), jnp.float32),
        pltpu.VMEM_SHARED((NPAD, D), jnp.float32),
    ],
)


def _sc_agg_body(y_hbm, idx_hbm, z_hbm, out_hbm, vbk, rows_0, rows_1, rows_2,
                 acc, gs_0, gs_1, gs_2, ss_0, ss_1, ss_2):
    c = lax.axis_index("c")
    s = lax.axis_index("s")
    rows = (rows_0, rows_1, rows_2)
    gs = (gs_0, gs_1, gs_2)
    ss = (ss_0, ss_1, ss_2)
    _acc_slab(s, lambda o, n: pltpu.sync_copy(z_hbm.at[pl.ds(o, n)],
                                              acc.at[pl.ds(o, n)]))
    plsc.subcore_barrier()

    def block(k, carry):
        pltpu.sync_copy(idx_hbm.at[c, s, k], vbk)

        def gather(j):
            return pltpu.async_copy(y_hbm.at[vbk.at[0, j]], rows[j % 3],
                                    gs[j % 3])

        def scatter(j):
            return pltpu.async_copy(rows[j % 3], acc.at[vbk.at[1, j]],
                                    ss[j % 3], add=True)

        gcp = {0: gather(0), 1: gather(1)}
        scp = {}
        for j in range(NB):
            gcp[j].wait()
            if j + 2 < NB:
                if j >= 1:
                    scp[j - 1].wait()
                gcp[j + 2] = gather(j + 2)
            scp[j] = scatter(j)
        for j in (NB - 3, NB - 2, NB - 1):
            scp[j].wait()
        return carry

    lax.fori_loop(0, KBLK, block, 0)
    plsc.subcore_barrier()
    _acc_slab(s, lambda o, n: pltpu.sync_copy(acc.at[pl.ds(o, n)],
                                              out_hbm.at[c, pl.ds(o, n)]))


_sc_agg = pl.kernel(
    _sc_agg_body,
    out_type=jax.ShapeDtypeStruct((2, NPAD, D), jnp.float32),
    mesh=_mesh,
    scratch_types=[
        pltpu.VMEM((2, NB, CH), jnp.int32),
        pltpu.VMEM((CH, D), jnp.float32),
        pltpu.VMEM((CH, D), jnp.float32),
        pltpu.VMEM((CH, D), jnp.float32),
        pltpu.VMEM_SHARED((NPAD, D), jnp.float32),
        pltpu.SemaphoreType.DMA,
        pltpu.SemaphoreType.DMA,
        pltpu.SemaphoreType.DMA,
        pltpu.SemaphoreType.DMA,
        pltpu.SemaphoreType.DMA,
        pltpu.SemaphoreType.DMA,
    ],
)



def _matmul_body(x_ref, w_ref, o_ref):
    o_ref[...] = jnp.dot(x_ref[...], w_ref[0],
                         preferred_element_type=jnp.float32)


_matmul = pl.pallas_call(
    _matmul_body,
    grid=(GRID,),
    in_specs=[
        pl.BlockSpec((BR, D), lambda i: (i, 0)),
        pl.BlockSpec((1, D, D), lambda i: (i // GU, 0, 0)),
    ],
    out_specs=pl.BlockSpec((BR, D), lambda i: (i, 0)),
    out_shape=jax.ShapeDtypeStruct((2 * N, D), jnp.float32),
)


def _combine(agg_ref, cnt_ref, r_ref, b_ref):
    cnt = jnp.maximum(cnt_ref[0], 1.0)
    return agg_ref[0] / cnt + b_ref[0] + r_ref[...]


def _mid_body(agg_ref, cnt_ref, r_ref, b_ref, wl_ref, y_ref, x_ref):
    x = jnp.maximum(_combine(agg_ref, cnt_ref, r_ref, b_ref), 0.0)
    y_ref[...] = jnp.dot(x, wl_ref[0], preferred_element_type=jnp.float32)
    x_ref[...] = x


def _post_body(agg_ref, cnt_ref, r_ref, b_ref, o_ref):
    o_ref[...] = _combine(agg_ref, cnt_ref, r_ref, b_ref)


_agg_spec = pl.BlockSpec((1, BR, D), lambda i: (1 - i // GU, i % GU, 0))
_r_spec = pl.BlockSpec((BR, D), lambda i: (i, 0))
_b_spec = pl.BlockSpec((1, 1, D), lambda i: (i // GU, 0, 0))
_w_spec = pl.BlockSpec((1, D, D), lambda i: (i // GU, 0, 0))

_mid = pl.pallas_call(
    _mid_body,
    grid=(GRID,),
    in_specs=[_agg_spec, _agg_spec, _r_spec, _b_spec, _w_spec],
    out_specs=[pl.BlockSpec((BR, D), lambda i: (i, 0))] * 2,
    out_shape=[jax.ShapeDtypeStruct((2 * N, D), jnp.float32)] * 2,
)

_post = pl.pallas_call(
    _post_body,
    grid=(GRID,),
    in_specs=[_agg_spec, _agg_spec, _r_spec, _b_spec],
    out_specs=pl.BlockSpec((BR, D), lambda i: (i, 0)),
    out_shape=jax.ShapeDtypeStruct((2 * N, D), jnp.float32),
)


def _prep_rel(src, dst):
    pad = E_PAD - E
    srcp = jnp.concatenate([src, jnp.zeros((pad,), jnp.int32)])
    dstp = jnp.concatenate([dst, jnp.full((pad,), DUMMY, jnp.int32)])
    return jnp.stack([srcp.reshape(NSUB, KBLK, NB, CH),
                      dstp.reshape(NSUB, KBLK, NB, CH)], axis=2)


def kernel(x_user, x_item, edge_index_ui, edge_index_iu,
           Wl1_ui, bl1_ui, Wr1_ui, Wl1_iu, bl1_iu, Wr1_iu,
           Wl2_ui, bl2_ui, Wr2_ui, Wl2_iu, bl2_iu, Wr2_iu,
           Wl3_ui, bl3_ui, Wr3_ui, Wl3_iu, bl3_iu, Wr3_iu):
    idx_pack = jnp.stack([
        _prep_rel(edge_index_ui[0], edge_index_ui[1]),
        _prep_rel(edge_index_iu[0] + N, edge_index_iu[1]),
    ])
    zeros_hbm = jnp.zeros((NPAD, D), jnp.float32)
    ones_hbm = jnp.ones((CH, D), jnp.float32)

    x_all = jnp.concatenate([x_user, x_item], axis=0)

    wl1 = jnp.stack([Wl1_ui, Wl1_iu])
    wr1 = jnp.stack([Wr1_iu, Wr1_ui])
    wl2 = jnp.stack([Wl2_ui, Wl2_iu])
    wr2 = jnp.stack([Wr2_iu, Wr2_ui])
    wl3 = jnp.stack([Wl3_ui, Wl3_iu])
    wr3 = jnp.stack([Wr3_iu, Wr3_ui])
    b1 = jnp.stack([bl1_iu, bl1_ui])[:, None, :]
    b2 = jnp.stack([bl2_iu, bl2_ui])[:, None, :]
    b3 = jnp.stack([bl3_iu, bl3_ui])[:, None, :]

    cnt = _sc_count(idx_pack, ones_hbm, zeros_hbm)

    y1 = _matmul(x_all, wl1)
    agg1 = _sc_agg(y1, idx_pack, zeros_hbm)
    r1 = _matmul(x_all, wr1)
    y2, x2 = _mid(agg1, cnt, r1, b1, wl2)
    agg2 = _sc_agg(y2, idx_pack, zeros_hbm)
    r2 = _matmul(x2, wr2)
    y3, x3 = _mid(agg2, cnt, r2, b2, wl3)
    agg3 = _sc_agg(y3, idx_pack, zeros_hbm)
    r3 = _matmul(x3, wr3)
    out = _post(agg3, cnt, r3, b3)
    return out[:N], out[N:]

# --- scband reference (transcript-rebuilt; emitter-appended) ---
"""Pipeline reference for scband-gnnmodel-26345329394307 (READ-ONLY COPY).

The authoritative reference and input builder live on the scoring server;
editing this copy changes nothing except your own understanding.
"""

import jax, jax.numpy as jnp
import numpy as np

N_USER = 10000
N_ITEM = 10000
E = 320000
DIN = 128
DH = 128


def _glorot(key, shape):
    fan_in, fan_out = shape
    lim = float(np.sqrt(6.0 / (fan_in + fan_out)))
    return jax.random.uniform(key, shape, jnp.float32, -lim, lim)


def setup_inputs(seed: int = 0):
    key = jax.random.key(seed)
    ks = jax.random.split(key, 32)
    inp = {
        "x_user": jax.random.normal(ks[0], (N_USER, DIN), jnp.float32),
        "x_item": jax.random.normal(ks[1], (N_ITEM, DIN), jnp.float32),
        "edge_index_ui": jax.random.randint(ks[2], (2, E), 0, N_ITEM, jnp.int32),
        "edge_index_iu": jax.random.randint(ks[3], (2, E), 0, N_USER, jnp.int32),
    }
    i = 4
    for l, din in [(1, DIN), (2, DH), (3, DH)]:
        for rel in ("ui", "iu"):
            inp[f"Wl{l}_{rel}"] = _glorot(ks[i], (din, DH)); i += 1
            inp[f"bl{l}_{rel}"] = jnp.zeros((DH,), jnp.float32)
            inp[f"Wr{l}_{rel}"] = _glorot(ks[i], (din, DH)); i += 1
    return inp


def _sage(x_src, x_dst, ei, Wl, bl, Wr):
    # PyG SAGEConv (mean aggr): lin_l(mean_j x_src[j]) + lin_r(x_dst)
    src = ei[0]
    dst = ei[1]
    msgs = jnp.take(x_src, src, axis=0)
    n_dst = x_dst.shape[0]
    agg = jax.ops.segment_sum(msgs, dst, num_segments=n_dst)
    cnt = jax.ops.segment_sum(jnp.ones((src.shape[0],), x_src.dtype), dst, num_segments=n_dst)
    agg = agg / jnp.clip(cnt, 1.0, None)[:, None]
    return agg @ Wl + bl + x_dst @ Wr


def reference(x_user, x_item, edge_index_ui, edge_index_iu,
              Wl1_ui, bl1_ui, Wr1_ui, Wl1_iu, bl1_iu, Wr1_iu,
              Wl2_ui, bl2_ui, Wr2_ui, Wl2_iu, bl2_iu, Wr2_iu,
              Wl3_ui, bl3_ui, Wr3_ui, Wl3_iu, bl3_iu, Wr3_iu):
    p = {
        "Wl1_ui": Wl1_ui, "bl1_ui": bl1_ui, "Wr1_ui": Wr1_ui,
        "Wl1_iu": Wl1_iu, "bl1_iu": bl1_iu, "Wr1_iu": Wr1_iu,
        "Wl2_ui": Wl2_ui, "bl2_ui": bl2_ui, "Wr2_ui": Wr2_ui,
        "Wl2_iu": Wl2_iu, "bl2_iu": bl2_iu, "Wr2_iu": Wr2_iu,
        "Wl3_ui": Wl3_ui, "bl3_ui": bl3_ui, "Wr3_ui": Wr3_ui,
        "Wl3_iu": Wl3_iu, "bl3_iu": bl3_iu, "Wr3_iu": Wr3_iu,
    }

    def layer(xu, xi, l):
        # edge type (user -> item) updates item; (item -> user) updates user
        new_i = _sage(xu, xi, edge_index_ui, p[f"Wl{l}_ui"], p[f"bl{l}_ui"], p[f"Wr{l}_ui"])
        new_u = _sage(xi, xu, edge_index_iu, p[f"Wl{l}_iu"], p[f"bl{l}_iu"], p[f"Wr{l}_iu"])
        return new_u, new_i

    xu, xi = layer(x_user, x_item, 1)
    xu, xi = jax.nn.relu(xu), jax.nn.relu(xi)  # dropout p=0 -> identity
    xu, xi = layer(xu, xi, 2)
    xu, xi = jax.nn.relu(xu), jax.nn.relu(xi)
    xu, xi = layer(xu, xi, 3)
    return xu, xi

if __name__ == "__main__":
    import jax
    _d = setup_inputs()
    print(jax.jit(kernel)(*tuple(_d.values())))

</pallas_src>

<mosaic_0001>
#map = affine_map<(d0, d1) -> (0, 0)>
#map1 = affine_map<(d0, d1) -> (0, 0, 0, 0, 0, 0)>
#map2 = affine_map<(d0, d1) -> (0, 0, 0)>
module attributes {stable_mosaic.version = 14 : i64} {
  func.func @_sc_agg_body(%arg0: i32, %arg1: i32, %arg2: memref<20000x128xf32, #tpu.memory_space<hbm>>, %arg3: memref<2x16x40x2x4x128xi32, #tpu.memory_space<hbm>>, %arg4: memref<10016x128xf32, #tpu.memory_space<hbm>>, %arg5: memref<2x10016x128xf32, #tpu.memory_space<hbm>>, %arg6: memref<2x4x128xi32, #tpu.memory_space<vmem>>, %arg7: memref<128x128xf32, #tpu.memory_space<vmem>>, %arg8: memref<128x128xf32, #tpu.memory_space<vmem>>, %arg9: memref<128x128xf32, #tpu.memory_space<vmem>>, %arg10: memref<10016x128xf32, #tpu.memory_space<vmem_shared>>, %arg11: memref<!tpu.dma_semaphore, #tpu.memory_space<semaphore_mem>>, %arg12: memref<!tpu.dma_semaphore, #tpu.memory_space<semaphore_mem>>, %arg13: memref<!tpu.dma_semaphore, #tpu.memory_space<semaphore_mem>>, %arg14: memref<!tpu.dma_semaphore, #tpu.memory_space<semaphore_mem>>, %arg15: memref<!tpu.dma_semaphore, #tpu.memory_space<semaphore_mem>>, %arg16: memref<!tpu.dma_semaphore, #tpu.memory_space<semaphore_mem>>) attributes {dimension_semantics = [#tpu.dimension_semantics<core_parallel>, #tpu.dimension_semantics<subcore_parallel>], iteration_bounds = array<i64: 2, 16>, scalar_prefetch = 0 : i64, scratch_operands = 11 : i64, tpu.core_type = #tpu.core_type<sc_vector_subcore>, window_params = [{transform_indices = #map}, {transform_indices = #map1}, {transform_indices = #map}, {transform_indices = #map2}]} {
    %lt3A = arith.constant 15 : i32
    %lt3A_0 = arith.cmpi slt, %arg1, %lt3A : i32
    %convert_element_type3A = arith.extui %lt3A_0 : i1 to i32
    %cond3A = arith.constant 0 : i32
    %cond3A_1 = arith.cmpi ne, %convert_element_type3A, %cond3A : i32
    scf.if %cond3A_1 {
      %mul3A = arith.constant 632 : i32
      %mul3A_22 = arith.muli %arg1, %mul3A : i32
      "tpu.region"() ({
        %run_scoped3A = tpu.sem_alloc : memref<!tpu.dma_semaphore, #tpu.memory_space<semaphore_mem>>
        %dma_start3A = arith.constant 0 : i32
        %dma_start3A_23 = tpu.memref_slice %arg10[%mul3A_22, %dma_start3A] : memref<10016x128xf32, #tpu.memory_space<vmem_shared>> -> memref<632x128xf32, #tpu.memory_space<vmem_shared>>
        %dma_start3A_24 = arith.constant 0 : i32
        %dma_start3A_25 = tpu.memref_slice %arg4[%mul3A_22, %dma_start3A_24] : memref<10016x128xf32, #tpu.memory_space<hbm>> -> memref<632x128xf32, #tpu.memory_space<hbm>>
        tpu.enqueue_dma source(%dma_start3A_25 : memref<632x128xf32, #tpu.memory_space<hbm>>) target(%dma_start3A_23 : memref<632x128xf32, #tpu.memory_space<vmem_shared>>) target_semaphore(%run_scoped3A : memref<!tpu.dma_semaphore, #tpu.memory_space<semaphore_mem>>)
        %dma_wait3A = arith.constant 0 : i32
        %dma_wait3A_26 = tpu.memref_slice %arg10[%mul3A_22, %dma_wait3A] : memref<10016x128xf32, #tpu.memory_space<vmem_shared>> -> memref<632x128xf32, #tpu.memory_space<vmem_shared>>
        %dma_wait3A_27 = arith.constant 0 : i32
        %dma_wait3A_28 = tpu.memref_slice %arg4[%mul3A_22, %dma_wait3A_27] : memref<10016x128xf32, #tpu.memory_space<hbm>> -> memref<632x128xf32, #tpu.memory_space<hbm>>
        tpu.wait_dma2 semaphore(%run_scoped3A : memref<!tpu.dma_semaphore, #tpu.memory_space<semaphore_mem>>) src(%dma_wait3A_28 : memref<632x128xf32, #tpu.memory_space<hbm>>) dst(%dma_wait3A_26 : memref<632x128xf32, #tpu.memory_space<vmem_shared>>)
        tpu.yield
      }) : () -> ()
    } else {
    }
    %eq3A = arith.constant 15 : i32
    %eq3A_2 = arith.cmpi eq, %arg1, %eq3A : i32
    %convert_element_type3A_3 = arith.extui %eq3A_2 : i1 to i32
    %cond3A_4 = arith.constant 0 : i32
    %cond3A_5 = arith.cmpi ne, %convert_element_type3A_3, %cond3A_4 : i32
    scf.if %cond3A_5 {
      "tpu.region"() ({
        %run_scoped3A = tpu.sem_alloc : memref<!tpu.dma_semaphore, #tpu.memory_space<semaphore_mem>>
        %dma_start3A = arith.constant 9480 : i32
        %dma_start3A_22 = arith.constant 0 : i32
        %dma_start3A_23 = tpu.memref_slice %arg10[%dma_start3A, %dma_start3A_22] : memref<10016x128xf32, #tpu.memory_space<vmem_shared>> -> memref<536x128xf32, #tpu.memory_space<vmem_shared>>
        %dma_start3A_24 = arith.constant 9480 : i32
        %dma_start3A_25 = arith.constant 0 : i32
        %dma_start3A_26 = tpu.memref_slice %arg4[%dma_start3A_24, %dma_start3A_25] : memref<10016x128xf32, #tpu.memory_space<hbm>> -> memref<536x128xf32, #tpu.memory_space<hbm>>
        tpu.enqueue_dma source(%dma_start3A_26 : memref<536x128xf32, #tpu.memory_space<hbm>>) target(%dma_start3A_23 : memref<536x128xf32, #tpu.memory_space<vmem_shared>>) target_semaphore(%run_scoped3A : memref<!tpu.dma_semaphore, #tpu.memory_space<semaphore_mem>>)
        %dma_wait3A = arith.constant 9480 : i32
        %dma_wait3A_27 = arith.constant 0 : i32
        %dma_wait3A_28 = tpu.memref_slice %arg10[%dma_wait3A, %dma_wait3A_27] : memref<10016x128xf32, #tpu.memory_space<vmem_shared>> -> memref<536x128xf32, #tpu.memory_space<vmem_shared>>
        %dma_wait3A_29 = arith.constant 9480 : i32
        %dma_wait3A_30 = arith.constant 0 : i32
        %dma_wait3A_31 = tpu.memref_slice %arg4[%dma_wait3A_29, %dma_wait3A_30] : memref<10016x128xf32, #tpu.memory_space<hbm>> -> memref<536x128xf32, #tpu.memory_space<hbm>>
        tpu.wait_dma2 semaphore(%run_scoped3A : memref<!tpu.dma_semaphore, #tpu.memory_space<semaphore_mem>>) src(%dma_wait3A_31 : memref<536x128xf32, #tpu.memory_space<hbm>>) dst(%dma_wait3A_28 : memref<536x128xf32, #tpu.memory_space<vmem_shared>>)
        tpu.yield
      }) : () -> ()
    } else {
    }
    %barrier3A = arith.constant 0 : index
    tpu.barrier barrier_id(%barrier3A)
    %scan3A = arith.constant 0 : i32
    %scan3A_6 = arith.constant 0 : i32
    %scan3A_7 = arith.constant 40 : i32
    %scan3A_8 = arith.addi %scan3A_6, %scan3A_7 : i32
    %scan3A_9 = arith.constant 1 : i32
    scf.for %scan3A_22 = %scan3A_6 to %scan3A_8 step %scan3A_9  : i32 {
      "tpu.region"() ({
        %run_scoped3A = tpu.sem_alloc : memref<!tpu.dma_semaphore, #tpu.memory_space<semaphore_mem>>
        %dma_start3A_149 = arith.constant 0 : i32
        %dma_start3A_150 = arith.constant 0 : i32
        %dma_start3A_151 = arith.constant 0 : i32
        %dma_start3A_152 = tpu.memref_slice %arg3[%arg0, %arg1, %scan3A_22, %dma_start3A_149, %dma_start3A_150, %dma_start3A_151] : memref<2x16x40x2x4x128xi32, #tpu.memory_space<hbm>> -> memref<1x1x1x2x4x128xi32, #tpu.memory_space<hbm>>
        %dma_start3A_153 = tpu.memref_squeeze %dma_start3A_152 : memref<1x1x1x2x4x128xi32, #tpu.memory_space<hbm>> -> memref<2x4x128xi32, #tpu.memory_space<hbm>>
        %dma_start3A_154 = arith.constant 0 : i32
        %dma_start3A_155 = arith.constant 0 : i32
        %dma_start3A_156 = arith.constant 0 : i32
        %dma_start3A_157 = tpu.memref_slice %arg3[%arg0, %arg1, %scan3A_22, %dma_start3A_154, %dma_start3A_155, %dma_start3A_156] : memref<2x16x40x2x4x128xi32, #tpu.memory_space<hbm>> -> memref<1x1x1x2x4x128xi32, #tpu.memory_space<hbm>>
        %dma_start3A_158 = tpu.memref_squeeze %dma_start3A_157 : memref<1x1x1x2x4x128xi32, #tpu.memory_space<hbm>> -> memref<2x4x128xi32, #tpu.memory_space<hbm>>
        tpu.enqueue_dma source(%dma_start3A_158 : memref<2x4x128xi32, #tpu.memory_space<hbm>>) target(%arg6 : memref<2x4x128xi32, #tpu.memory_space<vmem>>) target_semaphore(%run_scoped3A : memref<!tpu.dma_semaphore, #tpu.memory_space<semaphore_mem>>)
        %dma_wait3A_159 = arith.constant 0 : i32
        %dma_wait3A_160 = arith.constant 0 : i32
        %dma_wait3A_161 = arith.constant 0 : i32
        %dma_wait3A_162 = tpu.memref_slice %arg3[%arg0, %arg1, %scan3A_22, %dma_wait3A_159, %dma_wait3A_160, %dma_wait3A_161] : memref<2x16x40x2x4x128xi32, #tpu.memory_space<hbm>> -> memref<1x1x1x2x4x128xi32, #tpu.memory_space<hbm>>
        %dma_wait3A_163 = tpu.memref_squeeze %dma_wait3A_162 : memref<1x1x1x2x4x128xi32, #tpu.memory_space<hbm>> -> memref<2x4x128xi32, #tpu.memory_space<hbm>>
        %dma_wait3A_164 = arith.constant 0 : i32
        %dma_wait3A_165 = arith.constant 0 : i32
        %dma_wait3A_166 = arith.constant 0 : i32
        %dma_wait3A_167 = tpu.memref_slice %arg3[%arg0, %arg1, %scan3A_22, %dma_wait3A_164, %dma_wait3A_165, %dma_wait3A_166] : memref<2x16x40x2x4x128xi32, #tpu.memory_space<hbm>> -> memref<1x1x1x2x4x128xi32, #tpu.memory_space<hbm>>
        %dma_wait3A_168 = tpu.memref_squeeze %dma_wait3A_167 : memref<1x1x1x2x4x128xi32, #tpu.memory_space<hbm>> -> memref<2x4x128xi32, #tpu.memory_space<hbm>>
        tpu.wait_dma2 semaphore(%run_scoped3A : memref<!tpu.dma_semaphore, #tpu.memory_space<semaphore_mem>>) src(%dma_wait3A_168 : memref<2x4x128xi32, #tpu.memory_space<hbm>>) dst(%arg6 : memref<2x4x128xi32, #tpu.memory_space<vmem>>)
        tpu.yield
      }) : () -> ()
      %dma_start3A = arith.constant 0 : i32
      %dma_start3A_23 = arith.constant 0 : i32
      %dma_start3A_24 = arith.constant 0 : i32
      %dma_start3A_25 = tpu.memref_slice %arg6[%dma_start3A, %dma_start3A_23, %dma_start3A_24] : memref<2x4x128xi32, #tpu.memory_space<vmem>> -> memref<1x1x128xi32, #tpu.memory_space<vmem>>
      %dma_start3A_26 = tpu.memref_squeeze %dma_start3A_25 : memref<1x1x128xi32, #tpu.memory_space<vmem>> -> memref<128xi32, #tpu.memory_space<vmem>>
      %dma_start3A_27 = arith.constant 0 : i32
      %dma_start3A_28 = arith.constant 0 : i32
      %dma_start3A_29 = tpu.memref_slice %arg2[%dma_start3A_27, %dma_start3A_28] : memref<20000x128xf32, #tpu.memory_space<hbm>> -> memref<20000x128xf32, #tpu.memory_space<hbm>>
      tpu.enqueue_indirect_dma source(%dma_start3A_29 : memref<20000x128xf32, #tpu.memory_space<hbm>>) target(%arg7 : memref<128x128xf32, #tpu.memory_space<vmem>>) offsets(%dma_start3A_26 : memref<128xi32, #tpu.memory_space<vmem>>) semaphore(%arg11 : memref<!tpu.dma_semaphore, #tpu.memory_space<semaphore_mem>>)
      %dma_start3A_30 = arith.constant 0 : i32
      %dma_start3A_31 = arith.constant 1 : i32
      %dma_start3A_32 = arith.constant 0 : i32
      %dma_start3A_33 = tpu.memref_slice %arg6[%dma_start3A_30, %dma_start3A_31, %dma_start3A_32] : memref<2x4x128xi32, #tpu.memory_space<vmem>> -> memref<1x1x128xi32, #tpu.memory_space<vmem>>
      %dma_start3A_34 = tpu.memref_squeeze %dma_start3A_33 : memref<1x1x128xi32, #tpu.memory_space<vmem>> -> memref<128xi32, #tpu.memory_space<vmem>>
      %dma_start3A_35 = arith.constant 0 : i32
      %dma_start3A_36 = arith.constant 0 : i32
      %dma_start3A_37 = tpu.memref_slice %arg2[%dma_start3A_35, %dma_start3A_36] : memref<20000x128xf32, #tpu.memory_space<hbm>> -> memref<20000x128xf32, #tpu.memory_space<hbm>>
      tpu.enqueue_indirect_dma source(%dma_start3A_37 : memref<20000x128xf32, #tpu.memory_space<hbm>>) target(%arg8 : memref<128x128xf32, #tpu.memory_space<vmem>>) offsets(%dma_start3A_34 : memref<128xi32, #tpu.memory_space<vmem>>) semaphore(%arg12 : memref<!tpu.dma_semaphore, #tpu.memory_space<semaphore_mem>>)
      %dma_wait3A = arith.constant 0 : i32
      %dma_wait3A_38 = arith.constant 0 : i32
      %dma_wait3A_39 = arith.constant 0 : i32
      %dma_wait3A_40 = tpu.memref_slice %arg6[%dma_wait3A, %dma_wait3A_38, %dma_wait3A_39] : memref<2x4x128xi32, #tpu.memory_space<vmem>> -> memref<1x1x128xi32, #tpu.memory_space<vmem>>
      %dma_wait3A_41 = tpu.memref_squeeze %dma_wait3A_40 : memref<1x1x128xi32, #tpu.memory_space<vmem>> -> memref<128xi32, #tpu.memory_space<vmem>>
      %dma_wait3A_42 = arith.constant 0 : i32
      %dma_wait3A_43 = arith.constant 0 : i32
      %dma_wait3A_44 = tpu.memref_slice %arg2[%dma_wait3A_42, %dma_wait3A_43] : memref<20000x128xf32, #tpu.memory_space<hbm>> -> memref<20000x128xf32, #tpu.memory_space<hbm>>
      tpu.wait_indirect_dma semaphore(%arg11 : memref<!tpu.dma_semaphore, #tpu.memory_space<semaphore_mem>>) src(%dma_wait3A_44 : memref<20000x128xf32, #tpu.memory_space<hbm>>) dst(%arg7 : memref<128x128xf32, #tpu.memory_space<vmem>>)
      %dma_start3A_45 = arith.constant 0 : i32
      %dma_start3A_46 = arith.constant 2 : i32
      %dma_start3A_47 = arith.constant 0 : i32
      %dma_start3A_48 = tpu.memref_slice %arg6[%dma_start3A_45, %dma_start3A_46, %dma_start3A_47] : memref<2x4x128xi32, #tpu.memory_space<vmem>> -> memref<1x1x128xi32, #tpu.memory_space<vmem>>
      %dma_start3A_49 = tpu.memref_squeeze %dma_start3A_48 : memref<1x1x128xi32, #tpu.memory_space<vmem>> -> memref<128xi32, #tpu.memory_space<vmem>>
      %dma_start3A_50 = arith.constant 0 : i32
      %dma_start3A_51 = arith.constant 0 : i32
      %dma_start3A_52 = tpu.memref_slice %arg2[%dma_start3A_50, %dma_start3A_51] : memref<20000x128xf32, #tpu.memory_space<hbm>> -> memref<20000x128xf32, #tpu.memory_space<hbm>>
      tpu.enqueue_indirect_dma source(%dma_start3A_52 : memref<20000x128xf32, #tpu.memory_space<hbm>>) target(%arg9 : memref<128x128xf32, #tpu.memory_space<vmem>>) offsets(%dma_start3A_49 : memref<128xi32, #tpu.memory_space<vmem>>) semaphore(%arg13 : memref<!tpu.dma_semaphore, #tpu.memory_space<semaphore_mem>>)
      %dma_start3A_53 = arith.constant 1 : i32
      %dma_start3A_54 = arith.constant 0 : i32
      %dma_start3A_55 = arith.constant 0 : i32
      %dma_start3A_56 = tpu.memref_slice %arg6[%dma_start3A_53, %dma_start3A_54, %dma_start3A_55] : memref<2x4x128xi32, #tpu.memory_space<vmem>> -> memref<1x1x128xi32, #tpu.memory_space<vmem>>
      %dma_start3A_57 = tpu.memref_squeeze %dma_start3A_56 : memref<1x1x128xi32, #tpu.memory_space<vmem>> -> memref<128xi32, #tpu.memory_space<vmem>>
      %dma_start3A_58 = arith.constant 0 : i32
      %dma_start3A_59 = arith.constant 0 : i32
      %dma_start3A_60 = tpu.memref_slice %arg10[%dma_start3A_58, %dma_start3A_59] : memref<10016x128xf32, #tpu.memory_space<vmem_shared>> -> memref<10016x128xf32, #tpu.memory_space<vmem_shared>>
      tpu.enqueue_indirect_dma source(%arg7 : memref<128x128xf32, #tpu.memory_space<vmem>>) target(%dma_start3A_60 : memref<10016x128xf32, #tpu.memory_space<vmem_shared>>) offsets(%dma_start3A_57 : memref<128xi32, #tpu.memory_space<vmem>>) semaphore(%arg14 : memref<!tpu.dma_semaphore, #tpu.memory_space<semaphore_mem>>) {add = true}
      %dma_wait3A_61 = arith.constant 0 : i32
      %dma_wait3A_62 = arith.constant 1 : i32
      %dma_wait3A_63 = arith.constant 0 : i32
      %dma_wait3A_64 = tpu.memref_slice %arg6[%dma_wait3A_61, %dma_wait3A_62, %dma_wait3A_63] : memref<2x4x128xi32, #tpu.memory_space<vmem>> -> memref<1x1x128xi32, #tpu.memory_space<vmem>>
      %dma_wait3A_65 = tpu.memref_squeeze %dma_wait3A_64 : memref<1x1x128xi32, #tpu.memory_space<vmem>> -> memref<128xi32, #tpu.memory_space<vmem>>
      %dma_wait3A_66 = arith.constant 0 : i32
      %dma_wait3A_67 = arith.constant 0 : i32
      %dma_wait3A_68 = tpu.memref_slice %arg2[%dma_wait3A_66, %dma_wait3A_67] : memref<20000x128xf32, #tpu.memory_space<hbm>> -> memref<20000x128xf32, #tpu.memory_space<hbm>>
      tpu.wait_indirect_dma semaphore(%arg12 : memref<!tpu.dma_semaphore, #tpu.memory_space<semaphore_mem>>) src(%dma_wait3A_68 : memref<20000x128xf32, #tpu.memory_space<hbm>>) dst(%arg8 : memref<128x128xf32, #tpu.memory_space<vmem>>)
      %dma_wait3A_69 = arith.constant 1 : i32
      %dma_wait3A_70 = arith.constant 0 : i32
      %dma_wait3A_71 = arith.constant 0 : i32
      %dma_wait3A_72 = tpu.memref_slice %arg6[%dma_wait3A_69, %dma_wait3A_70, %dma_wait3A_71] : memref<2x4x128xi32, #tpu.memory_space<vmem>> -> memref<1x1x128xi32, #tpu.memory_space<vmem>>
      %dma_wait3A_73 = tpu.memref_squeeze %dma_wait3A_72 : memref<1x1x128xi32, #tpu.memory_space<vmem>> -> memref<128xi32, #tpu.memory_space<vmem>>
      %dma_wait3A_74 = arith.constant 0 : i32
      %dma_wait3A_75 = arith.constant 0 : i32
      %dma_wait3A_76 = tpu.memref_slice %arg10[%dma_wait3A_74, %dma_wait3A_75] : memref<10016x128xf32, #tpu.memory_space<vmem_shared>> -> memref<10016x128xf32, #tpu.memory_space<vmem_shared>>
      tpu.wait_indirect_dma semaphore(%arg14 : memref<!tpu.dma_semaphore, #tpu.memory_space<semaphore_mem>>) src(%arg7 : memref<128x128xf32, #tpu.memory_space<vmem>>) dst(%dma_wait3A_76 : memref<10016x128xf32, #tpu.memory_space<vmem_shared>>)
      %dma_start3A_77 = arith.constant 0 : i32
      %dma_start3A_78 = arith.constant 3 : i32
      %dma_start3A_79 = arith.constant 0 : i32
      %dma_start3A_80 = tpu.memref_slice %arg6[%dma_start3A_77, %dma_start3A_78, %dma_start3A_79] : memref<2x4x128xi32, #tpu.memory_space<vmem>> -> memref<1x1x128xi32, #tpu.memory_space<vmem>>
      %dma_start3A_81 = tpu.memref_squeeze %dma_start3A_80 : memref<1x1x128xi32, #tpu.memory_space<vmem>> -> memref<128xi32, #tpu.memory_space<vmem>>
      %dma_start3A_82 = arith.constant 0 : i32
      %dma_start3A_83 = arith.constant 0 : i32
      %dma_start3A_84 = tpu.memref_slice %arg2[%dma_start3A_82, %dma_start3A_83] : memref<20000x128xf32, #tpu.memory_space<hbm>> -> memref<20000x128xf32, #tpu.memory_space<hbm>>
      tpu.enqueue_indirect_dma source(%dma_start3A_84 : memref<20000x128xf32, #tpu.memory_space<hbm>>) target(%arg7 : memref<128x128xf32, #tpu.memory_space<vmem>>) offsets(%dma_start3A_81 : memref<128xi32, #tpu.memory_space<vmem>>) semaphore(%arg11 : memref<!tpu.dma_semaphore, #tpu.memory_space<semaphore_mem>>)
      %dma_start3A_85 = arith.constant 1 : i32
      %dma_start3A_86 = arith.constant 1 : i32
      %dma_start3A_87 = arith.constant 0 : i32
      %dma_start3A_88 = tpu.memref_slice %arg6[%dma_start3A_85, %dma_start3A_86, %dma_start3A_87] : memref<2x4x128xi32, #tpu.memory_space<vmem>> -> memref<1x1x128xi32, #tpu.memory_space<vmem>>
      %dma_start3A_89 = tpu.memref_squeeze %dma_start3A_88 : memref<1x1x128xi32, #tpu.memory_space<vmem>> -> memref<128xi32, #tpu.memory_space<vmem>>
      %dma_start3A_90 = arith.constant 0 : i32
      %dma_start3A_91 = arith.constant 0 : i32
      %dma_start3A_92 = tpu.memref_slice %arg10[%dma_start3A_90, %dma_start3A_91] : memref<10016x128xf32, #tpu.memory_space<vmem_shared>> -> memref<10016x128xf32, #tpu.memory_space<vmem_shared>>
      tpu.enqueue_indirect_dma source(%arg8 : memref<128x128xf32, #tpu.memory_space<vmem>>) target(%dma_start3A_92 : memref<10016x128xf32, #tpu.memory_space<vmem_shared>>) offsets(%dma_start3A_89 : memref<128xi32, #tpu.memory_space<vmem>>) semaphore(%arg15 : memref<!tpu.dma_semaphore, #tpu.memory_space<semaphore_mem>>) {add = true}
      %dma_wait3A_93 = arith.constant 0 : i32
      %dma_wait3A_94 = arith.constant 2 : i32
      %dma_wait3A_95 = arith.constant 0 : i32
      %dma_wait3A_96 = tpu.memref_slice %arg6[%dma_wait3A_93, %dma_wait3A_94, %dma_wait3A_95] : memref<2x4x128xi32, #tpu.memory_space<vmem>> -> memref<1x1x128xi32, #tpu.memory_space<vmem>>
      %dma_wait3A_97 = tpu.memref_squeeze %dma_wait3A_96 : memref<1x1x128xi32, #tpu.memory_space<vmem>> -> memref<128xi32, #tpu.memory_space<vmem>>
      %dma_wait3A_98 = arith.constant 0 : i32
      %dma_wait3A_99 = arith.constant 0 : i32
      %dma_wait3A_100 = tpu.memref_slice %arg2[%dma_wait3A_98, %dma_wait3A_99] : memref<20000x128xf32, #tpu.memory_space<hbm>> -> memref<20000x128xf32, #tpu.memory_space<hbm>>
      tpu.wait_indirect_dma semaphore(%arg13 : memref<!tpu.dma_semaphore, #tpu.memory_space<semaphore_mem>>) src(%dma_wait3A_100 : memref<20000x128xf32, #tpu.memory_space<hbm>>) dst(%arg9 : memref<128x128xf32, #tpu.memory_space<vmem>>)
      %dma_start3A_101 = arith.constant 1 : i32
      %dma_start3A_102 = arith.constant 2 : i32
      %dma_start3A_103 = arith.constant 0 : i32
      %dma_start3A_104 = tpu.memref_slice %arg6[%dma_start3A_101, %dma_start3A_102, %dma_start3A_103] : memref<2x4x128xi32, #tpu.memory_space<vmem>> -> memref<1x1x128xi32, #tpu.memory_space<vmem>>
      %dma_start3A_105 = tpu.memref_squeeze %dma_start3A_104 : memref<1x1x128xi32, #tpu.memory_space<vmem>> -> memref<128xi32, #tpu.memory_space<vmem>>
      %dma_start3A_106 = arith.constant 0 : i32
      %dma_start3A_107 = arith.constant 0 : i32
      %dma_start3A_108 = tpu.memref_slice %arg10[%dma_start3A_106, %dma_start3A_107] : memref<10016x128xf32, #tpu.memory_space<vmem_shared>> -> memref<10016x128xf32, #tpu.memory_space<vmem_shared>>
      tpu.enqueue_indirect_dma source(%arg9 : memref<128x128xf32, #tpu.memory_space<vmem>>) target(%dma_start3A_108 : memref<10016x128xf32, #tpu.memory_space<vmem_shared>>) offsets(%dma_start3A_105 : memref<128xi32, #tpu.memory_space<vmem>>) semaphore(%arg16 : memref<!tpu.dma_semaphore, #tpu.memory_space<semaphore_mem>>) {add = true}
      %dma_wait3A_109 = arith.constant 0 : i32
      %dma_wait3A_110 = arith.constant 3 : i32
      %dma_wait3A_111 = arith.constant 0 : i32
      %dma_wait3A_112 = tpu.memref_slice %arg6[%dma_wait3A_109, %dma_wait3A_110, %dma_wait3A_111] : memref<2x4x128xi32, #tpu.memory_space<vmem>> -> memref<1x1x128xi32, #tpu.memory_space<vmem>>
      %dma_wait3A_113 = tpu.memref_squeeze %dma_wait3A_112 : memref<1x1x128xi32, #tpu.memory_space<vmem>> -> memref<128xi32, #tpu.memory_space<vmem>>
      %dma_wait3A_114 = arith.constant 0 : i32
      %dma_wait3A_115 = arith.constant 0 : i32
      %dma_wait3A_116 = tpu.memref_slice %arg2[%dma_wait3A_114, %dma_wait3A_115] : memref<20000x128xf32, #tpu.memory_space<hbm>> -> memref<20000x128xf32, #tpu.memory_space<hbm>>
      tpu.wait_indirect_dma semaphore(%arg11 : memref<!tpu.dma_semaphore, #tpu.memory_space<semaphore_mem>>) src(%dma_wait3A_116 : memref<20000x128xf32, #tpu.memory_space<hbm>>) dst(%arg7 : memref<128x128xf32, #tpu.memory_space<vmem>>)
      %dma_start3A_117 = arith.constant 1 : i32
      %dma_start3A_118 = arith.constant 3 : i32
      %dma_start3A_119 = arith.constant 0 : i32
      %dma_start3A_120 = tpu.memref_slice %arg6[%dma_start3A_117, %dma_start3A_118, %dma_start3A_119] : memref<2x4x128xi32, #tpu.memory_space<vmem>> -> memref<1x1x128xi32, #tpu.memory_space<vmem>>
      %dma_start3A_121 = tpu.memref_squeeze %dma_start3A_120 : memref<1x1x128xi32, #tpu.memory_space<vmem>> -> memref<128xi32, #tpu.memory_space<vmem>>
      %dma_start3A_122 = arith.constant 0 : i32
      %dma_start3A_123 = arith.constant 0 : i32
      %dma_start3A_124 = tpu.memref_slice %arg10[%dma_start3A_122, %dma_start3A_123] : memref<10016x128xf32, #tpu.memory_space<vmem_shared>> -> memref<10016x128xf32, #tpu.memory_space<vmem_shared>>
      tpu.enqueue_indirect_dma source(%arg7 : memref<128x128xf32, #tpu.memory_space<vmem>>) target(%dma_start3A_124 : memref<10016x128xf32, #tpu.memory_space<vmem_shared>>) offsets(%dma_start3A_121 : memref<128xi32, #tpu.memory_space<vmem>>) semaphore(%arg14 : memref<!tpu.dma_semaphore, #tpu.memory_space<semaphore_mem>>) {add = true}
      %dma_wait3A_125 = arith.constant 1 : i32
      %dma_wait3A_126 = arith.constant 1 : i32
      %dma_wait3A_127 = arith.constant 0 : i32
      %dma_wait3A_128 = tpu.memref_slice %arg6[%dma_wait3A_125, %dma_wait3A_126, %dma_wait3A_127] : memref<2x4x128xi32, #tpu.memory_space<vmem>> -> memref<1x1x128xi32, #tpu.memory_space<vmem>>
      %dma_wait3A_129 = tpu.memref_squeeze %dma_wait3A_128 : memref<1x1x128xi32, #tpu.memory_space<vmem>> -> memref<128xi32, #tpu.memory_space<vmem>>
      %dma_wait3A_130 = arith.constant 0 : i32
      %dma_wait3A_131 = arith.constant 0 : i32
      %dma_wait3A_132 = tpu.memref_slice %arg10[%dma_wait3A_130, %dma_wait3A_131] : memref<10016x128xf32, #tpu.memory_space<vmem_shared>> -> memref<10016x128xf32, #tpu.memory_space<vmem_shared>>
      tpu.wait_indirect_dma semaphore(%arg15 : memref<!tpu.dma_semaphore, #tpu.memory_space<semaphore_mem>>) src(%arg8 : memref<128x128xf32, #tpu.memory_space<vmem>>) dst(%dma_wait3A_132 : memref<10016x128xf32, #tpu.memory_space<vmem_shared>>)
      %dma_wait3A_133 = arith.constant 1 : i32
      %dma_wait3A_134 = arith.constant 2 : i32
      %dma_wait3A_135 = arith.constant 0 : i32
      %dma_wait3A_136 = tpu.memref_slice %arg6[%dma_wait3A_133, %dma_wait3A_134, %dma_wait3A_135] : memref<2x4x128xi32, #tpu.memory_space<vmem>> -> memref<1x1x128xi32, #tpu.memory_space<vmem>>
      %dma_wait3A_137 = tpu.memref_squeeze %dma_wait3A_136 : memref<1x1x128xi32, #tpu.memory_space<vmem>> -> memref<128xi32, #tpu.memory_space<vmem>>
      %dma_wait3A_138 = arith.constant 0 : i32
      %dma_wait3A_139 = arith.constant 0 : i32
      %dma_wait3A_140 = tpu.memref_slice %arg10[%dma_wait3A_138, %dma_wait3A_139] : memref<10016x128xf32, #tpu.memory_space<vmem_shared>> -> memref<10016x128xf32, #tpu.memory_space<vmem_shared>>
      tpu.wait_indirect_dma semaphore(%arg16 : memref<!tpu.dma_semaphore, #tpu.memory_space<semaphore_mem>>) src(%arg9 : memref<128x128xf32, #tpu.memory_space<vmem>>) dst(%dma_wait3A_140 : memref<10016x128xf32, #tpu.memory_space<vmem_shared>>)
      %dma_wait3A_141 = arith.constant 1 : i32
      %dma_wait3A_142 = arith.constant 3 : i32
      %dma_wait3A_143 = arith.constant 0 : i32
      %dma_wait3A_144 = tpu.memref_slice %arg6[%dma_wait3A_141, %dma_wait3A_142, %dma_wait3A_143] : memref<2x4x128xi32, #tpu.memory_space<vmem>> -> memref<1x1x128xi32, #tpu.memory_space<vmem>>
      %dma_wait3A_145 = tpu.memref_squeeze %dma_wait3A_144 : memref<1x1x128xi32, #tpu.memory_space<vmem>> -> memref<128xi32, #tpu.memory_space<vmem>>
      %dma_wait3A_146 = arith.constant 0 : i32
      %dma_wait3A_147 = arith.constant 0 : i32
      %dma_wait3A_148 = tpu.memref_slice %arg10[%dma_wait3A_146, %dma_wait3A_147] : memref<10016x128xf32, #tpu.memory_space<vmem_shared>> -> memref<10016x128xf32, #tpu.memory_space<vmem_shared>>
      tpu.wait_indirect_dma semaphore(%arg14 : memref<!tpu.dma_semaphore, #tpu.memory_space<semaphore_mem>>) src(%arg7 : memref<128x128xf32, #tpu.memory_space<vmem>>) dst(%dma_wait3A_148 : memref<10016x128xf32, #tpu.memory_space<vmem_shared>>)
    }
    %scan3A_10 = arith.constant 40 : i32
    %barrier3A_11 = arith.constant 0 : index
    tpu.barrier barrier_id(%barrier3A_11)
    %lt3A_12 = arith.constant 15 : i32
    %lt3A_13 = arith.cmpi slt, %arg1, %lt3A_12 : i32
    %convert_element_type3A_14 = arith.extui %lt3A_13 : i1 to i32
    %cond3A_15 = arith.constant 0 : i32
    %cond3A_16 = arith.cmpi ne, %convert_element_type3A_14, %cond3A_15 : i32
    scf.if %cond3A_16 {
      %mul3A = arith.constant 632 : i32
      %mul3A_22 = arith.muli %arg1, %mul3A : i32
      "tpu.region"() ({
        %run_scoped3A = tpu.sem_alloc : memref<!tpu.dma_semaphore, #tpu.memory_space<semaphore_mem>>
        %dma_start3A = arith.constant 0 : i32
        %dma_start3A_23 = tpu.memref_slice %arg5[%arg0, %mul3A_22, %dma_start3A] : memref<2x10016x128xf32, #tpu.memory_space<hbm>> -> memref<1x632x128xf32, #tpu.memory_space<hbm>>
        %dma_start3A_24 = tpu.memref_squeeze %dma_start3A_23 : memref<1x632x128xf32, #tpu.memory_space<hbm>> -> memref<632x128xf32, #tpu.memory_space<hbm>>
        %dma_start3A_25 = arith.constant 0 : i32
        %dma_start3A_26 = tpu.memref_slice %arg10[%mul3A_22, %dma_start3A_25] : memref<10016x128xf32, #tpu.memory_space<vmem_shared>> -> memref<632x128xf32, #tpu.memory_space<vmem_shared>>
        tpu.enqueue_dma source(%dma_start3A_26 : memref<632x128xf32, #tpu.memory_space<vmem_shared>>) target(%dma_start3A_24 : memref<632x128xf32, #tpu.memory_space<hbm>>) target_semaphore(%run_scoped3A : memref<!tpu.dma_semaphore, #tpu.memory_space<semaphore_mem>>)
        %dma_wait3A = arith.constant 0 : i32
        %dma_wait3A_27 = tpu.memref_slice %arg5[%arg0, %mul3A_22, %dma_wait3A] : memref<2x10016x128xf32, #tpu.memory_space<hbm>> -> memref<1x632x128xf32, #tpu.memory_space<hbm>>
        %dma_wait3A_28 = tpu.memref_squeeze %dma_wait3A_27 : memref<1x632x128xf32, #tpu.memory_space<hbm>> -> memref<632x128xf32, #tpu.memory_space<hbm>>
        %dma_wait3A_29 = arith.constant 0 : i32
        %dma_wait3A_30 = tpu.memref_slice %arg10[%mul3A_22, %dma_wait3A_29] : memref<10016x128xf32, #tpu.memory_space<vmem_shared>> -> memref<632x128xf32, #tpu.memory_space<vmem_shared>>
        tpu.wait_dma2 semaphore(%run_scoped3A : memref<!tpu.dma_semaphore, #tpu.memory_space<semaphore_mem>>) src(%dma_wait3A_30 : memref<632x128xf32, #tpu.memory_space<vmem_shared>>) dst(%dma_wait3A_28 : memref<632x128xf32, #tpu.memory_space<hbm>>)
        tpu.yield
      }) : () -> ()
    } else {
    }
    %eq3A_17 = arith.constant 15 : i32
    %eq3A_18 = arith.cmpi eq, %arg1, %eq3A_17 : i32
    %convert_element_type3A_19 = arith.extui %eq3A_18 : i1 to i32
    %cond3A_20 = arith.constant 0 : i32
    %cond3A_21 = arith.cmpi ne, %convert_element_type3A_19, %cond3A_20 : i32
    scf.if %cond3A_21 {
      "tpu.region"() ({
        %run_scoped3A = tpu.sem_alloc : memref<!tpu.dma_semaphore, #tpu.memory_space<semaphore_mem>>
        %dma_start3A = arith.constant 9480 : i32
        %dma_start3A_22 = arith.constant 0 : i32
        %dma_start3A_23 = tpu.memref_slice %arg5[%arg0, %dma_start3A, %dma_start3A_22] : memref<2x10016x128xf32, #tpu.memory_space<hbm>> -> memref<1x536x128xf32, #tpu.memory_space<hbm>>
        %dma_start3A_24 = tpu.memref_squeeze %dma_start3A_23 : memref<1x536x128xf32, #tpu.memory_space<hbm>> -> memref<536x128xf32, #tpu.memory_space<hbm>>
        %dma_start3A_25 = arith.constant 9480 : i32
        %dma_start3A_26 = arith.constant 0 : i32
        %dma_start3A_27 = tpu.memref_slice %arg10[%dma_start3A_25, %dma_start3A_26] : memref<10016x128xf32, #tpu.memory_space<vmem_shared>> -> memref<536x128xf32, #tpu.memory_space<vmem_shared>>
        tpu.enqueue_dma source(%dma_start3A_27 : memref<536x128xf32, #tpu.memory_space<vmem_shared>>) target(%dma_start3A_24 : memref<536x128xf32, #tpu.memory_space<hbm>>) target_semaphore(%run_scoped3A : memref<!tpu.dma_semaphore, #tpu.memory_space<semaphore_mem>>)
        %dma_wait3A = arith.constant 9480 : i32
        %dma_wait3A_28 = arith.constant 0 : i32
        %dma_wait3A_29 = tpu.memref_slice %arg5[%arg0, %dma_wait3A, %dma_wait3A_28] : memref<2x10016x128xf32, #tpu.memory_space<hbm>> -> memref<1x536x128xf32, #tpu.memory_space<hbm>>
        %dma_wait3A_30 = tpu.memref_squeeze %dma_wait3A_29 : memref<1x536x128xf32, #tpu.memory_space<hbm>> -> memref<536x128xf32, #tpu.memory_space<hbm>>
        %dma_wait3A_31 = arith.constant 9480 : i32
        %dma_wait3A_32 = arith.constant 0 : i32
        %dma_wait3A_33 = tpu.memref_slice %arg10[%dma_wait3A_31, %dma_wait3A_32] : memref<10016x128xf32, #tpu.memory_space<vmem_shared>> -> memref<536x128xf32, #tpu.memory_space<vmem_shared>>
        tpu.wait_dma2 semaphore(%run_scoped3A : memref<!tpu.dma_semaphore, #tpu.memory_space<semaphore_mem>>) src(%dma_wait3A_33 : memref<536x128xf32, #tpu.memory_space<vmem_shared>>) dst(%dma_wait3A_30 : memref<536x128xf32, #tpu.memory_space<hbm>>)
        tpu.yield
      }) : () -> ()
    } else {
    }
    return
  }
}

#map = affine_map<(d0, d1) -> (0, 0, 0, 0, 0, 0)>
#map1 = affine_map<(d0, d1) -> (0, 0)>
#map2 = affine_map<(d0, d1) -> (0, 0, 0)>
module attributes {stable_mosaic.version = 14 : i64} {
  func.func @_sc_count_body(%arg0: i32, %arg1: i32, %arg2: memref<2x16x40x2x4x128xi32, #tpu.memory_space<hbm>>, %arg3: memref<128x128xf32, #tpu.memory_space<hbm>>, %arg4: memref<10016x128xf32, #tpu.memory_space<hbm>>, %arg5: memref<2x10016x128xf32, #tpu.memory_space<hbm>>, %arg6: memref<4x128xi32, #tpu.memory_space<vmem>>, %arg7: memref<128x128xf32, #tpu.memory_space<vmem>>, %arg8: memref<10016x128xf32, #tpu.memory_space<vmem_shared>>) attributes {dimension_semantics = [#tpu.dimension_semantics<core_parallel>, #tpu.dimension_semantics<subcore_parallel>], iteration_bounds = array<i64: 2, 16>, scalar_prefetch = 0 : i64, scratch_operands = 3 : i64, tpu.core_type = #tpu.core_type<sc_vector_subcore>, window_params = [{transform_indices = #map}, {transform_indices = #map1}, {transform_indices = #map1}, {transform_indices = #map2}]} {
    %lt3A = arith.constant 15 : i32
    %lt3A_0 = arith.cmpi slt, %arg1, %lt3A : i32
    %convert_element_type3A = arith.extui %lt3A_0 : i1 to i32
    %cond3A = arith.constant 0 : i32
    %cond3A_1 = arith.cmpi ne, %convert_element_type3A, %cond3A : i32
    scf.if %cond3A_1 {
      %mul3A = arith.constant 632 : i32
      %mul3A_22 = arith.muli %arg1, %mul3A : i32
      "tpu.region"() ({
        %run_scoped3A = tpu.sem_alloc : memref<!tpu.dma_semaphore, #tpu.memory_space<semaphore_mem>>
        %dma_start3A = arith.constant 0 : i32
        %dma_start3A_23 = tpu.memref_slice %arg8[%mul3A_22, %dma_start3A] : memref<10016x128xf32, #tpu.memory_space<vmem_shared>> -> memref<632x128xf32, #tpu.memory_space<vmem_shared>>
        %dma_start3A_24 = arith.constant 0 : i32
        %dma_start3A_25 = tpu.memref_slice %arg4[%mul3A_22, %dma_start3A_24] : memref<10016x128xf32, #tpu.memory_space<hbm>> -> memref<632x128xf32, #tpu.memory_space<hbm>>
        tpu.enqueue_dma source(%dma_start3A_25 : memref<632x128xf32, #tpu.memory_space<hbm>>) target(%dma_start3A_23 : memref<632x128xf32, #tpu.memory_space<vmem_shared>>) target_semaphore(%run_scoped3A : memref<!tpu.dma_semaphore, #tpu.memory_space<semaphore_mem>>)
        %dma_wait3A = arith.constant 0 : i32
        %dma_wait3A_26 = tpu.memref_slice %arg8[%mul3A_22, %dma_wait3A] : memref<10016x128xf32, #tpu.memory_space<vmem_shared>> -> memref<632x128xf32, #tpu.memory_space<vmem_shared>>
        %dma_wait3A_27 = arith.constant 0 : i32
        %dma_wait3A_28 = tpu.memref_slice %arg4[%mul3A_22, %dma_wait3A_27] : memref<10016x128xf32, #tpu.memory_space<hbm>> -> memref<632x128xf32, #tpu.memory_space<hbm>>
        tpu.wait_dma2 semaphore(%run_scoped3A : memref<!tpu.dma_semaphore, #tpu.memory_space<semaphore_mem>>) src(%dma_wait3A_28 : memref<632x128xf32, #tpu.memory_space<hbm>>) dst(%dma_wait3A_26 : memref<632x128xf32, #tpu.memory_space<vmem_shared>>)
        tpu.yield
      }) : () -> ()
    } else {
    }
    %eq3A = arith.constant 15 : i32
    %eq3A_2 = arith.cmpi eq, %arg1, %eq3A : i32
    %convert_element_type3A_3 = arith.extui %eq3A_2 : i1 to i32
    %cond3A_4 = arith.constant 0 : i32
    %cond3A_5 = arith.cmpi ne, %convert_element_type3A_3, %cond3A_4 : i32
    scf.if %cond3A_5 {
      "tpu.region"() ({
        %run_scoped3A = tpu.sem_alloc : memref<!tpu.dma_semaphore, #tpu.memory_space<semaphore_mem>>
        %dma_start3A = arith.constant 9480 : i32
        %dma_start3A_22 = arith.constant 0 : i32
        %dma_start3A_23 = tpu.memref_slice %arg8[%dma_start3A, %dma_start3A_22] : memref<10016x128xf32, #tpu.memory_space<vmem_shared>> -> memref<536x128xf32, #tpu.memory_space<vmem_shared>>
        %dma_start3A_24 = arith.constant 9480 : i32
        %dma_start3A_25 = arith.constant 0 : i32
        %dma_start3A_26 = tpu.memref_slice %arg4[%dma_start3A_24, %dma_start3A_25] : memref<10016x128xf32, #tpu.memory_space<hbm>> -> memref<536x128xf32, #tpu.memory_space<hbm>>
        tpu.enqueue_dma source(%dma_start3A_26 : memref<536x128xf32, #tpu.memory_space<hbm>>) target(%dma_start3A_23 : memref<536x128xf32, #tpu.memory_space<vmem_shared>>) target_semaphore(%run_scoped3A : memref<!tpu.dma_semaphore, #tpu.memory_space<semaphore_mem>>)
        %dma_wait3A = arith.constant 9480 : i32
        %dma_wait3A_27 = arith.constant 0 : i32
        %dma_wait3A_28 = tpu.memref_slice %arg8[%dma_wait3A, %dma_wait3A_27] : memref<10016x128xf32, #tpu.memory_space<vmem_shared>> -> memref<536x128xf32, #tpu.memory_space<vmem_shared>>
        %dma_wait3A_29 = arith.constant 9480 : i32
        %dma_wait3A_30 = arith.constant 0 : i32
        %dma_wait3A_31 = tpu.memref_slice %arg4[%dma_wait3A_29, %dma_wait3A_30] : memref<10016x128xf32, #tpu.memory_space<hbm>> -> memref<536x128xf32, #tpu.memory_space<hbm>>
        tpu.wait_dma2 semaphore(%run_scoped3A : memref<!tpu.dma_semaphore, #tpu.memory_space<semaphore_mem>>) src(%dma_wait3A_31 : memref<536x128xf32, #tpu.memory_space<hbm>>) dst(%dma_wait3A_28 : memref<536x128xf32, #tpu.memory_space<vmem_shared>>)
        tpu.yield
      }) : () -> ()
    } else {
    }
    "tpu.region"() ({
      %run_scoped3A = tpu.sem_alloc : memref<!tpu.dma_semaphore, #tpu.memory_space<semaphore_mem>>
      tpu.enqueue_dma source(%arg3 : memref<128x128xf32, #tpu.memory_space<hbm>>) target(%arg7 : memref<128x128xf32, #tpu.memory_space<vmem>>) target_semaphore(%run_scoped3A : memref<!tpu.dma_semaphore, #tpu.memory_space<semaphore_mem>>)
      tpu.wait_dma2 semaphore(%run_scoped3A : memref<!tpu.dma_semaphore, #tpu.memory_space<semaphore_mem>>) src(%arg3 : memref<128x128xf32, #tpu.memory_space<hbm>>) dst(%arg7 : memref<128x128xf32, #tpu.memory_space<vmem>>)
      tpu.yield
    }) : () -> ()
    %barrier3A = arith.constant 0 : index
    tpu.barrier barrier_id(%barrier3A)
    %scan3A = arith.constant 0 : i32
    %scan3A_6 = arith.constant 0 : i32
    %scan3A_7 = arith.constant 40 : i32
    %scan3A_8 = arith.addi %scan3A_6, %scan3A_7 : i32
    %scan3A_9 = arith.constant 1 : i32
    scf.for %scan3A_22 = %scan3A_6 to %scan3A_8 step %scan3A_9  : i32 {
      %run_scoped3A = arith.constant 1 : i32
      "tpu.region"() ({
        %run_scoped3A_28 = tpu.sem_alloc : memref<!tpu.dma_semaphore, #tpu.memory_space<semaphore_mem>>
        %dma_start3A = arith.constant 0 : i32
        %dma_start3A_29 = arith.constant 0 : i32
        %dma_start3A_30 = tpu.memref_slice %arg2[%arg0, %arg1, %scan3A_22, %run_scoped3A, %dma_start3A, %dma_start3A_29] : memref<2x16x40x2x4x128xi32, #tpu.memory_space<hbm>> -> memref<1x1x1x1x4x128xi32, #tpu.memory_space<hbm>>
        %dma_start3A_31 = tpu.memref_squeeze %dma_start3A_30 : memref<1x1x1x1x4x128xi32, #tpu.memory_space<hbm>> -> memref<4x128xi32, #tpu.memory_space<hbm>>
        %dma_start3A_32 = arith.constant 0 : i32
        %dma_start3A_33 = arith.constant 0 : i32
        %dma_start3A_34 = tpu.memref_slice %arg2[%arg0, %arg1, %scan3A_22, %run_scoped3A, %dma_start3A_32, %dma_start3A_33] : memref<2x16x40x2x4x128xi32, #tpu.memory_space<hbm>> -> memref<1x1x1x1x4x128xi32, #tpu.memory_space<hbm>>
        %dma_start3A_35 = tpu.memref_squeeze %dma_start3A_34 : memref<1x1x1x1x4x128xi32, #tpu.memory_space<hbm>> -> memref<4x128xi32, #tpu.memory_space<hbm>>
        tpu.enqueue_dma source(%dma_start3A_35 : memref<4x128xi32, #tpu.memory_space<hbm>>) target(%arg6 : memref<4x128xi32, #tpu.memory_space<vmem>>) target_semaphore(%run_scoped3A_28 : memref<!tpu.dma_semaphore, #tpu.memory_space<semaphore_mem>>)
        %dma_wait3A = arith.constant 0 : i32
        %dma_wait3A_36 = arith.constant 0 : i32
        %dma_wait3A_37 = tpu.memref_slice %arg2[%arg0, %arg1, %scan3A_22, %run_scoped3A, %dma_wait3A, %dma_wait3A_36] : memref<2x16x40x2x4x128xi32, #tpu.memory_space<hbm>> -> memref<1x1x1x1x4x128xi32, #tpu.memory_space<hbm>>
        %dma_wait3A_38 = tpu.memref_squeeze %dma_wait3A_37 : memref<1x1x1x1x4x128xi32, #tpu.memory_space<hbm>> -> memref<4x128xi32, #tpu.memory_space<hbm>>
        %dma_wait3A_39 = arith.constant 0 : i32
        %dma_wait3A_40 = arith.constant 0 : i32
        %dma_wait3A_41 = tpu.memref_slice %arg2[%arg0, %arg1, %scan3A_22, %run_scoped3A, %dma_wait3A_39, %dma_wait3A_40] : memref<2x16x40x2x4x128xi32, #tpu.memory_space<hbm>> -> memref<1x1x1x1x4x128xi32, #tpu.memory_space<hbm>>
        %dma_wait3A_42 = tpu.memref_squeeze %dma_wait3A_41 : memref<1x1x1x1x4x128xi32, #tpu.memory_space<hbm>> -> memref<4x128xi32, #tpu.memory_space<hbm>>
        tpu.wait_dma2 semaphore(%run_scoped3A_28 : memref<!tpu.dma_semaphore, #tpu.memory_space<semaphore_mem>>) src(%dma_wait3A_42 : memref<4x128xi32, #tpu.memory_space<hbm>>) dst(%arg6 : memref<4x128xi32, #tpu.memory_space<vmem>>)
        tpu.yield
      }) : () -> ()
      %scan3A_23 = arith.constant 0 : i32
      %scan3A_24 = arith.constant 4 : i32
      %scan3A_25 = arith.addi %scan3A_23, %scan3A_24 : i32
      %scan3A_26 = arith.constant 1 : i32
      scf.for %scan3A_28 = %scan3A_23 to %scan3A_25 step %scan3A_26  : i32 {
        "tpu.region"() ({
          %run_scoped3A_29 = tpu.sem_alloc : memref<!tpu.dma_semaphore, #tpu.memory_space<semaphore_mem>>
          %dma_start3A = arith.constant 0 : i32
          %dma_start3A_30 = tpu.memref_slice %arg6[%scan3A_28, %dma_start3A] : memref<4x128xi32, #tpu.memory_space<vmem>> -> memref<1x128xi32, #tpu.memory_space<vmem>>
          %dma_start3A_31 = tpu.memref_squeeze %dma_start3A_30 : memref<1x128xi32, #tpu.memory_space<vmem>> -> memref<128xi32, #tpu.memory_space<vmem>>
          %dma_start3A_32 = arith.constant 0 : i32
          %dma_start3A_33 = arith.constant 0 : i32
          %dma_start3A_34 = tpu.memref_slice %arg8[%dma_start3A_32, %dma_start3A_33] : memref<10016x128xf32, #tpu.memory_space<vmem_shared>> -> memref<10016x128xf32, #tpu.memory_space<vmem_shared>>
          tpu.enqueue_indirect_dma source(%arg7 : memref<128x128xf32, #tpu.memory_space<vmem>>) target(%dma_start3A_34 : memref<10016x128xf32, #tpu.memory_space<vmem_shared>>) offsets(%dma_start3A_31 : memref<128xi32, #tpu.memory_space<vmem>>) semaphore(%run_scoped3A_29 : memref<!tpu.dma_semaphore, #tpu.memory_space<semaphore_mem>>) {add = true}
          %dma_wait3A = arith.constant 0 : i32
          %dma_wait3A_35 = tpu.memref_slice %arg6[%scan3A_28, %dma_wait3A] : memref<4x128xi32, #tpu.memory_space<vmem>> -> memref<1x128xi32, #tpu.memory_space<vmem>>
          %dma_wait3A_36 = tpu.memref_squeeze %dma_wait3A_35 : memref<1x128xi32, #tpu.memory_space<vmem>> -> memref<128xi32, #tpu.memory_space<vmem>>
          %dma_wait3A_37 = arith.constant 0 : i32
          %dma_wait3A_38 = arith.constant 0 : i32
          %dma_wait3A_39 = tpu.memref_slice %arg8[%dma_wait3A_37, %dma_wait3A_38] : memref<10016x128xf32, #tpu.memory_space<vmem_shared>> -> memref<10016x128xf32, #tpu.memory_space<vmem_shared>>
          tpu.wait_indirect_dma semaphore(%run_scoped3A_29 : memref<!tpu.dma_semaphore, #tpu.memory_space<semaphore_mem>>) src(%arg7 : memref<128x128xf32, #tpu.memory_space<vmem>>) dst(%dma_wait3A_39 : memref<10016x128xf32, #tpu.memory_space<vmem_shared>>)
          tpu.yield
        }) : () -> ()
      }
      %scan3A_27 = arith.constant 4 : i32
    }
    %scan3A_10 = arith.constant 40 : i32
    %barrier3A_11 = arith.constant 0 : index
    tpu.barrier barrier_id(%barrier3A_11)
    %lt3A_12 = arith.constant 15 : i32
    %lt3A_13 = arith.cmpi slt, %arg1, %lt3A_12 : i32
    %convert_element_type3A_14 = arith.extui %lt3A_13 : i1 to i32
    %cond3A_15 = arith.constant 0 : i32
    %cond3A_16 = arith.cmpi ne, %convert_element_type3A_14, %cond3A_15 : i32
    scf.if %cond3A_16 {
      %mul3A = arith.constant 632 : i32
      %mul3A_22 = arith.muli %arg1, %mul3A : i32
      "tpu.region"() ({
        %run_scoped3A = tpu.sem_alloc : memref<!tpu.dma_semaphore, #tpu.memory_space<semaphore_mem>>
        %dma_start3A = arith.constant 0 : i32
        %dma_start3A_23 = tpu.memref_slice %arg5[%arg0, %mul3A_22, %dma_start3A] : memref<2x10016x128xf32, #tpu.memory_space<hbm>> -> memref<1x632x128xf32, #tpu.memory_space<hbm>>
        %dma_start3A_24 = tpu.memref_squeeze %dma_start3A_23 : memref<1x632x128xf32, #tpu.memory_space<hbm>> -> memref<632x128xf32, #tpu.memory_space<hbm>>
        %dma_start3A_25 = arith.constant 0 : i32
        %dma_start3A_26 = tpu.memref_slice %arg8[%mul3A_22, %dma_start3A_25] : memref<10016x128xf32, #tpu.memory_space<vmem_shared>> -> memref<632x128xf32, #tpu.memory_space<vmem_shared>>
        tpu.enqueue_dma source(%dma_start3A_26 : memref<632x128xf32, #tpu.memory_space<vmem_shared>>) target(%dma_start3A_24 : memref<632x128xf32, #tpu.memory_space<hbm>>) target_semaphore(%run_scoped3A : memref<!tpu.dma_semaphore, #tpu.memory_space<semaphore_mem>>)
        %dma_wait3A = arith.constant 0 : i32
        %dma_wait3A_27 = tpu.memref_slice %arg5[%arg0, %mul3A_22, %dma_wait3A] : memref<2x10016x128xf32, #tpu.memory_space<hbm>> -> memref<1x632x128xf32, #tpu.memory_space<hbm>>
        %dma_wait3A_28 = tpu.memref_squeeze %dma_wait3A_27 : memref<1x632x128xf32, #tpu.memory_space<hbm>> -> memref<632x128xf32, #tpu.memory_space<hbm>>
        %dma_wait3A_29 = arith.constant 0 : i32
        %dma_wait3A_30 = tpu.memref_slice %arg8[%mul3A_22, %dma_wait3A_29] : memref<10016x128xf32, #tpu.memory_space<vmem_shared>> -> memref<632x128xf32, #tpu.memory_space<vmem_shared>>
        tpu.wait_dma2 semaphore(%run_scoped3A : memref<!tpu.dma_semaphore, #tpu.memory_space<semaphore_mem>>) src(%dma_wait3A_30 : memref<632x128xf32, #tpu.memory_space<vmem_shared>>) dst(%dma_wait3A_28 : memref<632x128xf32, #tpu.memory_space<hbm>>)
        tpu.yield
      }) : () -> ()
    } else {
    }
    %eq3A_17 = arith.constant 15 : i32
    %eq3A_18 = arith.cmpi eq, %arg1, %eq3A_17 : i32
    %convert_element_type3A_19 = arith.extui %eq3A_18 : i1 to i32
    %cond3A_20 = arith.constant 0 : i32
    %cond3A_21 = arith.cmpi ne, %convert_element_type3A_19, %cond3A_20 : i32
    scf.if %cond3A_21 {
      "tpu.region"() ({
        %run_scoped3A = tpu.sem_alloc : memref<!tpu.dma_semaphore, #tpu.memory_space<semaphore_mem>>
        %dma_start3A = arith.constant 9480 : i32
        %dma_start3A_22 = arith.constant 0 : i32
        %dma_start3A_23 = tpu.memref_slice %arg5[%arg0, %dma_start3A, %dma_start3A_22] : memref<2x10016x128xf32, #tpu.memory_space<hbm>> -> memref<1x536x128xf32, #tpu.memory_space<hbm>>
        %dma_start3A_24 = tpu.memref_squeeze %dma_start3A_23 : memref<1x536x128xf32, #tpu.memory_space<hbm>> -> memref<536x128xf32, #tpu.memory_space<hbm>>
        %dma_start3A_25 = arith.constant 9480 : i32
        %dma_start3A_26 = arith.constant 0 : i32
        %dma_start3A_27 = tpu.memref_slice %arg8[%dma_start3A_25, %dma_start3A_26] : memref<10016x128xf32, #tpu.memory_space<vmem_shared>> -> memref<536x128xf32, #tpu.memory_space<vmem_shared>>
        tpu.enqueue_dma source(%dma_start3A_27 : memref<536x128xf32, #tpu.memory_space<vmem_shared>>) target(%dma_start3A_24 : memref<536x128xf32, #tpu.memory_space<hbm>>) target_semaphore(%run_scoped3A : memref<!tpu.dma_semaphore, #tpu.memory_space<semaphore_mem>>)
        %dma_wait3A = arith.constant 9480 : i32
        %dma_wait3A_28 = arith.constant 0 : i32
        %dma_wait3A_29 = tpu.memref_slice %arg5[%arg0, %dma_wait3A, %dma_wait3A_28] : memref<2x10016x128xf32, #tpu.memory_space<hbm>> -> memref<1x536x128xf32, #tpu.memory_space<hbm>>
        %dma_wait3A_30 = tpu.memref_squeeze %dma_wait3A_29 : memref<1x536x128xf32, #tpu.memory_space<hbm>> -> memref<536x128xf32, #tpu.memory_space<hbm>>
        %dma_wait3A_31 = arith.constant 9480 : i32
        %dma_wait3A_32 = arith.constant 0 : i32
        %dma_wait3A_33 = tpu.memref_slice %arg8[%dma_wait3A_31, %dma_wait3A_32] : memref<10016x128xf32, #tpu.memory_space<vmem_shared>> -> memref<536x128xf32, #tpu.memory_space<vmem_shared>>
        tpu.wait_dma2 semaphore(%run_scoped3A : memref<!tpu.dma_semaphore, #tpu.memory_space<semaphore_mem>>) src(%dma_wait3A_33 : memref<536x128xf32, #tpu.memory_space<vmem_shared>>) dst(%dma_wait3A_30 : memref<536x128xf32, #tpu.memory_space<hbm>>)
        tpu.yield
      }) : () -> ()
    } else {
    }
    return
  }
}

#map = affine_map<(d0, d1) -> (0, 0)>
#map1 = affine_map<(d0, d1) -> (0, 0, 0, 0, 0, 0)>
#map2 = affine_map<(d0, d1) -> (0, 0, 0)>
module attributes {stable_mosaic.version = 14 : i64} {
  func.func @_sc_agg_body(%arg0: i32, %arg1: i32, %arg2: memref<20000x128xf32, #tpu.memory_space<hbm>>, %arg3: memref<2x16x40x2x4x128xi32, #tpu.memory_space<hbm>>, %arg4: memref<10016x128xf32, #tpu.memory_space<hbm>>, %arg5: memref<2x10016x128xf32, #tpu.memory_space<hbm>>, %arg6: memref<2x4x128xi32, #tpu.memory_space<vmem>>, %arg7: memref<128x128xf32, #tpu.memory_space<vmem>>, %arg8: memref<128x128xf32, #tpu.memory_space<vmem>>, %arg9: memref<128x128xf32, #tpu.memory_space<vmem>>, %arg10: memref<10016x128xf32, #tpu.memory_space<vmem_shared>>, %arg11: memref<!tpu.dma_semaphore, #tpu.memory_space<semaphore_mem>>, %arg12: memref<!tpu.dma_semaphore, #tpu.memory_space<semaphore_mem>>, %arg13: memref<!tpu.dma_semaphore, #tpu.memory_space<semaphore_mem>>, %arg14: memref<!tpu.dma_semaphore, #tpu.memory_space<semaphore_mem>>, %arg15: memref<!tpu.dma_semaphore, #tpu.memory_space<semaphore_mem>>, %arg16: memref<!tpu.dma_semaphore, #tpu.memory_space<semaphore_mem>>) attributes {dimension_semantics = [#tpu.dimension_semantics<core_parallel>, #tpu.dimension_semantics<subcore_parallel>], iteration_bounds = array<i64: 2, 16>, scalar_prefetch = 0 : i64, scratch_operands = 11 : i64, tpu.core_type = #tpu.core_type<sc_vector_subcore>, window_params = [{transform_indices = #map}, {transform_indices = #map1}, {transform_indices = #map}, {transform_indices = #map2}]} {
    %lt3A = arith.constant 15 : i32
    %lt3A_0 = arith.cmpi slt, %arg1, %lt3A : i32
    %convert_element_type3A = arith.extui %lt3A_0 : i1 to i32
    %cond3A = arith.constant 0 : i32
    %cond3A_1 = arith.cmpi ne, %convert_element_type3A, %cond3A : i32
    scf.if %cond3A_1 {
      %mul3A = arith.constant 632 : i32
      %mul3A_22 = arith.muli %arg1, %mul3A : i32
      "tpu.region"() ({
        %run_scoped3A = tpu.sem_alloc : memref<!tpu.dma_semaphore, #tpu.memory_space<semaphore_mem>>
        %dma_start3A = arith.constant 0 : i32
        %dma_start3A_23 = tpu.memref_slice %arg10[%mul3A_22, %dma_start3A] : memref<10016x128xf32, #tpu.memory_space<vmem_shared>> -> memref<632x128xf32, #tpu.memory_space<vmem_shared>>
        %dma_start3A_24 = arith.constant 0 : i32
        %dma_start3A_25 = tpu.memref_slice %arg4[%mul3A_22, %dma_start3A_24] : memref<10016x128xf32, #tpu.memory_space<hbm>> -> memref<632x128xf32, #tpu.memory_space<hbm>>
        tpu.enqueue_dma source(%dma_start3A_25 : memref<632x128xf32, #tpu.memory_space<hbm>>) target(%dma_start3A_23 : memref<632x128xf32, #tpu.memory_space<vmem_shared>>) target_semaphore(%run_scoped3A : memref<!tpu.dma_semaphore, #tpu.memory_space<semaphore_mem>>)
        %dma_wait3A = arith.constant 0 : i32
        %dma_wait3A_26 = tpu.memref_slice %arg10[%mul3A_22, %dma_wait3A] : memref<10016x128xf32, #tpu.memory_space<vmem_shared>> -> memref<632x128xf32, #tpu.memory_space<vmem_shared>>
        %dma_wait3A_27 = arith.constant 0 : i32
        %dma_wait3A_28 = tpu.memref_slice %arg4[%mul3A_22, %dma_wait3A_27] : memref<10016x128xf32, #tpu.memory_space<hbm>> -> memref<632x128xf32, #tpu.memory_space<hbm>>
        tpu.wait_dma2 semaphore(%run_scoped3A : memref<!tpu.dma_semaphore, #tpu.memory_space<semaphore_mem>>) src(%dma_wait3A_28 : memref<632x128xf32, #tpu.memory_space<hbm>>) dst(%dma_wait3A_26 : memref<632x128xf32, #tpu.memory_space<vmem_shared>>)
        tpu.yield
      }) : () -> ()
    } else {
    }
    %eq3A = arith.constant 15 : i32
    %eq3A_2 = arith.cmpi eq, %arg1, %eq3A : i32
    %convert_element_type3A_3 = arith.extui %eq3A_2 : i1 to i32
    %cond3A_4 = arith.constant 0 : i32
    %cond3A_5 = arith.cmpi ne, %convert_element_type3A_3, %cond3A_4 : i32
    scf.if %cond3A_5 {
      "tpu.region"() ({
        %run_scoped3A = tpu.sem_alloc : memref<!tpu.dma_semaphore, #tpu.memory_space<semaphore_mem>>
        %dma_start3A = arith.constant 9480 : i32
        %dma_start3A_22 = arith.constant 0 : i32
        %dma_start3A_23 = tpu.memref_slice %arg10[%dma_start3A, %dma_start3A_22] : memref<10016x128xf32, #tpu.memory_space<vmem_shared>> -> memref<536x128xf32, #tpu.memory_space<vmem_shared>>
        %dma_start3A_24 = arith.constant 9480 : i32
        %dma_start3A_25 = arith.constant 0 : i32
        %dma_start3A_26 = tpu.memref_slice %arg4[%dma_start3A_24, %dma_start3A_25] : memref<10016x128xf32, #tpu.memory_space<hbm>> -> memref<536x128xf32, #tpu.memory_space<hbm>>
        tpu.enqueue_dma source(%dma_start3A_26 : memref<536x128xf32, #tpu.memory_space<hbm>>) target(%dma_start3A_23 : memref<536x128xf32, #tpu.memory_space<vmem_shared>>) target_semaphore(%run_scoped3A : memref<!tpu.dma_semaphore, #tpu.memory_space<semaphore_mem>>)
        %dma_wait3A = arith.constant 9480 : i32
        %dma_wait3A_27 = arith.constant 0 : i32
        %dma_wait3A_28 = tpu.memref_slice %arg10[%dma_wait3A, %dma_wait3A_27] : memref<10016x128xf32, #tpu.memory_space<vmem_shared>> -> memref<536x128xf32, #tpu.memory_space<vmem_shared>>
        %dma_wait3A_29 = arith.constant 9480 : i32
        %dma_wait3A_30 = arith.constant 0 : i32
        %dma_wait3A_31 = tpu.memref_slice %arg4[%dma_wait3A_29, %dma_wait3A_30] : memref<10016x128xf32, #tpu.memory_space<hbm>> -> memref<536x128xf32, #tpu.memory_space<hbm>>
        tpu.wait_dma2 semaphore(%run_scoped3A : memref<!tpu.dma_semaphore, #tpu.memory_space<semaphore_mem>>) src(%dma_wait3A_31 : memref<536x128xf32, #tpu.memory_space<hbm>>) dst(%dma_wait3A_28 : memref<536x128xf32, #tpu.memory_space<vmem_shared>>)
        tpu.yield
      }) : () -> ()
    } else {
    }
    %barrier3A = arith.constant 0 : index
    tpu.barrier barrier_id(%barrier3A)
    %scan3A = arith.constant 0 : i32
    %scan3A_6 = arith.constant 0 : i32
    %scan3A_7 = arith.constant 40 : i32
    %scan3A_8 = arith.addi %scan3A_6, %scan3A_7 : i32
    %scan3A_9 = arith.constant 1 : i32
    scf.for %scan3A_22 = %scan3A_6 to %scan3A_8 step %scan3A_9  : i32 {
      "tpu.region"() ({
        %run_scoped3A = tpu.sem_alloc : memref<!tpu.dma_semaphore, #tpu.memory_space<semaphore_mem>>
        %dma_start3A_149 = arith.constant 0 : i32
        %dma_start3A_150 = arith.constant 0 : i32
        %dma_start3A_151 = arith.constant 0 : i32
        %dma_start3A_152 = tpu.memref_slice %arg3[%arg0, %arg1, %scan3A_22, %dma_start3A_149, %dma_start3A_150, %dma_start3A_151] : memref<2x16x40x2x4x128xi32, #tpu.memory_space<hbm>> -> memref<1x1x1x2x4x128xi32, #tpu.memory_space<hbm>>
        %dma_start3A_153 = tpu.memref_squeeze %dma_start3A_152 : memref<1x1x1x2x4x128xi32, #tpu.memory_space<hbm>> -> memref<2x4x128xi32, #tpu.memory_space<hbm>>
        %dma_start3A_154 = arith.constant 0 : i32
        %dma_start3A_155 = arith.constant 0 : i32
        %dma_start3A_156 = arith.constant 0 : i32
        %dma_start3A_157 = tpu.memref_slice %arg3[%arg0, %arg1, %scan3A_22, %dma_start3A_154, %dma_start3A_155, %dma_start3A_156] : memref<2x16x40x2x4x128xi32, #tpu.memory_space<hbm>> -> memref<1x1x1x2x4x128xi32, #tpu.memory_space<hbm>>
        %dma_start3A_158 = tpu.memref_squeeze %dma_start3A_157 : memref<1x1x1x2x4x128xi32, #tpu.memory_space<hbm>> -> memref<2x4x128xi32, #tpu.memory_space<hbm>>
        tpu.enqueue_dma source(%dma_start3A_158 : memref<2x4x128xi32, #tpu.memory_space<hbm>>) target(%arg6 : memref<2x4x128xi32, #tpu.memory_space<vmem>>) target_semaphore(%run_scoped3A : memref<!tpu.dma_semaphore, #tpu.memory_space<semaphore_mem>>)
        %dma_wait3A_159 = arith.constant 0 : i32
        %dma_wait3A_160 = arith.constant 0 : i32
        %dma_wait3A_161 = arith.constant 0 : i32
        %dma_wait3A_162 = tpu.memref_slice %arg3[%arg0, %arg1, %scan3A_22, %dma_wait3A_159, %dma_wait3A_160, %dma_wait3A_161] : memref<2x16x40x2x4x128xi32, #tpu.memory_space<hbm>> -> memref<1x1x1x2x4x128xi32, #tpu.memory_space<hbm>>
        %dma_wait3A_163 = tpu.memref_squeeze %dma_wait3A_162 : memref<1x1x1x2x4x128xi32, #tpu.memory_space<hbm>> -> memref<2x4x128xi32, #tpu.memory_space<hbm>>
        %dma_wait3A_164 = arith.constant 0 : i32
        %dma_wait3A_165 = arith.constant 0 : i32
        %dma_wait3A_166 = arith.constant 0 : i32
        %dma_wait3A_167 = tpu.memref_slice %arg3[%arg0, %arg1, %scan3A_22, %dma_wait3A_164, %dma_wait3A_165, %dma_wait3A_166] : memref<2x16x40x2x4x128xi32, #tpu.memory_space<hbm>> -> memref<1x1x1x2x4x128xi32, #tpu.memory_space<hbm>>
        %dma_wait3A_168 = tpu.memref_squeeze %dma_wait3A_167 : memref<1x1x1x2x4x128xi32, #tpu.memory_space<hbm>> -> memref<2x4x128xi32, #tpu.memory_space<hbm>>
        tpu.wait_dma2 semaphore(%run_scoped3A : memref<!tpu.dma_semaphore, #tpu.memory_space<semaphore_mem>>) src(%dma_wait3A_168 : memref<2x4x128xi32, #tpu.memory_space<hbm>>) dst(%arg6 : memref<2x4x128xi32, #tpu.memory_space<vmem>>)
        tpu.yield
      }) : () -> ()
      %dma_start3A = arith.constant 0 : i32
      %dma_start3A_23 = arith.constant 0 : i32
      %dma_start3A_24 = arith.constant 0 : i32
      %dma_start3A_25 = tpu.memref_slice %arg6[%dma_start3A, %dma_start3A_23, %dma_start3A_24] : memref<2x4x128xi32, #tpu.memory_space<vmem>> -> memref<1x1x128xi32, #tpu.memory_space<vmem>>
      %dma_start3A_26 = tpu.memref_squeeze %dma_start3A_25 : memref<1x1x128xi32, #tpu.memory_space<vmem>> -> memref<128xi32, #tpu.memory_space<vmem>>
      %dma_start3A_27 = arith.constant 0 : i32
      %dma_start3A_28 = arith.constant 0 : i32
      %dma_start3A_29 = tpu.memref_slice %arg2[%dma_start3A_27, %dma_start3A_28] : memref<20000x128xf32, #tpu.memory_space<hbm>> -> memref<20000x128xf32, #tpu.memory_space<hbm>>
      tpu.enqueue_indirect_dma source(%dma_start3A_29 : memref<20000x128xf32, #tpu.memory_space<hbm>>) target(%arg7 : memref<128x128xf32, #tpu.memory_space<vmem>>) offsets(%dma_start3A_26 : memref<128xi32, #tpu.memory_space<vmem>>) semaphore(%arg11 : memref<!tpu.dma_semaphore, #tpu.memory_space<semaphore_mem>>)
      %dma_start3A_30 = arith.constant 0 : i32
      %dma_start3A_31 = arith.constant 1 : i32
      %dma_start3A_32 = arith.constant 0 : i32
      %dma_start3A_33 = tpu.memref_slice %arg6[%dma_start3A_30, %dma_start3A_31, %dma_start3A_32] : memref<2x4x128xi32, #tpu.memory_space<vmem>> -> memref<1x1x128xi32, #tpu.memory_space<vmem>>
      %dma_start3A_34 = tpu.memref_squeeze %dma_start3A_33 : memref<1x1x128xi32, #tpu.memory_space<vmem>> -> memref<128xi32, #tpu.memory_space<vmem>>
      %dma_start3A_35 = arith.constant 0 : i32
      %dma_start3A_36 = arith.constant 0 : i32
      %dma_start3A_37 = tpu.memref_slice %arg2[%dma_start3A_35, %dma_start3A_36] : memref<20000x128xf32, #tpu.memory_space<hbm>> -> memref<20000x128xf32, #tpu.memory_space<hbm>>
      tpu.enqueue_indirect_dma source(%dma_start3A_37 : memref<20000x128xf32, #tpu.memory_space<hbm>>) target(%arg8 : memref<128x128xf32, #tpu.memory_space<vmem>>) offsets(%dma_start3A_34 : memref<128xi32, #tpu.memory_space<vmem>>) semaphore(%arg12 : memref<!tpu.dma_semaphore, #tpu.memory_space<semaphore_mem>>)
      %dma_wait3A = arith.constant 0 : i32
      %dma_wait3A_38 = arith.constant 0 : i32
      %dma_wait3A_39 = arith.constant 0 : i32
      %dma_wait3A_40 = tpu.memref_slice %arg6[%dma_wait3A, %dma_wait3A_38, %dma_wait3A_39] : memref<2x4x128xi32, #tpu.memory_space<vmem>> -> memref<1x1x128xi32, #tpu.memory_space<vmem>>
      %dma_wait3A_41 = tpu.memref_squeeze %dma_wait3A_40 : memref<1x1x128xi32, #tpu.memory_space<vmem>> -> memref<128xi32, #tpu.memory_space<vmem>>
      %dma_wait3A_42 = arith.constant 0 : i32
      %dma_wait3A_43 = arith.constant 0 : i32
      %dma_wait3A_44 = tpu.memref_slice %arg2[%dma_wait3A_42, %dma_wait3A_43] : memref<20000x128xf32, #tpu.memory_space<hbm>> -> memref<20000x128xf32, #tpu.memory_space<hbm>>
      tpu.wait_indirect_dma semaphore(%arg11 : memref<!tpu.dma_semaphore, #tpu.memory_space<semaphore_mem>>) src(%dma_wait3A_44 : memref<20000x128xf32, #tpu.memory_space<hbm>>) dst(%arg7 : memref<128x128xf32, #tpu.memory_space<vmem>>)
      %dma_start3A_45 = arith.constant 0 : i32
      %dma_start3A_46 = arith.constant 2 : i32
      %dma_start3A_47 = arith.constant 0 : i32
      %dma_start3A_48 = tpu.memref_slice %arg6[%dma_start3A_45, %dma_start3A_46, %dma_start3A_47] : memref<2x4x128xi32, #tpu.memory_space<vmem>> -> memref<1x1x128xi32, #tpu.memory_space<vmem>>
      %dma_start3A_49 = tpu.memref_squeeze %dma_start3A_48 : memref<1x1x128xi32, #tpu.memory_space<vmem>> -> memref<128xi32, #tpu.memory_space<vmem>>
      %dma_start3A_50 = arith.constant 0 : i32
      %dma_start3A_51 = arith.constant 0 : i32
      %dma_start3A_52 = tpu.memref_slice %arg2[%dma_start3A_50, %dma_start3A_51] : memref<20000x128xf32, #tpu.memory_space<hbm>> -> memref<20000x128xf32, #tpu.memory_space<hbm>>
      tpu.enqueue_indirect_dma source(%dma_start3A_52 : memref<20000x128xf32, #tpu.memory_space<hbm>>) target(%arg9 : memref<128x128xf32, #tpu.memory_space<vmem>>) offsets(%dma_start3A_49 : memref<128xi32, #tpu.memory_space<vmem>>) semaphore(%arg13 : memref<!tpu.dma_semaphore, #tpu.memory_space<semaphore_mem>>)
      %dma_start3A_53 = arith.constant 1 : i32
      %dma_start3A_54 = arith.constant 0 : i32
      %dma_start3A_55 = arith.constant 0 : i32
      %dma_start3A_56 = tpu.memref_slice %arg6[%dma_start3A_53, %dma_start3A_54, %dma_start3A_55] : memref<2x4x128xi32, #tpu.memory_space<vmem>> -> memref<1x1x128xi32, #tpu.memory_space<vmem>>
      %dma_start3A_57 = tpu.memref_squeeze %dma_start3A_56 : memref<1x1x128xi32, #tpu.memory_space<vmem>> -> memref<128xi32, #tpu.memory_space<vmem>>
      %dma_start3A_58 = arith.constant 0 : i32
      %dma_start3A_59 = arith.constant 0 : i32
      %dma_start3A_60 = tpu.memref_slice %arg10[%dma_start3A_58, %dma_start3A_59] : memref<10016x128xf32, #tpu.memory_space<vmem_shared>> -> memref<10016x128xf32, #tpu.memory_space<vmem_shared>>
      tpu.enqueue_indirect_dma source(%arg7 : memref<128x128xf32, #tpu.memory_space<vmem>>) target(%dma_start3A_60 : memref<10016x128xf32, #tpu.memory_space<vmem_shared>>) offsets(%dma_start3A_57 : memref<128xi32, #tpu.memory_space<vmem>>) semaphore(%arg14 : memref<!tpu.dma_semaphore, #tpu.memory_space<semaphore_mem>>) {add = true}
      %dma_wait3A_61 = arith.constant 0 : i32
      %dma_wait3A_62 = arith.constant 1 : i32
      %dma_wait3A_63 = arith.constant 0 : i32
      %dma_wait3A_64 = tpu.memref_slice %arg6[%dma_wait3A_61, %dma_wait3A_62, %dma_wait3A_63] : memref<2x4x128xi32, #tpu.memory_space<vmem>> -> memref<1x1x128xi32, #tpu.memory_space<vmem>>
      %dma_wait3A_65 = tpu.memref_squeeze %dma_wait3A_64 : memref<1x1x128xi32, #tpu.memory_space<vmem>> -> memref<128xi32, #tpu.memory_space<vmem>>
      %dma_wait3A_66 = arith.constant 0 : i32
      %dma_wait3A_67 = arith.constant 0 : i32
      %dma_wait3A_68 = tpu.memref_slice %arg2[%dma_wait3A_66, %dma_wait3A_67] : memref<20000x128xf32, #tpu.memory_space<hbm>> -> memref<20000x128xf32, #tpu.memory_space<hbm>>
      tpu.wait_indirect_dma semaphore(%arg12 : memref<!tpu.dma_semaphore, #tpu.memory_space<semaphore_mem>>) src(%dma_wait3A_68 : memref<20000x128xf32, #tpu.memory_space<hbm>>) dst(%arg8 : memref<128x128xf32, #tpu.memory_space<vmem>>)
      %dma_wait3A_69 = arith.constant 1 : i32
      %dma_wait3A_70 = arith.constant 0 : i32
      %dma_wait3A_71 = arith.constant 0 : i32
      %dma_wait3A_72 = tpu.memref_slice %arg6[%dma_wait3A_69, %dma_wait3A_70, %dma_wait3A_71] : memref<2x4x128xi32, #tpu.memory_space<vmem>> -> memref<1x1x128xi32, #tpu.memory_space<vmem>>
      %dma_wait3A_73 = tpu.memref_squeeze %dma_wait3A_72 : memref<1x1x128xi32, #tpu.memory_space<vmem>> -> memref<128xi32, #tpu.memory_space<vmem>>
      %dma_wait3A_74 = arith.constant 0 : i32
      %dma_wait3A_75 = arith.constant 0 : i32
      %dma_wait3A_76 = tpu.memref_slice %arg10[%dma_wait3A_74, %dma_wait3A_75] : memref<10016x128xf32, #tpu.memory_space<vmem_shared>> -> memref<10016x128xf32, #tpu.memory_space<vmem_shared>>
      tpu.wait_indirect_dma semaphore(%arg14 : memref<!tpu.dma_semaphore, #tpu.memory_space<semaphore_mem>>) src(%arg7 : memref<128x128xf32, #tpu.memory_space<vmem>>) dst(%dma_wait3A_76 : memref<10016x128xf32, #tpu.memory_space<vmem_shared>>)
      %dma_start3A_77 = arith.constant 0 : i32
      %dma_start3A_78 = arith.constant 3 : i32
      %dma_start3A_79 = arith.constant 0 : i32
      %dma_start3A_80 = tpu.memref_slice %arg6[%dma_start3A_77, %dma_start3A_78, %dma_start3A_79] : memref<2x4x128xi32, #tpu.memory_space<vmem>> -> memref<1x1x128xi32, #tpu.memory_space<vmem>>
      %dma_start3A_81 = tpu.memref_squeeze %dma_start3A_80 : memref<1x1x128xi32, #tpu.memory_space<vmem>> -> memref<128xi32, #tpu.memory_space<vmem>>
      %dma_start3A_82 = arith.constant 0 : i32
      %dma_start3A_83 = arith.constant 0 : i32
      %dma_start3A_84 = tpu.memref_slice %arg2[%dma_start3A_82, %dma_start3A_83] : memref<20000x128xf32, #tpu.memory_space<hbm>> -> memref<20000x128xf32, #tpu.memory_space<hbm>>
      tpu.enqueue_indirect_dma source(%dma_start3A_84 : memref<20000x128xf32, #tpu.memory_space<hbm>>) target(%arg7 : memref<128x128xf32, #tpu.memory_space<vmem>>) offsets(%dma_start3A_81 : memref<128xi32, #tpu.memory_space<vmem>>) semaphore(%arg11 : memref<!tpu.dma_semaphore, #tpu.memory_space<semaphore_mem>>)
      %dma_start3A_85 = arith.constant 1 : i32
      %dma_start3A_86 = arith.constant 1 : i32
      %dma_start3A_87 = arith.constant 0 : i32
      %dma_start3A_88 = tpu.memref_slice %arg6[%dma_start3A_85, %dma_start3A_86, %dma_start3A_87] : memref<2x4x128xi32, #tpu.memory_space<vmem>> -> memref<1x1x128xi32, #tpu.memory_space<vmem>>
      %dma_start3A_89 = tpu.memref_squeeze %dma_start3A_88 : memref<1x1x128xi32, #tpu.memory_space<vmem>> -> memref<128xi32, #tpu.memory_space<vmem>>
      %dma_start3A_90 = arith.constant 0 : i32
      %dma_start3A_91 = arith.constant 0 : i32
      %dma_start3A_92 = tpu.memref_slice %arg10[%dma_start3A_90, %dma_start3A_91] : memref<10016x128xf32, #tpu.memory_space<vmem_shared>> -> memref<10016x128xf32, #tpu.memory_space<vmem_shared>>
      tpu.enqueue_indirect_dma source(%arg8 : memref<128x128xf32, #tpu.memory_space<vmem>>) target(%dma_start3A_92 : memref<10016x128xf32, #tpu.memory_space<vmem_shared>>) offsets(%dma_start3A_89 : memref<128xi32, #tpu.memory_space<vmem>>) semaphore(%arg15 : memref<!tpu.dma_semaphore, #tpu.memory_space<semaphore_mem>>) {add = true}
      %dma_wait3A_93 = arith.constant 0 : i32
      %dma_wait3A_94 = arith.constant 2 : i32
      %dma_wait3A_95 = arith.constant 0 : i32
      %dma_wait3A_96 = tpu.memref_slice %arg6[%dma_wait3A_93, %dma_wait3A_94, %dma_wait3A_95] : memref<2x4x128xi32, #tpu.memory_space<vmem>> -> memref<1x1x128xi32, #tpu.memory_space<vmem>>
      %dma_wait3A_97 = tpu.memref_squeeze %dma_wait3A_96 : memref<1x1x128xi32, #tpu.memory_space<vmem>> -> memref<128xi32, #tpu.memory_space<vmem>>
      %dma_wait3A_98 = arith.constant 0 : i32
      %dma_wait3A_99 = arith.constant 0 : i32
      %dma_wait3A_100 = tpu.memref_slice %arg2[%dma_wait3A_98, %dma_wait3A_99] : memref<20000x128xf32, #tpu.memory_space<hbm>> -> memref<20000x128xf32, #tpu.memory_space<hbm>>
      tpu.wait_indirect_dma semaphore(%arg13 : memref<!tpu.dma_semaphore, #tpu.memory_space<semaphore_mem>>) src(%dma_wait3A_100 : memref<20000x128xf32, #tpu.memory_space<hbm>>) dst(%arg9 : memref<128x128xf32, #tpu.memory_space<vmem>>)
      %dma_start3A_101 = arith.constant 1 : i32
      %dma_start3A_102 = arith.constant 2 : i32
      %dma_start3A_103 = arith.constant 0 : i32
      %dma_start3A_104 = tpu.memref_slice %arg6[%dma_start3A_101, %dma_start3A_102, %dma_start3A_103] : memref<2x4x128xi32, #tpu.memory_space<vmem>> -> memref<1x1x128xi32, #tpu.memory_space<vmem>>
      %dma_start3A_105 = tpu.memref_squeeze %dma_start3A_104 : memref<1x1x128xi32, #tpu.memory_space<vmem>> -> memref<128xi32, #tpu.memory_space<vmem>>
      %dma_start3A_106 = arith.constant 0 : i32
      %dma_start3A_107 = arith.constant 0 : i32
      %dma_start3A_108 = tpu.memref_slice %arg10[%dma_start3A_106, %dma_start3A_107] : memref<10016x128xf32, #tpu.memory_space<vmem_shared>> -> memref<10016x128xf32, #tpu.memory_space<vmem_shared>>
      tpu.enqueue_indirect_dma source(%arg9 : memref<128x128xf32, #tpu.memory_space<vmem>>) target(%dma_start3A_108 : memref<10016x128xf32, #tpu.memory_space<vmem_shared>>) offsets(%dma_start3A_105 : memref<128xi32, #tpu.memory_space<vmem>>) semaphore(%arg16 : memref<!tpu.dma_semaphore, #tpu.memory_space<semaphore_mem>>) {add = true}
      %dma_wait3A_109 = arith.constant 0 : i32
      %dma_wait3A_110 = arith.constant 3 : i32
      %dma_wait3A_111 = arith.constant 0 : i32
      %dma_wait3A_112 = tpu.memref_slice %arg6[%dma_wait3A_109, %dma_wait3A_110, %dma_wait3A_111] : memref<2x4x128xi32, #tpu.memory_space<vmem>> -> memref<1x1x128xi32, #tpu.memory_space<vmem>>
      %dma_wait3A_113 = tpu.memref_squeeze %dma_wait3A_112 : memref<1x1x128xi32, #tpu.memory_space<vmem>> -> memref<128xi32, #tpu.memory_space<vmem>>
      %dma_wait3A_114 = arith.constant 0 : i32
      %dma_wait3A_115 = arith.constant 0 : i32
      %dma_wait3A_116 = tpu.memref_slice %arg2[%dma_wait3A_114, %dma_wait3A_115] : memref<20000x128xf32, #tpu.memory_space<hbm>> -> memref<20000x128xf32, #tpu.memory_space<hbm>>
      tpu.wait_indirect_dma semaphore(%arg11 : memref<!tpu.dma_semaphore, #tpu.memory_space<semaphore_mem>>) src(%dma_wait3A_116 : memref<20000x128xf32, #tpu.memory_space<hbm>>) dst(%arg7 : memref<128x128xf32, #tpu.memory_space<vmem>>)
      %dma_start3A_117 = arith.constant 1 : i32
      %dma_start3A_118 = arith.constant 3 : i32
      %dma_start3A_119 = arith.constant 0 : i32
      %dma_start3A_120 = tpu.memref_slice %arg6[%dma_start3A_117, %dma_start3A_118, %dma_start3A_119] : memref<2x4x128xi32, #tpu.memory_space<vmem>> -> memref<1x1x128xi32, #tpu.memory_space<vmem>>
      %dma_start3A_121 = tpu.memref_squeeze %dma_start3A_120 : memref<1x1x128xi32, #tpu.memory_space<vmem>> -> memref<128xi32, #tpu.memory_space<vmem>>
      %dma_start3A_122 = arith.constant 0 : i32
      %dma_start3A_123 = arith.constant 0 : i32
      %dma_start3A_124 = tpu.memref_slice %arg10[%dma_start3A_122, %dma_start3A_123] : memref<10016x128xf32, #tpu.memory_space<vmem_shared>> -> memref<10016x128xf32, #tpu.memory_space<vmem_shared>>
      tpu.enqueue_indirect_dma source(%arg7 : memref<128x128xf32, #tpu.memory_space<vmem>>) target(%dma_start3A_124 : memref<10016x128xf32, #tpu.memory_space<vmem_shared>>) offsets(%dma_start3A_121 : memref<128xi32, #tpu.memory_space<vmem>>) semaphore(%arg14 : memref<!tpu.dma_semaphore, #tpu.memory_space<semaphore_mem>>) {add = true}
      %dma_wait3A_125 = arith.constant 1 : i32
      %dma_wait3A_126 = arith.constant 1 : i32
      %dma_wait3A_127 = arith.constant 0 : i32
      %dma_wait3A_128 = tpu.memref_slice %arg6[%dma_wait3A_125, %dma_wait3A_126, %dma_wait3A_127] : memref<2x4x128xi32, #tpu.memory_space<vmem>> -> memref<1x1x128xi32, #tpu.memory_space<vmem>>
      %dma_wait3A_129 = tpu.memref_squeeze %dma_wait3A_128 : memref<1x1x128xi32, #tpu.memory_space<vmem>> -> memref<128xi32, #tpu.memory_space<vmem>>
      %dma_wait3A_130 = arith.constant 0 : i32
      %dma_wait3A_131 = arith.constant 0 : i32
      %dma_wait3A_132 = tpu.memref_slice %arg10[%dma_wait3A_130, %dma_wait3A_131] : memref<10016x128xf32, #tpu.memory_space<vmem_shared>> -> memref<10016x128xf32, #tpu.memory_space<vmem_shared>>
      tpu.wait_indirect_dma semaphore(%arg15 : memref<!tpu.dma_semaphore, #tpu.memory_space<semaphore_mem>>) src(%arg8 : memref<128x128xf32, #tpu.memory_space<vmem>>) dst(%dma_wait3A_132 : memref<10016x128xf32, #tpu.memory_space<vmem_shared>>)
      %dma_wait3A_133 = arith.constant 1 : i32
      %dma_wait3A_134 = arith.constant 2 : i32
      %dma_wait3A_135 = arith.constant 0 : i32
      %dma_wait3A_136 = tpu.memref_slice %arg6[%dma_wait3A_133, %dma_wait3A_134, %dma_wait3A_135] : memref<2x4x128xi32, #tpu.memory_space<vmem>> -> memref<1x1x128xi32, #tpu.memory_space<vmem>>
      %dma_wait3A_137 = tpu.memref_squeeze %dma_wait3A_136 : memref<1x1x128xi32, #tpu.memory_space<vmem>> -> memref<128xi32, #tpu.memory_space<vmem>>
      %dma_wait3A_138 = arith.constant 0 : i32
      %dma_wait3A_139 = arith.constant 0 : i32
      %dma_wait3A_140 = tpu.memref_slice %arg10[%dma_wait3A_138, %dma_wait3A_139] : memref<10016x128xf32, #tpu.memory_space<vmem_shared>> -> memref<10016x128xf32, #tpu.memory_space<vmem_shared>>
      tpu.wait_indirect_dma semaphore(%arg16 : memref<!tpu.dma_semaphore, #tpu.memory_space<semaphore_mem>>) src(%arg9 : memref<128x128xf32, #tpu.memory_space<vmem>>) dst(%dma_wait3A_140 : memref<10016x128xf32, #tpu.memory_space<vmem_shared>>)
      %dma_wait3A_141 = arith.constant 1 : i32
      %dma_wait3A_142 = arith.constant 3 : i32
      %dma_wait3A_143 = arith.constant 0 : i32
      %dma_wait3A_144 = tpu.memref_slice %arg6[%dma_wait3A_141, %dma_wait3A_142, %dma_wait3A_143] : memref<2x4x128xi32, #tpu.memory_space<vmem>> -> memref<1x1x128xi32, #tpu.memory_space<vmem>>
      %dma_wait3A_145 = tpu.memref_squeeze %dma_wait3A_144 : memref<1x1x128xi32, #tpu.memory_space<vmem>> -> memref<128xi32, #tpu.memory_space<vmem>>
      %dma_wait3A_146 = arith.constant 0 : i32
      %dma_wait3A_147 = arith.constant 0 : i32
      %dma_wait3A_148 = tpu.memref_slice %arg10[%dma_wait3A_146, %dma_wait3A_147] : memref<10016x128xf32, #tpu.memory_space<vmem_shared>> -> memref<10016x128xf32, #tpu.memory_space<vmem_shared>>
      tpu.wait_indirect_dma semaphore(%arg14 : memref<!tpu.dma_semaphore, #tpu.memory_space<semaphore_mem>>) src(%arg7 : memref<128x128xf32, #tpu.memory_space<vmem>>) dst(%dma_wait3A_148 : memref<10016x128xf32, #tpu.memory_space<vmem_shared>>)
    }
    %scan3A_10 = arith.constant 40 : i32
    %barrier3A_11 = arith.constant 0 : index
    tpu.barrier barrier_id(%barrier3A_11)
    %lt3A_12 = arith.constant 15 : i32
    %lt3A_13 = arith.cmpi slt, %arg1, %lt3A_12 : i32
    %convert_element_type3A_14 = arith.extui %lt3A_13 : i1 to i32
    %cond3A_15 = arith.constant 0 : i32
    %cond3A_16 = arith.cmpi ne, %convert_element_type3A_14, %cond3A_15 : i32
    scf.if %cond3A_16 {
      %mul3A = arith.constant 632 : i32
      %mul3A_22 = arith.muli %arg1, %mul3A : i32
      "tpu.region"() ({
        %run_scoped3A = tpu.sem_alloc : memref<!tpu.dma_semaphore, #tpu.memory_space<semaphore_mem>>
        %dma_start3A = arith.constant 0 : i32
        %dma_start3A_23 = tpu.memref_slice %arg5[%arg0, %mul3A_22, %dma_start3A] : memref<2x10016x128xf32, #tpu.memory_space<hbm>> -> memref<1x632x128xf32, #tpu.memory_space<hbm>>
        %dma_start3A_24 = tpu.memref_squeeze %dma_start3A_23 : memref<1x632x128xf32, #tpu.memory_space<hbm>> -> memref<632x128xf32, #tpu.memory_space<hbm>>
        %dma_start3A_25 = arith.constant 0 : i32
        %dma_start3A_26 = tpu.memref_slice %arg10[%mul3A_22, %dma_start3A_25] : memref<10016x128xf32, #tpu.memory_space<vmem_shared>> -> memref<632x128xf32, #tpu.memory_space<vmem_shared>>
        tpu.enqueue_dma source(%dma_start3A_26 : memref<632x128xf32, #tpu.memory_space<vmem_shared>>) target(%dma_start3A_24 : memref<632x128xf32, #tpu.memory_space<hbm>>) target_semaphore(%run_scoped3A : memref<!tpu.dma_semaphore, #tpu.memory_space<semaphore_mem>>)
        %dma_wait3A = arith.constant 0 : i32
        %dma_wait3A_27 = tpu.memref_slice %arg5[%arg0, %mul3A_22, %dma_wait3A] : memref<2x10016x128xf32, #tpu.memory_space<hbm>> -> memref<1x632x128xf32, #tpu.memory_space<hbm>>
        %dma_wait3A_28 = tpu.memref_squeeze %dma_wait3A_27 : memref<1x632x128xf32, #tpu.memory_space<hbm>> -> memref<632x128xf32, #tpu.memory_space<hbm>>
        %dma_wait3A_29 = arith.constant 0 : i32
        %dma_wait3A_30 = tpu.memref_slice %arg10[%mul3A_22, %dma_wait3A_29] : memref<10016x128xf32, #tpu.memory_space<vmem_shared>> -> memref<632x128xf32, #tpu.memory_space<vmem_shared>>
        tpu.wait_dma2 semaphore(%run_scoped3A : memref<!tpu.dma_semaphore, #tpu.memory_space<semaphore_mem>>) src(%dma_wait3A_30 : memref<632x128xf32, #tpu.memory_space<vmem_shared>>) dst(%dma_wait3A_28 : memref<632x128xf32, #tpu.memory_space<hbm>>)
        tpu.yield
      }) : () -> ()
    } else {
    }
    %eq3A_17 = arith.constant 15 : i32
    %eq3A_18 = arith.cmpi eq, %arg1, %eq3A_17 : i32
    %convert_element_type3A_19 = arith.extui %eq3A_18 : i1 to i32
    %cond3A_20 = arith.constant 0 : i32
    %cond3A_21 = arith.cmpi ne, %convert_element_type3A_19, %cond3A_20 : i32
    scf.if %cond3A_21 {
      "tpu.region"() ({
        %run_scoped3A = tpu.sem_alloc : memref<!tpu.dma_semaphore, #tpu.memory_space<semaphore_mem>>
        %dma_start3A = arith.constant 9480 : i32
        %dma_start3A_22 = arith.constant 0 : i32
        %dma_start3A_23 = tpu.memref_slice %arg5[%arg0, %dma_start3A, %dma_start3A_22] : memref<2x10016x128xf32, #tpu.memory_space<hbm>> -> memref<1x536x128xf32, #tpu.memory_space<hbm>>
        %dma_start3A_24 = tpu.memref_squeeze %dma_start3A_23 : memref<1x536x128xf32, #tpu.memory_space<hbm>> -> memref<536x128xf32, #tpu.memory_space<hbm>>
        %dma_start3A_25 = arith.constant 9480 : i32
        %dma_start3A_26 = arith.constant 0 : i32
        %dma_start3A_27 = tpu.memref_slice %arg10[%dma_start3A_25, %dma_start3A_26] : memref<10016x128xf32, #tpu.memory_space<vmem_shared>> -> memref<536x128xf32, #tpu.memory_space<vmem_shared>>
        tpu.enqueue_dma source(%dma_start3A_27 : memref<536x128xf32, #tpu.memory_space<vmem_shared>>) target(%dma_start3A_24 : memref<536x128xf32, #tpu.memory_space<hbm>>) target_semaphore(%run_scoped3A : memref<!tpu.dma_semaphore, #tpu.memory_space<semaphore_mem>>)
        %dma_wait3A = arith.constant 9480 : i32
        %dma_wait3A_28 = arith.constant 0 : i32
        %dma_wait3A_29 = tpu.memref_slice %arg5[%arg0, %dma_wait3A, %dma_wait3A_28] : memref<2x10016x128xf32, #tpu.memory_space<hbm>> -> memref<1x536x128xf32, #tpu.memory_space<hbm>>
        %dma_wait3A_30 = tpu.memref_squeeze %dma_wait3A_29 : memref<1x536x128xf32, #tpu.memory_space<hbm>> -> memref<536x128xf32, #tpu.memory_space<hbm>>
        %dma_wait3A_31 = arith.constant 9480 : i32
        %dma_wait3A_32 = arith.constant 0 : i32
        %dma_wait3A_33 = tpu.memref_slice %arg10[%dma_wait3A_31, %dma_wait3A_32] : memref<10016x128xf32, #tpu.memory_space<vmem_shared>> -> memref<536x128xf32, #tpu.memory_space<vmem_shared>>
        tpu.wait_dma2 semaphore(%run_scoped3A : memref<!tpu.dma_semaphore, #tpu.memory_space<semaphore_mem>>) src(%dma_wait3A_33 : memref<536x128xf32, #tpu.memory_space<vmem_shared>>) dst(%dma_wait3A_30 : memref<536x128xf32, #tpu.memory_space<hbm>>)
        tpu.yield
      }) : () -> ()
    } else {
    }
    return
  }
}

#map = affine_map<(d0, d1) -> (0, 0)>
#map1 = affine_map<(d0, d1) -> (0, 0, 0, 0, 0, 0)>
#map2 = affine_map<(d0, d1) -> (0, 0, 0)>
module attributes {stable_mosaic.version = 14 : i64} {
  func.func @_sc_agg_body(%arg0: i32, %arg1: i32, %arg2: memref<20000x128xf32, #tpu.memory_space<hbm>>, %arg3: memref<2x16x40x2x4x128xi32, #tpu.memory_space<hbm>>, %arg4: memref<10016x128xf32, #tpu.memory_space<hbm>>, %arg5: memref<2x10016x128xf32, #tpu.memory_space<hbm>>, %arg6: memref<2x4x128xi32, #tpu.memory_space<vmem>>, %arg7: memref<128x128xf32, #tpu.memory_space<vmem>>, %arg8: memref<128x128xf32, #tpu.memory_space<vmem>>, %arg9: memref<128x128xf32, #tpu.memory_space<vmem>>, %arg10: memref<10016x128xf32, #tpu.memory_space<vmem_shared>>, %arg11: memref<!tpu.dma_semaphore, #tpu.memory_space<semaphore_mem>>, %arg12: memref<!tpu.dma_semaphore, #tpu.memory_space<semaphore_mem>>, %arg13: memref<!tpu.dma_semaphore, #tpu.memory_space<semaphore_mem>>, %arg14: memref<!tpu.dma_semaphore, #tpu.memory_space<semaphore_mem>>, %arg15: memref<!tpu.dma_semaphore, #tpu.memory_space<semaphore_mem>>, %arg16: memref<!tpu.dma_semaphore, #tpu.memory_space<semaphore_mem>>) attributes {dimension_semantics = [#tpu.dimension_semantics<core_parallel>, #tpu.dimension_semantics<subcore_parallel>], iteration_bounds = array<i64: 2, 16>, scalar_prefetch = 0 : i64, scratch_operands = 11 : i64, tpu.core_type = #tpu.core_type<sc_vector_subcore>, window_params = [{transform_indices = #map}, {transform_indices = #map1}, {transform_indices = #map}, {transform_indices = #map2}]} {
    %lt3A = arith.constant 15 : i32
    %lt3A_0 = arith.cmpi slt, %arg1, %lt3A : i32
    %convert_element_type3A = arith.extui %lt3A_0 : i1 to i32
    %cond3A = arith.constant 0 : i32
    %cond3A_1 = arith.cmpi ne, %convert_element_type3A, %cond3A : i32
    scf.if %cond3A_1 {
      %mul3A = arith.constant 632 : i32
      %mul3A_22 = arith.muli %arg1, %mul3A : i32
      "tpu.region"() ({
        %run_scoped3A = tpu.sem_alloc : memref<!tpu.dma_semaphore, #tpu.memory_space<semaphore_mem>>
        %dma_start3A = arith.constant 0 : i32
        %dma_start3A_23 = tpu.memref_slice %arg10[%mul3A_22, %dma_start3A] : memref<10016x128xf32, #tpu.memory_space<vmem_shared>> -> memref<632x128xf32, #tpu.memory_space<vmem_shared>>
        %dma_start3A_24 = arith.constant 0 : i32
        %dma_start3A_25 = tpu.memref_slice %arg4[%mul3A_22, %dma_start3A_24] : memref<10016x128xf32, #tpu.memory_space<hbm>> -> memref<632x128xf32, #tpu.memory_space<hbm>>
        tpu.enqueue_dma source(%dma_start3A_25 : memref<632x128xf32, #tpu.memory_space<hbm>>) target(%dma_start3A_23 : memref<632x128xf32, #tpu.memory_space<vmem_shared>>) target_semaphore(%run_scoped3A : memref<!tpu.dma_semaphore, #tpu.memory_space<semaphore_mem>>)
        %dma_wait3A = arith.constant 0 : i32
        %dma_wait3A_26 = tpu.memref_slice %arg10[%mul3A_22, %dma_wait3A] : memref<10016x128xf32, #tpu.memory_space<vmem_shared>> -> memref<632x128xf32, #tpu.memory_space<vmem_shared>>
        %dma_wait3A_27 = arith.constant 0 : i32
        %dma_wait3A_28 = tpu.memref_slice %arg4[%mul3A_22, %dma_wait3A_27] : memref<10016x128xf32, #tpu.memory_space<hbm>> -> memref<632x128xf32, #tpu.memory_space<hbm>>
        tpu.wait_dma2 semaphore(%run_scoped3A : memref<!tpu.dma_semaphore, #tpu.memory_space<semaphore_mem>>) src(%dma_wait3A_28 : memref<632x128xf32, #tpu.memory_space<hbm>>) dst(%dma_wait3A_26 : memref<632x128xf32, #tpu.memory_space<vmem_shared>>)
        tpu.yield
      }) : () -> ()
    } else {
    }
    %eq3A = arith.constant 15 : i32
    %eq3A_2 = arith.cmpi eq, %arg1, %eq3A : i32
    %convert_element_type3A_3 = arith.extui %eq3A_2 : i1 to i32
    %cond3A_4 = arith.constant 0 : i32
    %cond3A_5 = arith.cmpi ne, %convert_element_type3A_3, %cond3A_4 : i32
    scf.if %cond3A_5 {
      "tpu.region"() ({
        %run_scoped3A = tpu.sem_alloc : memref<!tpu.dma_semaphore, #tpu.memory_space<semaphore_mem>>
        %dma_start3A = arith.constant 9480 : i32
        %dma_start3A_22 = arith.constant 0 : i32
        %dma_start3A_23 = tpu.memref_slice %arg10[%dma_start3A, %dma_start3A_22] : memref<10016x128xf32, #tpu.memory_space<vmem_shared>> -> memref<536x128xf32, #tpu.memory_space<vmem_shared>>
        %dma_start3A_24 = arith.constant 9480 : i32
        %dma_start3A_25 = arith.constant 0 : i32
        %dma_start3A_26 = tpu.memref_slice %arg4[%dma_start3A_24, %dma_start3A_25] : memref<10016x128xf32, #tpu.memory_space<hbm>> -> memref<536x128xf32, #tpu.memory_space<hbm>>
        tpu.enqueue_dma source(%dma_start3A_26 : memref<536x128xf32, #tpu.memory_space<hbm>>) target(%dma_start3A_23 : memref<536x128xf32, #tpu.memory_space<vmem_shared>>) target_semaphore(%run_scoped3A : memref<!tpu.dma_semaphore, #tpu.memory_space<semaphore_mem>>)
        %dma_wait3A = arith.constant 9480 : i32
        %dma_wait3A_27 = arith.constant 0 : i32
        %dma_wait3A_28 = tpu.memref_slice %arg10[%dma_wait3A, %dma_wait3A_27] : memref<10016x128xf32, #tpu.memory_space<vmem_shared>> -> memref<536x128xf32, #tpu.memory_space<vmem_shared>>
        %dma_wait3A_29 = arith.constant 9480 : i32
        %dma_wait3A_30 = arith.constant 0 : i32
        %dma_wait3A_31 = tpu.memref_slice %arg4[%dma_wait3A_29, %dma_wait3A_30] : memref<10016x128xf32, #tpu.memory_space<hbm>> -> memref<536x128xf32, #tpu.memory_space<hbm>>
        tpu.wait_dma2 semaphore(%run_scoped3A : memref<!tpu.dma_semaphore, #tpu.memory_space<semaphore_mem>>) src(%dma_wait3A_31 : memref<536x128xf32, #tpu.memory_space<hbm>>) dst(%dma_wait3A_28 : memref<536x128xf32, #tpu.memory_space<vmem_shared>>)
        tpu.yield
      }) : () -> ()
    } else {
    }
    %barrier3A = arith.constant 0 : index
    tpu.barrier barrier_id(%barrier3A)
    %scan3A = arith.constant 0 : i32
    %scan3A_6 = arith.constant 0 : i32
    %scan3A_7 = arith.constant 40 : i32
    %scan3A_8 = arith.addi %scan3A_6, %scan3A_7 : i32
    %scan3A_9 = arith.constant 1 : i32
    scf.for %scan3A_22 = %scan3A_6 to %scan3A_8 step %scan3A_9  : i32 {
      "tpu.region"() ({
        %run_scoped3A = tpu.sem_alloc : memref<!tpu.dma_semaphore, #tpu.memory_space<semaphore_mem>>
        %dma_start3A_149 = arith.constant 0 : i32
        %dma_start3A_150 = arith.constant 0 : i32
        %dma_start3A_151 = arith.constant 0 : i32
        %dma_start3A_152 = tpu.memref_slice %arg3[%arg0, %arg1, %scan3A_22, %dma_start3A_149, %dma_start3A_150, %dma_start3A_151] : memref<2x16x40x2x4x128xi32, #tpu.memory_space<hbm>> -> memref<1x1x1x2x4x128xi32, #tpu.memory_space<hbm>>
        %dma_start3A_153 = tpu.memref_squeeze %dma_start3A_152 : memref<1x1x1x2x4x128xi32, #tpu.memory_space<hbm>> -> memref<2x4x128xi32, #tpu.memory_space<hbm>>
        %dma_start3A_154 = arith.constant 0 : i32
        %dma_start3A_155 = arith.constant 0 : i32
        %dma_start3A_156 = arith.constant 0 : i32
        %dma_start3A_157 = tpu.memref_slice %arg3[%arg0, %arg1, %scan3A_22, %dma_start3A_154, %dma_start3A_155, %dma_start3A_156] : memref<2x16x40x2x4x128xi32, #tpu.memory_space<hbm>> -> memref<1x1x1x2x4x128xi32, #tpu.memory_space<hbm>>
        %dma_start3A_158 = tpu.memref_squeeze %dma_start3A_157 : memref<1x1x1x2x4x128xi32, #tpu.memory_space<hbm>> -> memref<2x4x128xi32, #tpu.memory_space<hbm>>
        tpu.enqueue_dma source(%dma_start3A_158 : memref<2x4x128xi32, #tpu.memory_space<hbm>>) target(%arg6 : memref<2x4x128xi32, #tpu.memory_space<vmem>>) target_semaphore(%run_scoped3A : memref<!tpu.dma_semaphore, #tpu.memory_space<semaphore_mem>>)
        %dma_wait3A_159 = arith.constant 0 : i32
        %dma_wait3A_160 = arith.constant 0 : i32
        %dma_wait3A_161 = arith.constant 0 : i32
        %dma_wait3A_162 = tpu.memref_slice %arg3[%arg0, %arg1, %scan3A_22, %dma_wait3A_159, %dma_wait3A_160, %dma_wait3A_161] : memref<2x16x40x2x4x128xi32, #tpu.memory_space<hbm>> -> memref<1x1x1x2x4x128xi32, #tpu.memory_space<hbm>>
        %dma_wait3A_163 = tpu.memref_squeeze %dma_wait3A_162 : memref<1x1x1x2x4x128xi32, #tpu.memory_space<hbm>> -> memref<2x4x128xi32, #tpu.memory_space<hbm>>
        %dma_wait3A_164 = arith.constant 0 : i32
        %dma_wait3A_165 = arith.constant 0 : i32
        %dma_wait3A_166 = arith.constant 0 : i32
        %dma_wait3A_167 = tpu.memref_slice %arg3[%arg0, %arg1, %scan3A_22, %dma_wait3A_164, %dma_wait3A_165, %dma_wait3A_166] : memref<2x16x40x2x4x128xi32, #tpu.memory_space<hbm>> -> memref<1x1x1x2x4x128xi32, #tpu.memory_space<hbm>>
        %dma_wait3A_168 = tpu.memref_squeeze %dma_wait3A_167 : memref<1x1x1x2x4x128xi32, #tpu.memory_space<hbm>> -> memref<2x4x128xi32, #tpu.memory_space<hbm>>
        tpu.wait_dma2 semaphore(%run_scoped3A : memref<!tpu.dma_semaphore, #tpu.memory_space<semaphore_mem>>) src(%dma_wait3A_168 : memref<2x4x128xi32, #tpu.memory_space<hbm>>) dst(%arg6 : memref<2x4x128xi32, #tpu.memory_space<vmem>>)
        tpu.yield
      }) : () -> ()
      %dma_start3A = arith.constant 0 : i32
      %dma_start3A_23 = arith.constant 0 : i32
      %dma_start3A_24 = arith.constant 0 : i32
      %dma_start3A_25 = tpu.memref_slice %arg6[%dma_start3A, %dma_start3A_23, %dma_start3A_24] : memref<2x4x128xi32, #tpu.memory_space<vmem>> -> memref<1x1x128xi32, #tpu.memory_space<vmem>>
      %dma_start3A_26 = tpu.memref_squeeze %dma_start3A_25 : memref<1x1x128xi32, #tpu.memory_space<vmem>> -> memref<128xi32, #tpu.memory_space<vmem>>
      %dma_start3A_27 = arith.constant 0 : i32
      %dma_start3A_28 = arith.constant 0 : i32
      %dma_start3A_29 = tpu.memref_slice %arg2[%dma_start3A_27, %dma_start3A_28] : memref<20000x128xf32, #tpu.memory_space<hbm>> -> memref<20000x128xf32, #tpu.memory_space<hbm>>
      tpu.enqueue_indirect_dma source(%dma_start3A_29 : memref<20000x128xf32, #tpu.memory_space<hbm>>) target(%arg7 : memref<128x128xf32, #tpu.memory_space<vmem>>) offsets(%dma_start3A_26 : memref<128xi32, #tpu.memory_space<vmem>>) semaphore(%arg11 : memref<!tpu.dma_semaphore, #tpu.memory_space<semaphore_mem>>)
      %dma_start3A_30 = arith.constant 0 : i32
      %dma_start3A_31 = arith.constant 1 : i32
      %dma_start3A_32 = arith.constant 0 : i32
      %dma_start3A_33 = tpu.memref_slice %arg6[%dma_start3A_30, %dma_start3A_31, %dma_start3A_32] : memref<2x4x128xi32, #tpu.memory_space<vmem>> -> memref<1x1x128xi32, #tpu.memory_space<vmem>>
      %dma_start3A_34 = tpu.memref_squeeze %dma_start3A_33 : memref<1x1x128xi32, #tpu.memory_space<vmem>> -> memref<128xi32, #tpu.memory_space<vmem>>
      %dma_start3A_35 = arith.constant 0 : i32
      %dma_start3A_36 = arith.constant 0 : i32
      %dma_start3A_37 = tpu.memref_slice %arg2[%dma_start3A_35, %dma_start3A_36] : memref<20000x128xf32, #tpu.memory_space<hbm>> -> memref<20000x128xf32, #tpu.memory_space<hbm>>
      tpu.enqueue_indirect_dma source(%dma_start3A_37 : memref<20000x128xf32, #tpu.memory_space<hbm>>) target(%arg8 : memref<128x128xf32, #tpu.memory_space<vmem>>) offsets(%dma_start3A_34 : memref<128xi32, #tpu.memory_space<vmem>>) semaphore(%arg12 : memref<!tpu.dma_semaphore, #tpu.memory_space<semaphore_mem>>)
      %dma_wait3A = arith.constant 0 : i32
      %dma_wait3A_38 = arith.constant 0 : i32
      %dma_wait3A_39 = arith.constant 0 : i32
      %dma_wait3A_40 = tpu.memref_slice %arg6[%dma_wait3A, %dma_wait3A_38, %dma_wait3A_39] : memref<2x4x128xi32, #tpu.memory_space<vmem>> -> memref<1x1x128xi32, #tpu.memory_space<vmem>>
      %dma_wait3A_41 = tpu.memref_squeeze %dma_wait3A_40 : memref<1x1x128xi32, #tpu.memory_space<vmem>> -> memref<128xi32, #tpu.memory_space<vmem>>
      %dma_wait3A_42 = arith.constant 0 : i32
      %dma_wait3A_43 = arith.constant 0 : i32
      %dma_wait3A_44 = tpu.memref_slice %arg2[%dma_wait3A_42, %dma_wait3A_43] : memref<20000x128xf32, #tpu.memory_space<hbm>> -> memref<20000x128xf32, #tpu.memory_space<hbm>>
      tpu.wait_indirect_dma semaphore(%arg11 : memref<!tpu.dma_semaphore, #tpu.memory_space<semaphore_mem>>) src(%dma_wait3A_44 : memref<20000x128xf32, #tpu.memory_space<hbm>>) dst(%arg7 : memref<128x128xf32, #tpu.memory_space<vmem>>)
      %dma_start3A_45 = arith.constant 0 : i32
      %dma_start3A_46 = arith.constant 2 : i32
      %dma_start3A_47 = arith.constant 0 : i32
      %dma_start3A_48 = tpu.memref_slice %arg6[%dma_start3A_45, %dma_start3A_46, %dma_start3A_47] : memref<2x4x128xi32, #tpu.memory_space<vmem>> -> memref<1x1x128xi32, #tpu.memory_space<vmem>>
      %dma_start3A_49 = tpu.memref_squeeze %dma_start3A_48 : memref<1x1x128xi32, #tpu.memory_space<vmem>> -> memref<128xi32, #tpu.memory_space<vmem>>
      %dma_start3A_50 = arith.constant 0 : i32
      %dma_start3A_51 = arith.constant 0 : i32
      %dma_start3A_52 = tpu.memref_slice %arg2[%dma_start3A_50, %dma_start3A_51] : memref<20000x128xf32, #tpu.memory_space<hbm>> -> memref<20000x128xf32, #tpu.memory_space<hbm>>
      tpu.enqueue_indirect_dma source(%dma_start3A_52 : memref<20000x128xf32, #tpu.memory_space<hbm>>) target(%arg9 : memref<128x128xf32, #tpu.memory_space<vmem>>) offsets(%dma_start3A_49 : memref<128xi32, #tpu.memory_space<vmem>>) semaphore(%arg13 : memref<!tpu.dma_semaphore, #tpu.memory_space<semaphore_mem>>)
      %dma_start3A_53 = arith.constant 1 : i32
      %dma_start3A_54 = arith.constant 0 : i32
      %dma_start3A_55 = arith.constant 0 : i32
      %dma_start3A_56 = tpu.memref_slice %arg6[%dma_start3A_53, %dma_start3A_54, %dma_start3A_55] : memref<2x4x128xi32, #tpu.memory_space<vmem>> -> memref<1x1x128xi32, #tpu.memory_space<vmem>>
      %dma_start3A_57 = tpu.memref_squeeze %dma_start3A_56 : memref<1x1x128xi32, #tpu.memory_space<vmem>> -> memref<128xi32, #tpu.memory_space<vmem>>
      %dma_start3A_58 = arith.constant 0 : i32
      %dma_start3A_59 = arith.constant 0 : i32
      %dma_start3A_60 = tpu.memref_slice %arg10[%dma_start3A_58, %dma_start3A_59] : memref<10016x128xf32, #tpu.memory_space<vmem_shared>> -> memref<10016x128xf32, #tpu.memory_space<vmem_shared>>
      tpu.enqueue_indirect_dma source(%arg7 : memref<128x128xf32, #tpu.memory_space<vmem>>) target(%dma_start3A_60 : memref<10016x128xf32, #tpu.memory_space<vmem_shared>>) offsets(%dma_start3A_57 : memref<128xi32, #tpu.memory_space<vmem>>) semaphore(%arg14 : memref<!tpu.dma_semaphore, #tpu.memory_space<semaphore_mem>>) {add = true}
      %dma_wait3A_61 = arith.constant 0 : i32
      %dma_wait3A_62 = arith.constant 1 : i32
      %dma_wait3A_63 = arith.constant 0 : i32
      %dma_wait3A_64 = tpu.memref_slice %arg6[%dma_wait3A_61, %dma_wait3A_62, %dma_wait3A_63] : memref<2x4x128xi32, #tpu.memory_space<vmem>> -> memref<1x1x128xi32, #tpu.memory_space<vmem>>
      %dma_wait3A_65 = tpu.memref_squeeze %dma_wait3A_64 : memref<1x1x128xi32, #tpu.memory_space<vmem>> -> memref<128xi32, #tpu.memory_space<vmem>>
      %dma_wait3A_66 = arith.constant 0 : i32
      %dma_wait3A_67 = arith.constant 0 : i32
      %dma_wait3A_68 = tpu.memref_slice %arg2[%dma_wait3A_66, %dma_wait3A_67] : memref<20000x128xf32, #tpu.memory_space<hbm>> -> memref<20000x128xf32, #tpu.memory_space<hbm>>
      tpu.wait_indirect_dma semaphore(%arg12 : memref<!tpu.dma_semaphore, #tpu.memory_space<semaphore_mem>>) src(%dma_wait3A_68 : memref<20000x128xf32, #tpu.memory_space<hbm>>) dst(%arg8 : memref<128x128xf32, #tpu.memory_space<vmem>>)
      %dma_wait3A_69 = arith.constant 1 : i32
      %dma_wait3A_70 = arith.constant 0 : i32
      %dma_wait3A_71 = arith.constant 0 : i32
      %dma_wait3A_72 = tpu.memref_slice %arg6[%dma_wait3A_69, %dma_wait3A_70, %dma_wait3A_71] : memref<2x4x128xi32, #tpu.memory_space<vmem>> -> memref<1x1x128xi32, #tpu.memory_space<vmem>>
      %dma_wait3A_73 = tpu.memref_squeeze %dma_wait3A_72 : memref<1x1x128xi32, #tpu.memory_space<vmem>> -> memref<128xi32, #tpu.memory_space<vmem>>
      %dma_wait3A_74 = arith.constant 0 : i32
      %dma_wait3A_75 = arith.constant 0 : i32
      %dma_wait3A_76 = tpu.memref_slice %arg10[%dma_wait3A_74, %dma_wait3A_75] : memref<10016x128xf32, #tpu.memory_space<vmem_shared>> -> memref<10016x128xf32, #tpu.memory_space<vmem_shared>>
      tpu.wait_indirect_dma semaphore(%arg14 : memref<!tpu.dma_semaphore, #tpu.memory_space<semaphore_mem>>) src(%arg7 : memref<128x128xf32, #tpu.memory_space<vmem>>) dst(%dma_wait3A_76 : memref<10016x128xf32, #tpu.memory_space<vmem_shared>>)
      %dma_start3A_77 = arith.constant 0 : i32
      %dma_start3A_78 = arith.constant 3 : i32
      %dma_start3A_79 = arith.constant 0 : i32
      %dma_start3A_80 = tpu.memref_slice %arg6[%dma_start3A_77, %dma_start3A_78, %dma_start3A_79] : memref<2x4x128xi32, #tpu.memory_space<vmem>> -> memref<1x1x128xi32, #tpu.memory_space<vmem>>
      %dma_start3A_81 = tpu.memref_squeeze %dma_start3A_80 : memref<1x1x128xi32, #tpu.memory_space<vmem>> -> memref<128xi32, #tpu.memory_space<vmem>>
      %dma_start3A_82 = arith.constant 0 : i32
      %dma_start3A_83 = arith.constant 0 : i32
      %dma_start3A_84 = tpu.memref_slice %arg2[%dma_start3A_82, %dma_start3A_83] : memref<20000x128xf32, #tpu.memory_space<hbm>> -> memref<20000x128xf32, #tpu.memory_space<hbm>>
      tpu.enqueue_indirect_dma source(%dma_start3A_84 : memref<20000x128xf32, #tpu.memory_space<hbm>>) target(%arg7 : memref<128x128xf32, #tpu.memory_space<vmem>>) offsets(%dma_start3A_81 : memref<128xi32, #tpu.memory_space<vmem>>) semaphore(%arg11 : memref<!tpu.dma_semaphore, #tpu.memory_space<semaphore_mem>>)
      %dma_start3A_85 = arith.constant 1 : i32
      %dma_start3A_86 = arith.constant 1 : i32
      %dma_start3A_87 = arith.constant 0 : i32
      %dma_start3A_88 = tpu.memref_slice %arg6[%dma_start3A_85, %dma_start3A_86, %dma_start3A_87] : memref<2x4x128xi32, #tpu.memory_space<vmem>> -> memref<1x1x128xi32, #tpu.memory_space<vmem>>
      %dma_start3A_89 = tpu.memref_squeeze %dma_start3A_88 : memref<1x1x128xi32, #tpu.memory_space<vmem>> -> memref<128xi32, #tpu.memory_space<vmem>>
      %dma_start3A_90 = arith.constant 0 : i32
      %dma_start3A_91 = arith.constant 0 : i32
      %dma_start3A_92 = tpu.memref_slice %arg10[%dma_start3A_90, %dma_start3A_91] : memref<10016x128xf32, #tpu.memory_space<vmem_shared>> -> memref<10016x128xf32, #tpu.memory_space<vmem_shared>>
      tpu.enqueue_indirect_dma source(%arg8 : memref<128x128xf32, #tpu.memory_space<vmem>>) target(%dma_start3A_92 : memref<10016x128xf32, #tpu.memory_space<vmem_shared>>) offsets(%dma_start3A_89 : memref<128xi32, #tpu.memory_space<vmem>>) semaphore(%arg15 : memref<!tpu.dma_semaphore, #tpu.memory_space<semaphore_mem>>) {add = true}
      %dma_wait3A_93 = arith.constant 0 : i32
      %dma_wait3A_94 = arith.constant 2 : i32
      %dma_wait3A_95 = arith.constant 0 : i32
      %dma_wait3A_96 = tpu.memref_slice %arg6[%dma_wait3A_93, %dma_wait3A_94, %dma_wait3A_95] : memref<2x4x128xi32, #tpu.memory_space<vmem>> -> memref<1x1x128xi32, #tpu.memory_space<vmem>>
      %dma_wait3A_97 = tpu.memref_squeeze %dma_wait3A_96 : memref<1x1x128xi32, #tpu.memory_space<vmem>> -> memref<128xi32, #tpu.memory_space<vmem>>
      %dma_wait3A_98 = arith.constant 0 : i32
      %dma_wait3A_99 = arith.constant 0 : i32
      %dma_wait3A_100 = tpu.memref_slice %arg2[%dma_wait3A_98, %dma_wait3A_99] : memref<20000x128xf32, #tpu.memory_space<hbm>> -> memref<20000x128xf32, #tpu.memory_space<hbm>>
      tpu.wait_indirect_dma semaphore(%arg13 : memref<!tpu.dma_semaphore, #tpu.memory_space<semaphore_mem>>) src(%dma_wait3A_100 : memref<20000x128xf32, #tpu.memory_space<hbm>>) dst(%arg9 : memref<128x128xf32, #tpu.memory_space<vmem>>)
      %dma_start3A_101 = arith.constant 1 : i32
      %dma_start3A_102 = arith.constant 2 : i32
      %dma_start3A_103 = arith.constant 0 : i32
      %dma_start3A_104 = tpu.memref_slice %arg6[%dma_start3A_101, %dma_start3A_102, %dma_start3A_103] : memref<2x4x128xi32, #tpu.memory_space<vmem>> -> memref<1x1x128xi32, #tpu.memory_space<vmem>>
      %dma_start3A_105 = tpu.memref_squeeze %dma_start3A_104 : memref<1x1x128xi32, #tpu.memory_space<vmem>> -> memref<128xi32, #tpu.memory_space<vmem>>
      %dma_start3A_106 = arith.constant 0 : i32
      %dma_start3A_107 = arith.constant 0 : i32
      %dma_start3A_108 = tpu.memref_slice %arg10[%dma_start3A_106, %dma_start3A_107] : memref<10016x128xf32, #tpu.memory_space<vmem_shared>> -> memref<10016x128xf32, #tpu.memory_space<vmem_shared>>
      tpu.enqueue_indirect_dma source(%arg9 : memref<128x128xf32, #tpu.memory_space<vmem>>) target(%dma_start3A_108 : memref<10016x128xf32, #tpu.memory_space<vmem_shared>>) offsets(%dma_start3A_105 : memref<128xi32, #tpu.memory_space<vmem>>) semaphore(%arg16 : memref<!tpu.dma_semaphore, #tpu.memory_space<semaphore_mem>>) {add = true}
      %dma_wait3A_109 = arith.constant 0 : i32
      %dma_wait3A_110 = arith.constant 3 : i32
      %dma_wait3A_111 = arith.constant 0 : i32
      %dma_wait3A_112 = tpu.memref_slice %arg6[%dma_wait3A_109, %dma_wait3A_110, %dma_wait3A_111] : memref<2x4x128xi32, #tpu.memory_space<vmem>> -> memref<1x1x128xi32, #tpu.memory_space<vmem>>
      %dma_wait3A_113 = tpu.memref_squeeze %dma_wait3A_112 : memref<1x1x128xi32, #tpu.memory_space<vmem>> -> memref<128xi32, #tpu.memory_space<vmem>>
      %dma_wait3A_114 = arith.constant 0 : i32
      %dma_wait3A_115 = arith.constant 0 : i32
      %dma_wait3A_116 = tpu.memref_slice %arg2[%dma_wait3A_114, %dma_wait3A_115] : memref<20000x128xf32, #tpu.memory_space<hbm>> -> memref<20000x128xf32, #tpu.memory_space<hbm>>
      tpu.wait_indirect_dma semaphore(%arg11 : memref<!tpu.dma_semaphore, #tpu.memory_space<semaphore_mem>>) src(%dma_wait3A_116 : memref<20000x128xf32, #tpu.memory_space<hbm>>) dst(%arg7 : memref<128x128xf32, #tpu.memory_space<vmem>>)
      %dma_start3A_117 = arith.constant 1 : i32
      %dma_start3A_118 = arith.constant 3 : i32
      %dma_start3A_119 = arith.constant 0 : i32
      %dma_start3A_120 = tpu.memref_slice %arg6[%dma_start3A_117, %dma_start3A_118, %dma_start3A_119] : memref<2x4x128xi32, #tpu.memory_space<vmem>> -> memref<1x1x128xi32, #tpu.memory_space<vmem>>
      %dma_start3A_121 = tpu.memref_squeeze %dma_start3A_120 : memref<1x1x128xi32, #tpu.memory_space<vmem>> -> memref<128xi32, #tpu.memory_space<vmem>>
      %dma_start3A_122 = arith.constant 0 : i32
      %dma_start3A_123 = arith.constant 0 : i32
      %dma_start3A_124 = tpu.memref_slice %arg10[%dma_start3A_122, %dma_start3A_123] : memref<10016x128xf32, #tpu.memory_space<vmem_shared>> -> memref<10016x128xf32, #tpu.memory_space<vmem_shared>>
      tpu.enqueue_indirect_dma source(%arg7 : memref<128x128xf32, #tpu.memory_space<vmem>>) target(%dma_start3A_124 : memref<10016x128xf32, #tpu.memory_space<vmem_shared>>) offsets(%dma_start3A_121 : memref<128xi32, #tpu.memory_space<vmem>>) semaphore(%arg14 : memref<!tpu.dma_semaphore, #tpu.memory_space<semaphore_mem>>) {add = true}
      %dma_wait3A_125 = arith.constant 1 : i32
      %dma_wait3A_126 = arith.constant 1 : i32
      %dma_wait3A_127 = arith.constant 0 : i32
      %dma_wait3A_128 = tpu.memref_slice %arg6[%dma_wait3A_125, %dma_wait3A_126, %dma_wait3A_127] : memref<2x4x128xi32, #tpu.memory_space<vmem>> -> memref<1x1x128xi32, #tpu.memory_space<vmem>>
      %dma_wait3A_129 = tpu.memref_squeeze %dma_wait3A_128 : memref<1x1x128xi32, #tpu.memory_space<vmem>> -> memref<128xi32, #tpu.memory_space<vmem>>
      %dma_wait3A_130 = arith.constant 0 : i32
      %dma_wait3A_131 = arith.constant 0 : i32
      %dma_wait3A_132 = tpu.memref_slice %arg10[%dma_wait3A_130, %dma_wait3A_131] : memref<10016x128xf32, #tpu.memory_space<vmem_shared>> -> memref<10016x128xf32, #tpu.memory_space<vmem_shared>>
      tpu.wait_indirect_dma semaphore(%arg15 : memref<!tpu.dma_semaphore, #tpu.memory_space<semaphore_mem>>) src(%arg8 : memref<128x128xf32, #tpu.memory_space<vmem>>) dst(%dma_wait3A_132 : memref<10016x128xf32, #tpu.memory_space<vmem_shared>>)
      %dma_wait3A_133 = arith.constant 1 : i32
      %dma_wait3A_134 = arith.constant 2 : i32
      %dma_wait3A_135 = arith.constant 0 : i32
      %dma_wait3A_136 = tpu.memref_slice %arg6[%dma_wait3A_133, %dma_wait3A_134, %dma_wait3A_135] : memref<2x4x128xi32, #tpu.memory_space<vmem>> -> memref<1x1x128xi32, #tpu.memory_space<vmem>>
      %dma_wait3A_137 = tpu.memref_squeeze %dma_wait3A_136 : memref<1x1x128xi32, #tpu.memory_space<vmem>> -> memref<128xi32, #tpu.memory_space<vmem>>
      %dma_wait3A_138 = arith.constant 0 : i32
      %dma_wait3A_139 = arith.constant 0 : i32
      %dma_wait3A_140 = tpu.memref_slice %arg10[%dma_wait3A_138, %dma_wait3A_139] : memref<10016x128xf32, #tpu.memory_space<vmem_shared>> -> memref<10016x128xf32, #tpu.memory_space<vmem_shared>>
      tpu.wait_indirect_dma semaphore(%arg16 : memref<!tpu.dma_semaphore, #tpu.memory_space<semaphore_mem>>) src(%arg9 : memref<128x128xf32, #tpu.memory_space<vmem>>) dst(%dma_wait3A_140 : memref<10016x128xf32, #tpu.memory_space<vmem_shared>>)
      %dma_wait3A_141 = arith.constant 1 : i32
      %dma_wait3A_142 = arith.constant 3 : i32
      %dma_wait3A_143 = arith.constant 0 : i32
      %dma_wait3A_144 = tpu.memref_slice %arg6[%dma_wait3A_141, %dma_wait3A_142, %dma_wait3A_143] : memref<2x4x128xi32, #tpu.memory_space<vmem>> -> memref<1x1x128xi32, #tpu.memory_space<vmem>>
      %dma_wait3A_145 = tpu.memref_squeeze %dma_wait3A_144 : memref<1x1x128xi32, #tpu.memory_space<vmem>> -> memref<128xi32, #tpu.memory_space<vmem>>
      %dma_wait3A_146 = arith.constant 0 : i32
      %dma_wait3A_147 = arith.constant 0 : i32
      %dma_wait3A_148 = tpu.memref_slice %arg10[%dma_wait3A_146, %dma_wait3A_147] : memref<10016x128xf32, #tpu.memory_space<vmem_shared>> -> memref<10016x128xf32, #tpu.memory_space<vmem_shared>>
      tpu.wait_indirect_dma semaphore(%arg14 : memref<!tpu.dma_semaphore, #tpu.memory_space<semaphore_mem>>) src(%arg7 : memref<128x128xf32, #tpu.memory_space<vmem>>) dst(%dma_wait3A_148 : memref<10016x128xf32, #tpu.memory_space<vmem_shared>>)
    }
    %scan3A_10 = arith.constant 40 : i32
    %barrier3A_11 = arith.constant 0 : index
    tpu.barrier barrier_id(%barrier3A_11)
    %lt3A_12 = arith.constant 15 : i32
    %lt3A_13 = arith.cmpi slt, %arg1, %lt3A_12 : i32
    %convert_element_type3A_14 = arith.extui %lt3A_13 : i1 to i32
    %cond3A_15 = arith.constant 0 : i32
    %cond3A_16 = arith.cmpi ne, %convert_element_type3A_14, %cond3A_15 : i32
    scf.if %cond3A_16 {
      %mul3A = arith.constant 632 : i32
      %mul3A_22 = arith.muli %arg1, %mul3A : i32
      "tpu.region"() ({
        %run_scoped3A = tpu.sem_alloc : memref<!tpu.dma_semaphore, #tpu.memory_space<semaphore_mem>>
        %dma_start3A = arith.constant 0 : i32
        %dma_start3A_23 = tpu.memref_slice %arg5[%arg0, %mul3A_22, %dma_start3A] : memref<2x10016x128xf32, #tpu.memory_space<hbm>> -> memref<1x632x128xf32, #tpu.memory_space<hbm>>
        %dma_start3A_24 = tpu.memref_squeeze %dma_start3A_23 : memref<1x632x128xf32, #tpu.memory_space<hbm>> -> memref<632x128xf32, #tpu.memory_space<hbm>>
        %dma_start3A_25 = arith.constant 0 : i32
        %dma_start3A_26 = tpu.memref_slice %arg10[%mul3A_22, %dma_start3A_25] : memref<10016x128xf32, #tpu.memory_space<vmem_shared>> -> memref<632x128xf32, #tpu.memory_space<vmem_shared>>
        tpu.enqueue_dma source(%dma_start3A_26 : memref<632x128xf32, #tpu.memory_space<vmem_shared>>) target(%dma_start3A_24 : memref<632x128xf32, #tpu.memory_space<hbm>>) target_semaphore(%run_scoped3A : memref<!tpu.dma_semaphore, #tpu.memory_space<semaphore_mem>>)
        %dma_wait3A = arith.constant 0 : i32
        %dma_wait3A_27 = tpu.memref_slice %arg5[%arg0, %mul3A_22, %dma_wait3A] : memref<2x10016x128xf32, #tpu.memory_space<hbm>> -> memref<1x632x128xf32, #tpu.memory_space<hbm>>
        %dma_wait3A_28 = tpu.memref_squeeze %dma_wait3A_27 : memref<1x632x128xf32, #tpu.memory_space<hbm>> -> memref<632x128xf32, #tpu.memory_space<hbm>>
        %dma_wait3A_29 = arith.constant 0 : i32
        %dma_wait3A_30 = tpu.memref_slice %arg10[%mul3A_22, %dma_wait3A_29] : memref<10016x128xf32, #tpu.memory_space<vmem_shared>> -> memref<632x128xf32, #tpu.memory_space<vmem_shared>>
        tpu.wait_dma2 semaphore(%run_scoped3A : memref<!tpu.dma_semaphore, #tpu.memory_space<semaphore_mem>>) src(%dma_wait3A_30 : memref<632x128xf32, #tpu.memory_space<vmem_shared>>) dst(%dma_wait3A_28 : memref<632x128xf32, #tpu.memory_space<hbm>>)
        tpu.yield
      }) : () -> ()
    } else {
    }
    %eq3A_17 = arith.constant 15 : i32
    %eq3A_18 = arith.cmpi eq, %arg1, %eq3A_17 : i32
    %convert_element_type3A_19 = arith.extui %eq3A_18 : i1 to i32
    %cond3A_20 = arith.constant 0 : i32
    %cond3A_21 = arith.cmpi ne, %convert_element_type3A_19, %cond3A_20 : i32
    scf.if %cond3A_21 {
      "tpu.region"() ({
        %run_scoped3A = tpu.sem_alloc : memref<!tpu.dma_semaphore, #tpu.memory_space<semaphore_mem>>
        %dma_start3A = arith.constant 9480 : i32
        %dma_start3A_22 = arith.constant 0 : i32
        %dma_start3A_23 = tpu.memref_slice %arg5[%arg0, %dma_start3A, %dma_start3A_22] : memref<2x10016x128xf32, #tpu.memory_space<hbm>> -> memref<1x536x128xf32, #tpu.memory_space<hbm>>
        %dma_start3A_24 = tpu.memref_squeeze %dma_start3A_23 : memref<1x536x128xf32, #tpu.memory_space<hbm>> -> memref<536x128xf32, #tpu.memory_space<hbm>>
        %dma_start3A_25 = arith.constant 9480 : i32
        %dma_start3A_26 = arith.constant 0 : i32
        %dma_start3A_27 = tpu.memref_slice %arg10[%dma_start3A_25, %dma_start3A_26] : memref<10016x128xf32, #tpu.memory_space<vmem_shared>> -> memref<536x128xf32, #tpu.memory_space<vmem_shared>>
        tpu.enqueue_dma source(%dma_start3A_27 : memref<536x128xf32, #tpu.memory_space<vmem_shared>>) target(%dma_start3A_24 : memref<536x128xf32, #tpu.memory_space<hbm>>) target_semaphore(%run_scoped3A : memref<!tpu.dma_semaphore, #tpu.memory_space<semaphore_mem>>)
        %dma_wait3A = arith.constant 9480 : i32
        %dma_wait3A_28 = arith.constant 0 : i32
        %dma_wait3A_29 = tpu.memref_slice %arg5[%arg0, %dma_wait3A, %dma_wait3A_28] : memref<2x10016x128xf32, #tpu.memory_space<hbm>> -> memref<1x536x128xf32, #tpu.memory_space<hbm>>
        %dma_wait3A_30 = tpu.memref_squeeze %dma_wait3A_29 : memref<1x536x128xf32, #tpu.memory_space<hbm>> -> memref<536x128xf32, #tpu.memory_space<hbm>>
        %dma_wait3A_31 = arith.constant 9480 : i32
        %dma_wait3A_32 = arith.constant 0 : i32
        %dma_wait3A_33 = tpu.memref_slice %arg10[%dma_wait3A_31, %dma_wait3A_32] : memref<10016x128xf32, #tpu.memory_space<vmem_shared>> -> memref<536x128xf32, #tpu.memory_space<vmem_shared>>
        tpu.wait_dma2 semaphore(%run_scoped3A : memref<!tpu.dma_semaphore, #tpu.memory_space<semaphore_mem>>) src(%dma_wait3A_33 : memref<536x128xf32, #tpu.memory_space<vmem_shared>>) dst(%dma_wait3A_30 : memref<536x128xf32, #tpu.memory_space<hbm>>)
        tpu.yield
      }) : () -> ()
    } else {
    }
    return
  }
}

module attributes {stable_mosaic.version = 14 : i64} {
  func.func @_matmul_body(%arg0: i32, %arg1: memref<400x128xf32, #tpu.memory_space<vmem>>, %arg2: memref<1x128x128xf32, #tpu.memory_space<vmem>>, %arg3: memref<400x128xf32, #tpu.memory_space<vmem>>) attributes {dimension_semantics = [#tpu.dimension_semantics<arbitrary>], iteration_bounds = array<i64: 50>, scalar_prefetch = 0 : i64, scratch_operands = 0 : i64, tpu.core_type = #tpu.core_type<tc>, window_params = [{transform_indices = @transform_0, window_bounds = array<i64: 400, 128>}, {transform_indices = @transform_1, window_bounds = array<i64: 1, 128, 128>}, {transform_indices = @transform_2, window_bounds = array<i64: 400, 128>}]} {
    %get3A = arith.constant 0 : index
    %get3A_0 = arith.constant 0 : index
    %get3A_1 = vector.load %arg1[%get3A, %get3A_0] : memref<400x128xf32, #tpu.memory_space<vmem>>, vector<400x128xf32>
    %get3A_2 = arith.constant 0 : index
    %get3A_3 = arith.constant 0 : index
    %get3A_4 = arith.constant 0 : index
    %get3A_5 = vector.load %arg2[%get3A_2, %get3A_3, %get3A_4] : memref<1x128x128xf32, #tpu.memory_space<vmem>>, vector<1x128x128xf32>
    %get3A_6 = vector.shape_cast %get3A_5 : vector<1x128x128xf32> to vector<128x128xf32>
    %dot_general3A = arith.constant dense<0.000000e+00> : vector<400x128xf32>
    %dot_general3A_7 = tpu.matmul %get3A_1, %get3A_6, %dot_general3A {dimension_numbers = #tpu.dot_dimension_numbers<[1], [0], [0], [1], [0, 0, 1, 1], [], []>, transpose_lhs_hint = false} : vector<400x128xf32>, vector<128x128xf32>, vector<400x128xf32> -> vector<400x128xf32>
    %swap3A = arith.constant 0 : index
    %swap3A_8 = arith.constant 0 : index
    %swap3A_9 = vector.load %arg3[%swap3A, %swap3A_8] : memref<400x128xf32, #tpu.memory_space<vmem>>, vector<400x128xf32>
    tpu.vector_store %arg3[%swap3A, %swap3A_8], %dot_general3A_7 {strides = array<i32>} : memref<400x128xf32, #tpu.memory_space<vmem>>, vector<400x128xf32>,
    return
  }
  func.func @transform_0(%arg0: i32) -> (i32, i32) {
    %c0_i32 = arith.constant 0 : i32
    %c0_i32_0 = arith.constant 0 : i32
    return %arg0, %c0_i32 : i32, i32
  }
  func.func @transform_1(%arg0: i32) -> (i32, i32, i32) {
    %jit3A = arith.constant 25 : i32
    %div3A = arith.divsi %arg0, %jit3A : i32
    %sign3A = arith.constant 0 : i32
    %sign3A_0 = arith.cmpi sgt, %arg0, %sign3A : i32
    %sign3A_1 = arith.extui %sign3A_0 : i1 to i32
    %sign3A_2 = arith.constant 0 : i32
    %sign3A_3 = arith.cmpi slt, %arg0, %sign3A_2 : i32
    %sign3A_4 = arith.extui %sign3A_3 : i1 to i32
    %sign3A_5 = arith.subi %sign3A_1, %sign3A_4 : i32
    %sign3A_6 = arith.constant 0 : i32
    %sign3A_7 = arith.cmpi sgt, %jit3A, %sign3A_6 : i32
    %sign3A_8 = arith.extui %sign3A_7 : i1 to i32
    %sign3A_9 = arith.constant 0 : i32
    %sign3A_10 = arith.cmpi slt, %jit3A, %sign3A_9 : i32
    %sign3A_11 = arith.extui %sign3A_10 : i1 to i32
    %sign3A_12 = arith.subi %sign3A_8, %sign3A_11 : i32
    %ne3A = arith.cmpi ne, %sign3A_5, %sign3A_12 : i32
    %rem3A = arith.remsi %arg0, %jit3A : i32
    %ne3A_13 = arith.constant 0 : i32
    %ne3A_14 = arith.cmpi ne, %rem3A, %ne3A_13 : i32
    %and3A = arith.andi %ne3A, %ne3A_14 : i1
    %sub3A = arith.constant 1 : i32
    %sub3A_15 = arith.subi %div3A, %sub3A : i32
    %select_n3A = arith.select %and3A, %sub3A_15, %div3A : i32
    %c0_i32 = arith.constant 0 : i32
    %c0_i32_16 = arith.constant 0 : i32
    %c0_i32_17 = arith.constant 0 : i32
    return %select_n3A, %c0_i32, %c0_i32_16 : i32, i32, i32
  }
  func.func @transform_2(%arg0: i32) -> (i32, i32) {
    %c0_i32 = arith.constant 0 : i32
    %c0_i32_0 = arith.constant 0 : i32
    return %arg0, %c0_i32 : i32, i32
  }
}

module attributes {stable_mosaic.version = 14 : i64} {
  func.func @_mid_body(%arg0: i32, %arg1: memref<1x400x128xf32, #tpu.memory_space<vmem>>, %arg2: memref<1x400x128xf32, #tpu.memory_space<vmem>>, %arg3: memref<400x128xf32, #tpu.memory_space<vmem>>, %arg4: memref<1x1x128xf32, #tpu.memory_space<vmem>>, %arg5: memref<1x128x128xf32, #tpu.memory_space<vmem>>, %arg6: memref<400x128xf32, #tpu.memory_space<vmem>>, %arg7: memref<400x128xf32, #tpu.memory_space<vmem>>) attributes {dimension_semantics = [#tpu.dimension_semantics<arbitrary>], iteration_bounds = array<i64: 50>, scalar_prefetch = 0 : i64, scratch_operands = 0 : i64, tpu.core_type = #tpu.core_type<tc>, window_params = [{transform_indices = @transform_0, window_bounds = array<i64: 1, 400, 128>}, {transform_indices = @transform_1, window_bounds = array<i64: 1, 400, 128>}, {transform_indices = @transform_2, window_bounds = array<i64: 400, 128>}, {transform_indices = @transform_3, window_bounds = array<i64: 1, 1, 128>}, {transform_indices = @transform_4, window_bounds = array<i64: 1, 128, 128>}, {transform_indices = @transform_5, window_bounds = array<i64: 400, 128>}, {transform_indices = @transform_6, window_bounds = array<i64: 400, 128>}]} {
    %get3A = arith.constant 0 : index
    %get3A_0 = arith.constant 0 : index
    %get3A_1 = arith.constant 0 : index
    %get3A_2 = vector.load %arg2[%get3A, %get3A_0, %get3A_1] : memref<1x400x128xf32, #tpu.memory_space<vmem>>, vector<1x400x128xf32>
    %get3A_3 = vector.shape_cast %get3A_2 : vector<1x400x128xf32> to vector<400x128xf32>
    %max3A = arith.constant 1.000000e+00 : f32
    %max3A_4 = vector.broadcast %max3A : f32 to vector<400x128xf32>
    %max3A_5 = arith.maximumf %get3A_3, %max3A_4 : vector<400x128xf32>
    %get3A_6 = arith.constant 0 : index
    %get3A_7 = arith.constant 0 : index
    %get3A_8 = arith.constant 0 : index
    %get3A_9 = vector.load %arg1[%get3A_6, %get3A_7, %get3A_8] : memref<1x400x128xf32, #tpu.memory_space<vmem>>, vector<1x400x128xf32>
    %get3A_10 = vector.shape_cast %get3A_9 : vector<1x400x128xf32> to vector<400x128xf32>
    %div3A = arith.divf %get3A_10, %max3A_5 : vector<400x128xf32>
    %get3A_11 = arith.constant 0 : index
    %get3A_12 = arith.constant 0 : index
    %get3A_13 = arith.constant 0 : index
    %get3A_14 = vector.load %arg4[%get3A_11, %get3A_12, %get3A_13] : memref<1x1x128xf32, #tpu.memory_space<vmem>>, vector<1x1x128xf32>
    %get3A_15 = vector.shape_cast %get3A_14 : vector<1x1x128xf32> to vector<1x128xf32>
    %add3A = vector.broadcast %get3A_15 : vector<1x128xf32> to vector<400x128xf32>
    %add3A_16 = arith.addf %div3A, %add3A : vector<400x128xf32>
    %get3A_17 = arith.constant 0 : index
    %get3A_18 = arith.constant 0 : index
    %get3A_19 = vector.load %arg3[%get3A_17, %get3A_18] : memref<400x128xf32, #tpu.memory_space<vmem>>, vector<400x128xf32>
    %add3A_20 = arith.addf %add3A_16, %get3A_19 : vector<400x128xf32>
    %max3A_21 = arith.constant 0.000000e+00 : f32
    %max3A_22 = vector.broadcast %max3A_21 : f32 to vector<400x128xf32>
    %max3A_23 = arith.maximumf %add3A_20, %max3A_22 : vector<400x128xf32>
    %get3A_24 = arith.constant 0 : index
    %get3A_25 = arith.constant 0 : index
    %get3A_26 = arith.constant 0 : index
    %get3A_27 = vector.load %arg5[%get3A_24, %get3A_25, %get3A_26] : memref<1x128x128xf32, #tpu.memory_space<vmem>>, vector<1x128x128xf32>
    %get3A_28 = vector.shape_cast %get3A_27 : vector<1x128x128xf32> to vector<128x128xf32>
    %dot_general3A = arith.constant dense<0.000000e+00> : vector<400x128xf32>
    %dot_general3A_29 = tpu.matmul %max3A_23, %get3A_28, %dot_general3A {dimension_numbers = #tpu.dot_dimension_numbers<[1], [0], [0], [1], [0, 0, 1, 1], [], []>, transpose_lhs_hint = false} : vector<400x128xf32>, vector<128x128xf32>, vector<400x128xf32> -> vector<400x128xf32>
    %swap3A = arith.constant 0 : index
    %swap3A_30 = arith.constant 0 : index
    %swap3A_31 = vector.load %arg6[%swap3A, %swap3A_30] : memref<400x128xf32, #tpu.memory_space<vmem>>, vector<400x128xf32>
    tpu.vector_store %arg6[%swap3A, %swap3A_30], %dot_general3A_29 {strides = array<i32>} : memref<400x128xf32, #tpu.memory_space<vmem>>, vector<400x128xf32>,
    %swap3A_32 = arith.constant 0 : index
    %swap3A_33 = arith.constant 0 : index
    %swap3A_34 = vector.load %arg7[%swap3A_32, %swap3A_33] : memref<400x128xf32, #tpu.memory_space<vmem>>, vector<400x128xf32>
    tpu.vector_store %arg7[%swap3A_32, %swap3A_33], %max3A_23 {strides = array<i32>} : memref<400x128xf32, #tpu.memory_space<vmem>>, vector<400x128xf32>,
    return
  }
  func.func @transform_0(%arg0: i32) -> (i32, i32, i32) {
    %jit3A = arith.constant 25 : i32
    %div3A = arith.divsi %arg0, %jit3A : i32
    %sign3A = arith.constant 0 : i32
    %sign3A_0 = arith.cmpi sgt, %arg0, %sign3A : i32
    %sign3A_1 = arith.extui %sign3A_0 : i1 to i32
    %sign3A_2 = arith.constant 0 : i32
    %sign3A_3 = arith.cmpi slt, %arg0, %sign3A_2 : i32
    %sign3A_4 = arith.extui %sign3A_3 : i1 to i32
    %sign3A_5 = arith.subi %sign3A_1, %sign3A_4 : i32
    %sign3A_6 = arith.constant 0 : i32
    %sign3A_7 = arith.cmpi sgt, %jit3A, %sign3A_6 : i32
    %sign3A_8 = arith.extui %sign3A_7 : i1 to i32
    %sign3A_9 = arith.constant 0 : i32
    %sign3A_10 = arith.cmpi slt, %jit3A, %sign3A_9 : i32
    %sign3A_11 = arith.extui %sign3A_10 : i1 to i32
    %sign3A_12 = arith.subi %sign3A_8, %sign3A_11 : i32
    %ne3A = arith.cmpi ne, %sign3A_5, %sign3A_12 : i32
    %rem3A = arith.remsi %arg0, %jit3A : i32
    %ne3A_13 = arith.constant 0 : i32
    %ne3A_14 = arith.cmpi ne, %rem3A, %ne3A_13 : i32
    %and3A = arith.andi %ne3A, %ne3A_14 : i1
    %sub3A = arith.constant 1 : i32
    %sub3A_15 = arith.subi %div3A, %sub3A : i32
    %select_n3A = arith.select %and3A, %sub3A_15, %div3A : i32
    %sub3A_16 = arith.constant 1 : i32
    %sub3A_17 = arith.subi %sub3A_16, %select_n3A : i32
    %jit3A_18 = arith.constant 25 : i32
    %eq3A = arith.constant 0 : i32
    %eq3A_19 = arith.cmpi eq, %jit3A_18, %eq3A : i32
    %jit3A_20 = arith.constant 1 : i32
    %select_n3A_21 = arith.select %eq3A_19, %jit3A_20, %jit3A_18 : i32
    %rem3A_22 = arith.remsi %arg0, %select_n3A_21 : i32
    %ne3A_23 = arith.constant 0 : i32
    %ne3A_24 = arith.cmpi ne, %rem3A_22, %ne3A_23 : i32
    %lt3A = arith.constant 0 : i32
    %lt3A_25 = arith.cmpi slt, %rem3A_22, %lt3A : i32
    %lt3A_26 = arith.constant 0 : i32
    %lt3A_27 = arith.cmpi slt, %select_n3A_21, %lt3A_26 : i32
    %ne3A_28 = arith.xori %lt3A_25, %lt3A_27 : i1
    %and3A_29 = arith.andi %ne3A_28, %ne3A_24 : i1
    %add3A = arith.addi %rem3A_22, %select_n3A_21 : i32
    %select_n3A_30 = arith.select %and3A_29, %add3A, %rem3A_22 : i32
    %c0_i32 = arith.constant 0 : i32
    %c0_i32_31 = arith.constant 0 : i32
    return %sub3A_17, %select_n3A_30, %c0_i32 : i32, i32, i32
  }
  func.func @transform_1(%arg0: i32) -> (i32, i32, i32) {
    %jit3A = arith.constant 25 : i32
    %div3A = arith.divsi %arg0, %jit3A : i32
    %sign3A = arith.constant 0 : i32
    %sign3A_0 = arith.cmpi sgt, %arg0, %sign3A : i32
    %sign3A_1 = arith.extui %sign3A_0 : i1 to i32
    %sign3A_2 = arith.constant 0 : i32
    %sign3A_3 = arith.cmpi slt, %arg0, %sign3A_2 : i32
    %sign3A_4 = arith.extui %sign3A_3 : i1 to i32
    %sign3A_5 = arith.subi %sign3A_1, %sign3A_4 : i32
    %sign3A_6 = arith.constant 0 : i32
    %sign3A_7 = arith.cmpi sgt, %jit3A, %sign3A_6 : i32
    %sign3A_8 = arith.extui %sign3A_7 : i1 to i32
    %sign3A_9 = arith.constant 0 : i32
    %sign3A_10 = arith.cmpi slt, %jit3A, %sign3A_9 : i32
    %sign3A_11 = arith.extui %sign3A_10 : i1 to i32
    %sign3A_12 = arith.subi %sign3A_8, %sign3A_11 : i32
    %ne3A = arith.cmpi ne, %sign3A_5, %sign3A_12 : i32
    %rem3A = arith.remsi %arg0, %jit3A : i32
    %ne3A_13 = arith.constant 0 : i32
    %ne3A_14 = arith.cmpi ne, %rem3A, %ne3A_13 : i32
    %and3A = arith.andi %ne3A, %ne3A_14 : i1
    %sub3A = arith.constant 1 : i32
    %sub3A_15 = arith.subi %div3A, %sub3A : i32
    %select_n3A = arith.select %and3A, %sub3A_15, %div3A : i32
    %sub3A_16 = arith.constant 1 : i32
    %sub3A_17 = arith.subi %sub3A_16, %select_n3A : i32
    %jit3A_18 = arith.constant 25 : i32
    %eq3A = arith.constant 0 : i32
    %eq3A_19 = arith.cmpi eq, %jit3A_18, %eq3A : i32
    %jit3A_20 = arith.constant 1 : i32
    %select_n3A_21 = arith.select %eq3A_19, %jit3A_20, %jit3A_18 : i32
    %rem3A_22 = arith.remsi %arg0, %select_n3A_21 : i32
    %ne3A_23 = arith.constant 0 : i32
    %ne3A_24 = arith.cmpi ne, %rem3A_22, %ne3A_23 : i32
    %lt3A = arith.constant 0 : i32
    %lt3A_25 = arith.cmpi slt, %rem3A_22, %lt3A : i32
    %lt3A_26 = arith.constant 0 : i32
    %lt3A_27 = arith.cmpi slt, %select_n3A_21, %lt3A_26 : i32
    %ne3A_28 = arith.xori %lt3A_25, %lt3A_27 : i1
    %and3A_29 = arith.andi %ne3A_28, %ne3A_24 : i1
    %add3A = arith.addi %rem3A_22, %select_n3A_21 : i32
    %select_n3A_30 = arith.select %and3A_29, %add3A, %rem3A_22 : i32
    %c0_i32 = arith.constant 0 : i32
    %c0_i32_31 = arith.constant 0 : i32
    return %sub3A_17, %select_n3A_30, %c0_i32 : i32, i32, i32
  }
  func.func @transform_2(%arg0: i32) -> (i32, i32) {
    %c0_i32 = arith.constant 0 : i32
    %c0_i32_0 = arith.constant 0 : i32
    return %arg0, %c0_i32 : i32, i32
  }
  func.func @transform_3(%arg0: i32) -> (i32, i32, i32) {
    %jit3A = arith.constant 25 : i32
    %div3A = arith.divsi %arg0, %jit3A : i32
    %sign3A = arith.constant 0 : i32
    %sign3A_0 = arith.cmpi sgt, %arg0, %sign3A : i32
    %sign3A_1 = arith.extui %sign3A_0 : i1 to i32
    %sign3A_2 = arith.constant 0 : i32
    %sign3A_3 = arith.cmpi slt, %arg0, %sign3A_2 : i32
    %sign3A_4 = arith.extui %sign3A_3 : i1 to i32
    %sign3A_5 = arith.subi %sign3A_1, %sign3A_4 : i32
    %sign3A_6 = arith.constant 0 : i32
    %sign3A_7 = arith.cmpi sgt, %jit3A, %sign3A_6 : i32
    %sign3A_8 = arith.extui %sign3A_7 : i1 to i32
    %sign3A_9 = arith.constant 0 : i32
    %sign3A_10 = arith.cmpi slt, %jit3A, %sign3A_9 : i32
    %sign3A_11 = arith.extui %sign3A_10 : i1 to i32
    %sign3A_12 = arith.subi %sign3A_8, %sign3A_11 : i32
    %ne3A = arith.cmpi ne, %sign3A_5, %sign3A_12 : i32
    %rem3A = arith.remsi %arg0, %jit3A : i32
    %ne3A_13 = arith.constant 0 : i32
    %ne3A_14 = arith.cmpi ne, %rem3A, %ne3A_13 : i32
    %and3A = arith.andi %ne3A, %ne3A_14 : i1
    %sub3A = arith.constant 1 : i32
    %sub3A_15 = arith.subi %div3A, %sub3A : i32
    %select_n3A = arith.select %and3A, %sub3A_15, %div3A : i32
    %c0_i32 = arith.constant 0 : i32
    %c0_i32_16 = arith.constant 0 : i32
    %c0_i32_17 = arith.constant 0 : i32
    return %select_n3A, %c0_i32, %c0_i32_16 : i32, i32, i32
  }
  func.func @transform_4(%arg0: i32) -> (i32, i32, i32) {
    %jit3A = arith.constant 25 : i32
    %div3A = arith.divsi %arg0, %jit3A : i32
    %sign3A = arith.constant 0 : i32
    %sign3A_0 = arith.cmpi sgt, %arg0, %sign3A : i32
    %sign3A_1 = arith.extui %sign3A_0 : i1 to i32
    %sign3A_2 = arith.constant 0 : i32
    %sign3A_3 = arith.cmpi slt, %arg0, %sign3A_2 : i32
    %sign3A_4 = arith.extui %sign3A_3 : i1 to i32
    %sign3A_5 = arith.subi %sign3A_1, %sign3A_4 : i32
    %sign3A_6 = arith.constant 0 : i32
    %sign3A_7 = arith.cmpi sgt, %jit3A, %sign3A_6 : i32
    %sign3A_8 = arith.extui %sign3A_7 : i1 to i32
    %sign3A_9 = arith.constant 0 : i32
    %sign3A_10 = arith.cmpi slt, %jit3A, %sign3A_9 : i32
    %sign3A_11 = arith.extui %sign3A_10 : i1 to i32
    %sign3A_12 = arith.subi %sign3A_8, %sign3A_11 : i32
    %ne3A = arith.cmpi ne, %sign3A_5, %sign3A_12 : i32
    %rem3A = arith.remsi %arg0, %jit3A : i32
    %ne3A_13 = arith.constant 0 : i32
    %ne3A_14 = arith.cmpi ne, %rem3A, %ne3A_13 : i32
    %and3A = arith.andi %ne3A, %ne3A_14 : i1
    %sub3A = arith.constant 1 : i32
    %sub3A_15 = arith.subi %div3A, %sub3A : i32
    %select_n3A = arith.select %and3A, %sub3A_15, %div3A : i32
    %c0_i32 = arith.constant 0 : i32
    %c0_i32_16 = arith.constant 0 : i32
    %c0_i32_17 = arith.constant 0 : i32
    return %select_n3A, %c0_i32, %c0_i32_16 : i32, i32, i32
  }
  func.func @transform_5(%arg0: i32) -> (i32, i32) {
    %c0_i32 = arith.constant 0 : i32
    %c0_i32_0 = arith.constant 0 : i32
    return %arg0, %c0_i32 : i32, i32
  }
  func.func @transform_6(%arg0: i32) -> (i32, i32) {
    %c0_i32 = arith.constant 0 : i32
    %c0_i32_0 = arith.constant 0 : i32
    return %arg0, %c0_i32 : i32, i32
  }
}

module attributes {stable_mosaic.version = 14 : i64} {
  func.func @_post_body(%arg0: i32, %arg1: memref<1x400x128xf32, #tpu.memory_space<vmem>>, %arg2: memref<1x400x128xf32, #tpu.memory_space<vmem>>, %arg3: memref<400x128xf32, #tpu.memory_space<vmem>>, %arg4: memref<1x1x128xf32, #tpu.memory_space<vmem>>, %arg5: memref<400x128xf32, #tpu.memory_space<vmem>>) attributes {dimension_semantics = [#tpu.dimension_semantics<arbitrary>], iteration_bounds = array<i64: 50>, scalar_prefetch = 0 : i64, scratch_operands = 0 : i64, tpu.core_type = #tpu.core_type<tc>, window_params = [{transform_indices = @transform_0, window_bounds = array<i64: 1, 400, 128>}, {transform_indices = @transform_1, window_bounds = array<i64: 1, 400, 128>}, {transform_indices = @transform_2, window_bounds = array<i64: 400, 128>}, {transform_indices = @transform_3, window_bounds = array<i64: 1, 1, 128>}, {transform_indices = @transform_4, window_bounds = array<i64: 400, 128>}]} {
    %get3A = arith.constant 0 : index
    %get3A_0 = arith.constant 0 : index
    %get3A_1 = arith.constant 0 : index
    %get3A_2 = vector.load %arg2[%get3A, %get3A_0, %get3A_1] : memref<1x400x128xf32, #tpu.memory_space<vmem>>, vector<1x400x128xf32>
    %get3A_3 = vector.shape_cast %get3A_2 : vector<1x400x128xf32> to vector<400x128xf32>
    %max3A = arith.constant 1.000000e+00 : f32
    %max3A_4 = vector.broadcast %max3A : f32 to vector<400x128xf32>
    %max3A_5 = arith.maximumf %get3A_3, %max3A_4 : vector<400x128xf32>
    %get3A_6 = arith.constant 0 : index
    %get3A_7 = arith.constant 0 : index
    %get3A_8 = arith.constant 0 : index
    %get3A_9 = vector.load %arg1[%get3A_6, %get3A_7, %get3A_8] : memref<1x400x128xf32, #tpu.memory_space<vmem>>, vector<1x400x128xf32>
    %get3A_10 = vector.shape_cast %get3A_9 : vector<1x400x128xf32> to vector<400x128xf32>
    %div3A = arith.divf %get3A_10, %max3A_5 : vector<400x128xf32>
    %get3A_11 = arith.constant 0 : index
    %get3A_12 = arith.constant 0 : index
    %get3A_13 = arith.constant 0 : index
    %get3A_14 = vector.load %arg4[%get3A_11, %get3A_12, %get3A_13] : memref<1x1x128xf32, #tpu.memory_space<vmem>>, vector<1x1x128xf32>
    %get3A_15 = vector.shape_cast %get3A_14 : vector<1x1x128xf32> to vector<1x128xf32>
    %add3A = vector.broadcast %get3A_15 : vector<1x128xf32> to vector<400x128xf32>
    %add3A_16 = arith.addf %div3A, %add3A : vector<400x128xf32>
    %get3A_17 = arith.constant 0 : index
    %get3A_18 = arith.constant 0 : index
    %get3A_19 = vector.load %arg3[%get3A_17, %get3A_18] : memref<400x128xf32, #tpu.memory_space<vmem>>, vector<400x128xf32>
    %add3A_20 = arith.addf %add3A_16, %get3A_19 : vector<400x128xf32>
    %swap3A = arith.constant 0 : index
    %swap3A_21 = arith.constant 0 : index
    %swap3A_22 = vector.load %arg5[%swap3A, %swap3A_21] : memref<400x128xf32, #tpu.memory_space<vmem>>, vector<400x128xf32>
    tpu.vector_store %arg5[%swap3A, %swap3A_21], %add3A_20 {strides = array<i32>} : memref<400x128xf32, #tpu.memory_space<vmem>>, vector<400x128xf32>,
    return
  }
  func.func @transform_0(%arg0: i32) -> (i32, i32, i32) {
    %jit3A = arith.constant 25 : i32
    %div3A = arith.divsi %arg0, %jit3A : i32
    %sign3A = arith.constant 0 : i32
    %sign3A_0 = arith.cmpi sgt, %arg0, %sign3A : i32
    %sign3A_1 = arith.extui %sign3A_0 : i1 to i32
    %sign3A_2 = arith.constant 0 : i32
    %sign3A_3 = arith.cmpi slt, %arg0, %sign3A_2 : i32
    %sign3A_4 = arith.extui %sign3A_3 : i1 to i32
    %sign3A_5 = arith.subi %sign3A_1, %sign3A_4 : i32
    %sign3A_6 = arith.constant 0 : i32
    %sign3A_7 = arith.cmpi sgt, %jit3A, %sign3A_6 : i32
    %sign3A_8 = arith.extui %sign3A_7 : i1 to i32
    %sign3A_9 = arith.constant 0 : i32
    %sign3A_10 = arith.cmpi slt, %jit3A, %sign3A_9 : i32
    %sign3A_11 = arith.extui %sign3A_10 : i1 to i32
    %sign3A_12 = arith.subi %sign3A_8, %sign3A_11 : i32
    %ne3A = arith.cmpi ne, %sign3A_5, %sign3A_12 : i32
    %rem3A = arith.remsi %arg0, %jit3A : i32
    %ne3A_13 = arith.constant 0 : i32
    %ne3A_14 = arith.cmpi ne, %rem3A, %ne3A_13 : i32
    %and3A = arith.andi %ne3A, %ne3A_14 : i1
    %sub3A = arith.constant 1 : i32
    %sub3A_15 = arith.subi %div3A, %sub3A : i32
    %select_n3A = arith.select %and3A, %sub3A_15, %div3A : i32
    %sub3A_16 = arith.constant 1 : i32
    %sub3A_17 = arith.subi %sub3A_16, %select_n3A : i32
    %jit3A_18 = arith.constant 25 : i32
    %eq3A = arith.constant 0 : i32
    %eq3A_19 = arith.cmpi eq, %jit3A_18, %eq3A : i32
    %jit3A_20 = arith.constant 1 : i32
    %select_n3A_21 = arith.select %eq3A_19, %jit3A_20, %jit3A_18 : i32
    %rem3A_22 = arith.remsi %arg0, %select_n3A_21 : i32
    %ne3A_23 = arith.constant 0 : i32
    %ne3A_24 = arith.cmpi ne, %rem3A_22, %ne3A_23 : i32
    %lt3A = arith.constant 0 : i32
    %lt3A_25 = arith.cmpi slt, %rem3A_22, %lt3A : i32
    %lt3A_26 = arith.constant 0 : i32
    %lt3A_27 = arith.cmpi slt, %select_n3A_21, %lt3A_26 : i32
    %ne3A_28 = arith.xori %lt3A_25, %lt3A_27 : i1
    %and3A_29 = arith.andi %ne3A_28, %ne3A_24 : i1
    %add3A = arith.addi %rem3A_22, %select_n3A_21 : i32
    %select_n3A_30 = arith.select %and3A_29, %add3A, %rem3A_22 : i32
    %c0_i32 = arith.constant 0 : i32
    %c0_i32_31 = arith.constant 0 : i32
    return %sub3A_17, %select_n3A_30, %c0_i32 : i32, i32, i32
  }
  func.func @transform_1(%arg0: i32) -> (i32, i32, i32) {
    %jit3A = arith.constant 25 : i32
    %div3A = arith.divsi %arg0, %jit3A : i32
    %sign3A = arith.constant 0 : i32
    %sign3A_0 = arith.cmpi sgt, %arg0, %sign3A : i32
    %sign3A_1 = arith.extui %sign3A_0 : i1 to i32
    %sign3A_2 = arith.constant 0 : i32
    %sign3A_3 = arith.cmpi slt, %arg0, %sign3A_2 : i32
    %sign3A_4 = arith.extui %sign3A_3 : i1 to i32
    %sign3A_5 = arith.subi %sign3A_1, %sign3A_4 : i32
    %sign3A_6 = arith.constant 0 : i32
    %sign3A_7 = arith.cmpi sgt, %jit3A, %sign3A_6 : i32
    %sign3A_8 = arith.extui %sign3A_7 : i1 to i32
    %sign3A_9 = arith.constant 0 : i32
    %sign3A_10 = arith.cmpi slt, %jit3A, %sign3A_9 : i32
    %sign3A_11 = arith.extui %sign3A_10 : i1 to i32
    %sign3A_12 = arith.subi %sign3A_8, %sign3A_11 : i32
    %ne3A = arith.cmpi ne, %sign3A_5, %sign3A_12 : i32
    %rem3A = arith.remsi %arg0, %jit3A : i32
    %ne3A_13 = arith.constant 0 : i32
    %ne3A_14 = arith.cmpi ne, %rem3A, %ne3A_13 : i32
    %and3A = arith.andi %ne3A, %ne3A_14 : i1
    %sub3A = arith.constant 1 : i32
    %sub3A_15 = arith.subi %div3A, %sub3A : i32
    %select_n3A = arith.select %and3A, %sub3A_15, %div3A : i32
    %sub3A_16 = arith.constant 1 : i32
    %sub3A_17 = arith.subi %sub3A_16, %select_n3A : i32
    %jit3A_18 = arith.constant 25 : i32
    %eq3A = arith.constant 0 : i32
    %eq3A_19 = arith.cmpi eq, %jit3A_18, %eq3A : i32
    %jit3A_20 = arith.constant 1 : i32
    %select_n3A_21 = arith.select %eq3A_19, %jit3A_20, %jit3A_18 : i32
    %rem3A_22 = arith.remsi %arg0, %select_n3A_21 : i32
    %ne3A_23 = arith.constant 0 : i32
    %ne3A_24 = arith.cmpi ne, %rem3A_22, %ne3A_23 : i32
    %lt3A = arith.constant 0 : i32
    %lt3A_25 = arith.cmpi slt, %rem3A_22, %lt3A : i32
    %lt3A_26 = arith.constant 0 : i32
    %lt3A_27 = arith.cmpi slt, %select_n3A_21, %lt3A_26 : i32
    %ne3A_28 = arith.xori %lt3A_25, %lt3A_27 : i1
    %and3A_29 = arith.andi %ne3A_28, %ne3A_24 : i1
    %add3A = arith.addi %rem3A_22, %select_n3A_21 : i32
    %select_n3A_30 = arith.select %and3A_29, %add3A, %rem3A_22 : i32
    %c0_i32 = arith.constant 0 : i32
    %c0_i32_31 = arith.constant 0 : i32
    return %sub3A_17, %select_n3A_30, %c0_i32 : i32, i32, i32
  }
  func.func @transform_2(%arg0: i32) -> (i32, i32) {
    %c0_i32 = arith.constant 0 : i32
    %c0_i32_0 = arith.constant 0 : i32
    return %arg0, %c0_i32 : i32, i32
  }
  func.func @transform_3(%arg0: i32) -> (i32, i32, i32) {
    %jit3A = arith.constant 25 : i32
    %div3A = arith.divsi %arg0, %jit3A : i32
    %sign3A = arith.constant 0 : i32
    %sign3A_0 = arith.cmpi sgt, %arg0, %sign3A : i32
    %sign3A_1 = arith.extui %sign3A_0 : i1 to i32
    %sign3A_2 = arith.constant 0 : i32
    %sign3A_3 = arith.cmpi slt, %arg0, %sign3A_2 : i32
    %sign3A_4 = arith.extui %sign3A_3 : i1 to i32
    %sign3A_5 = arith.subi %sign3A_1, %sign3A_4 : i32
    %sign3A_6 = arith.constant 0 : i32
    %sign3A_7 = arith.cmpi sgt, %jit3A, %sign3A_6 : i32
    %sign3A_8 = arith.extui %sign3A_7 : i1 to i32
    %sign3A_9 = arith.constant 0 : i32
    %sign3A_10 = arith.cmpi slt, %jit3A, %sign3A_9 : i32
    %sign3A_11 = arith.extui %sign3A_10 : i1 to i32
    %sign3A_12 = arith.subi %sign3A_8, %sign3A_11 : i32
    %ne3A = arith.cmpi ne, %sign3A_5, %sign3A_12 : i32
    %rem3A = arith.remsi %arg0, %jit3A : i32
    %ne3A_13 = arith.constant 0 : i32
    %ne3A_14 = arith.cmpi ne, %rem3A, %ne3A_13 : i32
    %and3A = arith.andi %ne3A, %ne3A_14 : i1
    %sub3A = arith.constant 1 : i32
    %sub3A_15 = arith.subi %div3A, %sub3A : i32
    %select_n3A = arith.select %and3A, %sub3A_15, %div3A : i32
    %c0_i32 = arith.constant 0 : i32
    %c0_i32_16 = arith.constant 0 : i32
    %c0_i32_17 = arith.constant 0 : i32
    return %select_n3A, %c0_i32, %c0_i32_16 : i32, i32, i32
  }
  func.func @transform_4(%arg0: i32) -> (i32, i32) {
    %c0_i32 = arith.constant 0 : i32
    %c0_i32_0 = arith.constant 0 : i32
    return %arg0, %c0_i32 : i32, i32
  }
}

</mosaic_0001>

<sc_bundles>
// kernel: kernel.13.cloned.1.call-start
scs
__scs_entry_jumppad:
0x0: {  	(pc) =	sbr.rel $0x88, $3  }
0x1: {  	(tag) =	ssettag $0x0;
	lr =	simm.s32 $0x1  }
0x2: {  	[smem:$0x3F8B] =	sst lr;
	_ =	strace $0xD0000000  }
0x3: {  	_ = 	snop  }
0x4: {  	_ = 	snop  }
0x5: {  	_ = 	snop  }
0x6: {  	_ = 	snop  }
0x7: {  	_ = 	snop  }
__scs_overlays_trampoline_lowered:
0x8: {  	[smem:$0x3F9A] =	sst s0  }
0x9: {  	[smem:$0x3F9B] =	sst s1  }
0xa: {  	[smem:$0x3F9C] =	sst s2  }
0xb: {  	[smem:$0x3F9D] =	sst s3  }
0xc: {  	[smem:$0x3F9E] =	sst s4  }
0xd: {  	[smem:$0x3F9F] =	sst s5  }
0xe: {  	[smem:$0x3FA0] =	sst s6  }
0xf: {  	[smem:$0x3FA1] =	sst s7  }
0x10: {  	[smem:$0x3FA2] =	sst s8  }
0x11: {  	[smem:$0x3FA3] =	sst s9;
	s0 =	simm.s32 @!p0 $0x0  }
0x12: {  	s1 =	sld [smem:$0x3F89];
	s0 =	simm.s32 @p0 $0x1  }
0x13: {  	[smem:$0x3FA4] =	sst s0;
	s0 =	simm.s32 @!p1 $0x0  }
0x14: {  	s2 =	sld [smem:$0x3F88];
	s0 =	simm.s32 @p1 $0x1  }
0x15: {  	[smem:$0x3FA5] =	sst s0;
	s0 =	simm.s32 @!p2 $0x0  }
0x16: {  	s3 =	sld [smem:$0x3FDB];
	s0 =	simm.s32 @p2 $0x1  }
0x17: {  	s4 =	simm.s32 $0x1BF5;
	[smem:$0x3FA7] =	sst s0  }
0x18: {  	s0 =	sld [smem:$0x3F8A];
	_ =	swait.ge [sflag:s4], $0x0  }
0x19: {  	s7 =	sld [smem:$0x3F8B]  }
0x1a: {  	s8 =	sadd.s32 $0xFFFFE003, lr  }
0x1b: {  	s9 =	sadd.s32 $0xFFFFFEF7, lr;
	s5 =	simm.s32 $0xFFFFFFFF;
	p2 =	slt.u32 s8, $0xFFFFF086  }
0x1c: {  	p1 =	slt.u32 s9, $0xF7A;
	s5 =	simm.s32 @!p2 $0x0  }
0x1d: {  	s5 =	simm.s32 @p1 $0x1;
	p0 =	seq.s32 s7, s2  }
0x1e: {  	s7 =	smul.u32 @!p0 $0xF7A, s2;
	p2 =	seq.s32 @!p0 s5, $0x0  }
0x1f: {  	s9 =	smul.u32 $0xF7A, s1;
	s8 =	simm.s32 @!p0 $0x1BF5;
	p2 =	por !p2, p0  }
0x20: {  	[sflag:s8] =	ssyncset.s32 @!p0 $0xFFFFF086;
	s6 =	sadd.s32 @!p0 s3, s7;
	s7 =	simm.s32 @!p0 $0x108  }
0x21: {  	s3 =	sadd.s32 s3, s9;
	s6 =	sadd.s32 @!p0 $0x88, s6;
	s7 =	simm.s32 @p2 $0x1082  }
0x22: {  	[simem:s7], [sflag:s8] =	dma.local @!p0 [hbm:s6], $0xF7A  }
0x23: {  	s9 =	sor.u32 $0xD0000000, s2;
	s6 =	simm.s32 $0x108;
	_ =	swait.ge @!p0 [sflag:s8], $0x0  }
0x24: {  	s3 =	sadd.s32 $0x88, s3;
	s6 =	simm.s32 @!p1 $0x1082;
	[sflag:s4] =	ssyncset.s32 $0xFFFFF086  }
0x25: {  	[simem:s6], [sflag:s4] =	dma.local [hbm:s3], $0xF7A  }
0x26: {  	[smem:$0x3F8B] =	sst s1;
	(tag) =	ssettag s2;
	_ =	strace s9  }
0x27: {  	s1 =	sld [smem:$0x3F9B]  }
0x28: {  	s2 =	sld [smem:$0x3F9C]  }
0x29: {  	s4 =	sld [smem:$0x3F9E]  }
0x2a: {  	p0 =	seq.s32 s5, $0x0;
	s5 =	sld [smem:$0x3F9F]  }
0x2b: {  	s6 =	sld [smem:$0x3FA0]  }
0x2c: {  	s7 =	sld [smem:$0x3FA1]  }
0x2d: {  	s3 =	simm.s32 $0x108;
	s8 =	sld [smem:$0x3FA2]  }
0x2e: {  	s3 =	simm.s32 @!p0 $0x1082;
	s9 =	sld [smem:$0x3FA3]  }
0x2f: {  	lr =	sadd.s32 s0, s3;
	s0 =	sld [smem:$0x3F9A]  }
0x30: {  	s3 =	sld [smem:$0x3F9D]  }
0x31: {  	[smem:$0x3FA6] =	sst s10  }
0x32: {  	s10 =	sld [smem:$0x3FA4];
	_ =	sdelay $0x3  }
0x33: {  	p0 =	seq.s32 s10, $0x1;
	s10 =	sld [smem:$0x3FA6];
	_ =	sdelay $0x3  }
0x34: {  	[smem:$0x3FA6] =	sst s10  }
0x35: {  	s10 =	sld [smem:$0x3FA5];
	_ =	sdelay $0x3  }
0x36: {  	p1 =	seq.s32 s10, $0x1;
	s10 =	sld [smem:$0x3FA6];
	_ =	sdelay $0x3  }
0x37: {  	[smem:$0x3FA6] =	sst s10  }
0x38: {  	s10 =	sld [smem:$0x3FA7]  }
0x39: {  	_ = 	snop;
	(pc) =	sbr.ind lr, $3  }
0x3a: {  	_ = 	snop  }
0x3b: {  	_ = 	snop  }
0x3c: {  	p2 =	seq.s32 s10, $0x1;
	s10 =	sld [smem:$0x3FA6]  }
0x3d: {  	_ =	shalt  }
0x3e: {  	_ =	shalt  }
0x3f: {  	_ =	shalt  }
0x40: {  	_ =	shalt  }
0x41: {  	_ =	shalt  }
0x42: {  	_ =	shalt  }
0x43: {  	_ =	shalt  }
0x44: {  	_ =	shalt  }
0x45: {  	_ =	shalt  }
0x46: {  	_ =	shalt  }
0x47: {  	_ =	shalt  }
0x48: {  	_ =	shalt  }
0x49: {  	_ =	shalt  }
0x4a: {  	_ =	shalt  }
0x4b: {  	_ =	shalt  }
0x4c: {  	_ =	shalt  }
0x4d: {  	_ =	shalt  }
0x4e: {  	_ =	shalt  }
0x4f: {  	_ =	shalt  }
0x50: {  	_ =	shalt  }
0x51: {  	_ =	shalt  }
0x52: {  	_ =	shalt  }
0x53: {  	_ =	shalt  }
0x54: {  	_ =	shalt  }
0x55: {  	_ =	shalt  }
0x56: {  	_ =	shalt  }
0x57: {  	_ =	shalt  }
0x58: {  	_ =	shalt  }
0x59: {  	_ =	shalt  }
0x5a: {  	_ =	shalt  }
0x5b: {  	_ =	shalt  }
0x5c: {  	_ =	shalt  }
0x5d: {  	_ =	shalt  }
0x5e: {  	_ =	shalt  }
0x5f: {  	_ =	shalt  }
0x60: {  	_ =	shalt  }
0x61: {  	_ =	shalt  }
0x62: {  	_ =	shalt  }
0x63: {  	_ =	shalt  }
0x64: {  	_ =	shalt  }
0x65: {  	_ =	shalt  }
0x66: {  	_ =	shalt  }
0x67: {  	_ =	shalt  }
0x68: {  	_ =	shalt  }
0x69: {  	_ =	shalt  }
0x6a: {  	_ =	shalt  }
0x6b: {  	_ =	shalt  }
0x6c: {  	_ =	shalt  }
0x6d: {  	_ =	shalt  }
0x6e: {  	_ =	shalt  }
0x6f: {  	_ =	shalt  }
0x70: {  	_ =	shalt  }
0x71: {  	_ =	shalt  }
0x72: {  	_ =	shalt  }
0x73: {  	_ =	shalt  }
0x74: {  	_ =	shalt  }
0x75: {  	_ =	shalt  }
0x76: {  	_ =	shalt  }
0x77: {  	_ =	shalt  }
0x78: {  	_ =	shalt  }
0x79: {  	_ =	shalt  }
0x7a: {  	_ =	shalt  }
0x7b: {  	_ =	shalt  }
0x7c: {  	_ =	shalt  }
0x7d: {  	_ =	shalt  }
0x7e: {  	_ =	shalt  }
0x7f: {  	_ =	shalt  }
0x80: {  	_ =	shalt  }
0x81: {  	_ =	shalt  }
0x82: {  	_ =	shalt  }
0x83: {  	_ =	shalt  }
0x84: {  	_ =	shalt  }
0x85: {  	_ =	shalt  }
0x86: {  	_ =	shalt  }
0x87: {  	_ =	shalt  }
.Lfunc_end0:
.L_simem_size_0:
called_computation_lowered:
.L_overlay_start_0:
0x88: {  	s2 =	sld [smem:$0x3FD9]  }
0x89: {  	s3 =	sld [smem:$0x3FFE];
	_ =	sdelay $0x1  }
0x8a: {  	s1 =	srdreg.scid  }
0x8b: {  	s0 =	sand.u32 $0x1, s1  }
0x8c: {  	s14 =	sshll.u32 s0, $0xA;
	s2 =	sadd.s32 s3, s2  }
0x8d: {  	s2 =	sadd.s32 s2, s14  }
0x8e: {  	[smem:$0x3FB2] =	sst s2  }
0x8f: {  	_ = 	snop  }
0x90: {  	s2 =	sld [smem:$0x3FD0];
	_ =	sdelay $0x2  }
0x91: {  	s15 =	simm.s32 $0xB;
	s4 =	simm.s32 $0x10  }
0x92: {  	[smem:s4], [sflag:s15] =	dma.local [hbm:s2], $0x1  }
0x93: {  	_ =	swait.eq [sflag:s15], $0x1  }
0x94: {  	[sflag:s15] =	ssyncset.done $0x0  }
0x95: {  	[sflag:s15] =	ssyncadd.s32 $0xFFFFFFFF  }
0x96: {  	s16 =	sld [smem:$0x10];
	(tm) =	ssettm $0x1  }
0x97: {  	s17 =	sld [smem:$0x3FFB];
	_ =	sdelay $0x3  }
0x98: {  	_ =	strace s17  }
0x99: {  	s3 =	sld [smem:$0x3FFC];
	_ =	sdelay $0x3  }
0x9a: {  	_ =	strace s3  }
0x9b: {  	s3 =	sld [smem:$0x3FFD];
	_ =	sdelay $0x3  }
0x9c: {  	_ =	strace s3  }
0x9d: {  	_ =	strace $0x8FFFFFFF  }
0x9e: {  	s18 =	sld [smem:$0x3FDB];
	_ =	sdelay $0x1  }
0x9f: {  	s19 =	simm.s32 $_scs_section_size  }
0xa0: {  	s5 =	simm.s32 $_size__tile_overlayer_lowered;
	s6 =	simm.s32 $_tile_overlayer_lowered  }
0xa1: {  	s22 =	simm.s32 $0x1BFF;
	s21 =	sshll.u32 s6, $0x1;
	s3 =	sadd.s32 s19, s18  }
0xa2: {  	s7 =	simm.s32 $0x0;
	s20 =	sshll.u32 s5, $0x1;
	s5 =	sadd.s32 s21, s3  }
0xa3: {  	[timem:s7], [sflag:s22] =	dma.local [hbm:s5], s20  }
0xa4: {  	_ =	swait.ge [sflag:s22], s20  }
0xa5: {  	s4 =	ssub.s32 $0x0, s20;
	[sflag:s22] =	ssyncset.done $0x0  }
0xa6: {  	[sflag:s22] =	ssyncadd.s32 s4;
	_ =	sdelay $0x1  }
0xa7: {  	s23 =	simm.s32 $0x1B8B  }
0xa8: {  	_ =	swait.ge [sflag:s23], $0x1  }
0xa9: {  	[sflag:s23] =	ssyncset.done $0x0  }
0xaa: {  	s25 =	simm.s32 $0x1B8E;
	s24 =	sld [smem:$0x3FFE];
	[sflag:s23] =	ssyncadd.s32 $0xFFFFFFFF  }
0xab: {  	s26 =	simm.s32 $execute0_lowered;
	[smem:$0x3FD2] =	sst s25  }
0xac: {  	s5 =	sshll.u32 s26, $0x1;
	_ =	strace $0x80000046;
	[dreg:$0x1] =	wrdreg $0xFFFFFFFF  }
0xad: {  	s28 =	simm.s32 $_size_execute0_lowered;
	s3 =	sadd.s32 s3, s5;
	[dreg:$0x0] =	wrdreg $0x0  }
0xae: {  	s5 =	sshll.u32 s28, $0x1;
	[dreg:$0x2] =	wrdreg s3  }
0xaf: {  	[dreg:$0x3] =	wrdreg s5  }
0xb0: {  	[dreg:$0x4] =	wrdreg $0xC0  }
0xb1: {  	_ =	task [dreg:s7], $0x5FFFF  }
0xb2: {  	[dreg:$0x1] =	wrdreg $0xFFFFFFFF  }
0xb3: {  	[dreg:$0x0] =	wrdreg $0x60  }
0xb4: {  	[dreg:$0x2] =	wrdreg s24  }
0xb5: {  	[dreg:$0x3] =	wrdreg s16  }
0xb6: {  	[dreg:$0x4] =	wrdreg $0x42000  }
0xb7: {  	[dreg:$0x5] =	wrdreg $0x9  }
0xb8: {  	_ =	task.clear_ibuf [dreg:s7], $0x6FFFF;
	_ =	strace $0x90000046  }
0xb9: {  	s29 =	simm.s32 $0x9;
	_ =	strace $0x80000048  }
0xba: {  	_ =	swait.ge [sflag:s29], $0x1  }
0xbb: {  	[sflag:s29] =	ssyncadd.s32 $0xFFFFFFFF  }
0xbc: {  	_ =	strace $0x90000048  }
0xbd: {  	_ =	sfence  }
0xbe: {  	s30 =	sld [smem:$0x0];
	_ =	sdelay $0x2  }
0xbf: {  	s31 =	sshll.u32 s1, $0xD;
	s1 =	sshrl.u32 s1, $0x2  }
0xc0: {  	s3 =	sand.u32 $0x4000, s31;
	s1 =	sadd.s32 s1, s30  }
0xc1: {  	s0 =	sor.u32 s3, s0;
	s1 =	sshll.u32 s1, $0x11  }
0xc2: {  	s0 =	sor.u32 s1, s0  }
0xc3: {  	s0 =	sadd.s32 $0x8F2B, s0  }
0xc4: {  	[sflag:s0] =	ssyncadd.remote.s32 $0x1  }
0xc5: {  	_ =	sfence.sel $0xFFFF  }
0xc6: {  	[dreg:$0x0] =	wrdreg $0xFFFFFFFF;
	(pc) =	sbr.abs _section_cstart, $3  }
0xc7: {  	[dreg:$0x1] =	wrdreg $0xFFFFFFFF  }
0xc8: {  	_ =	task.clear_ibuf [dreg:s7], $0x2FFFF;
	_ =	strace $0x9FFFFFFF  }
0xc9: {  	(tm) =	ssettm $0x7FFFFFFF  }
tec
execute0_lowered:
.L_overlay_start_1:
0x0: {  	(tag) =	ssettag $0x1  }
0x1: {  	s6 =	rddreg [dreg:$0x0]  }
0x2: {  	s2 =	rddreg [dreg:$0x1]  }
0x3: {  	s0 =	srdreg.scid;
	s3 =	rddreg [dreg:$0x2]  }
0x4: {  	s1 =	rddreg [dreg:$0x3];
	s5 =	sand.u32 $0x1, s0  }
0x5: {  	s4 =	simm.s32 $0x0;
	s0 =	stileid.u32;
	s7 =	smul.u32 $0xA0000, s5  }
0x6: {  	s16 =	simm.s32 $0x80;
	s17 =	simm.s32 $0x100;
	s8 =	smul.u32 $0xA000, s0  }
0x7: {  	s18 =	simm.s32 $0x180;
	s19 =	simm.s32 $0x0;
	s25 =	smul.u32 $0x2780, s0  }
0x8: {  	[smem:$0x7FF] =	sst s4;
	s15 =	sadd.s32 $0x128400, s3;
	s28 =	smul.u32 $0x4F000, s0  }
0x9: {  	s9 =	sadd.s32 $0x53C00, s6;
	_ =	strace $0x80000047;
	s12 =	smul.u32 $0x139000, s5  }
0xa: {  	s11 =	ssub.s32 $0x2, s5;
	s13 =	smul.u32 $0x13C00, s0;
	p0 =	seq.s32 s0, $0xF  }
0xb: {  	s29 =	sshrl.u32 s11, $0x1;
	s7 =	sadd.s32 s8, s7;
	s26 =	sadd.s32 s25, s6  }
0xc: {  	s8 =	sshrl.u32 s28, $0x2;
	s11 =	ssub.s32 s11, s29;
	s30 =	sadd.s32 s13, s12  }
0xd: {  	s31 =	sshrl.u32 s12, $0x3;
	s12 =	sshll.u32 @!p0 s0, $0x6;
	s7 =	sshrl.u32 s7, $0x3  }
0xe: {  	s14 =	sadd.s32 s8, s3;
	s5 =	sadd.s32 $0x2CA00, s26;
	s8 =	sadd.s32 s9, s31  }
0xf: {  	s12 =	sor.u32 @!p0 $0x1C01, s12;
	s10 =	sadd.s32 s7, s6;
	s6 =	sadd.s32 $0x51A80, s6  }
0x10: {  	s7 =	sshrl.u32 s30, $0x3;
	s8 =	sadd.s32 $0x25080, s8;
	s13 =	sshrl.u32 @!p0 s14, $0x3  }
0x11: {  	s14 =	simm.s32 $0x200;
	s7 =	sadd.s32 s9, s7;
	s9 =	smax.u32 s11, $0x1  }
0x12: {  	s10 =	sadd.s32 $0x4A00, s10;
	s11 =	sshrl.u32 @p0 s15, $0x3;
	s15 =	simm.s32 $0x1  }
.LBB2_1:
0x13: {  	s20 =	simm.s32 @p0 $0x1FC1  }
0x14: {  	[spmem:s11], [sflag:s20] =	dma.local @p0 [hbm:s6], $0x2180  }
0x15: {  	s20 =	simm.s32 @p0 $0x1  }
0x16: {  	_ =	swait.ge @p0 [sflag:s20], $0x2180  }
0x17: {  	[sflag:s20] =	ssyncset.done @p0 $0x0  }
0x18: {  	[sflag:s20] =	ssyncadd.s32 @p0 $0xFFFFDE80;
	s20 =	simm.s32 @!p0 $0x1  }
0x19: {  	[spmem:s13], [sflag:s12] =	dma.local @!p0 [hbm:s5], $0x2780  }
0x1a: {  	_ =	swait.ge @!p0 [sflag:s20], $0x2780  }
0x1b: {  	[sflag:s20] =	ssyncset.done @!p0 $0x0  }
0x1c: {  	[sflag:s20] =	ssyncadd.s32 @!p0 $0xFFFFD880  }
0x1d: {  	[tilespmem:s14], [sflag:$0x1] =	stream.linear.gather [hbm4b:s2+s4], $0x4000, $0x38;
	[tilespmem:$0x17B00] =	vst v63  }
0x1e: {  	_ =	swait.ge [sflag:s15], $0x4000  }
0x1f: {  	[sflag:s15] =	ssyncset.done $0x0  }
0x20: {  	[sflag:s15] =	ssyncadd.s32 $0xFFFFC000  }
0x21: {  	s31 =	sadd.s32 $0x40, s10;
	[bflag:$0x0] =	sbarrier.arrive $0xFFFF  }
0x22: {  	[tilespmem:s4], [sflag:$0x1] =	stream.linear.gather [hbm4b:s31+s4], $0x200, $0x38;
	[tilespmem:$0x17B00] =	vst v63  }
0x23: {  	_ =	swait.ge [sflag:s15], $0x200  }
0x24: {  	[sflag:s15] =	ssyncset.done $0x0  }
0x25: {  	[sflag:s15] =	ssyncadd.s32 $0xFFFFFE00  }
0x26: {  	[spmem:s3] =	stream.indirect.scatter.add.f32 [tilespmem:s14], [sflag:$0x1], $0x80, s4, s16, $0xb8;
	[tilespmem:$0x17B00] =	vst v63  }
0x27: {  	_ =	swait.ge [sflag:s15], $0x4000  }
0x28: {  	[sflag:s15] =	ssyncset.done $0x0  }
0x29: {  	[sflag:s15] =	ssyncadd.s32 $0xFFFFC000  }
0x2a: {  	[spmem:s3] =	stream.indirect.scatter.add.f32 [tilespmem:s14], [sflag:$0x1], $0x80, s16, s16, $0xb8;
	[tilespmem:$0x17B00] =	vst v63  }
0x2b: {  	_ =	swait.ge [sflag:s15], $0x4000  }
0x2c: {  	[sflag:s15] =	ssyncset.done $0x0  }
0x2d: {  	[sflag:s15] =	ssyncadd.s32 $0xFFFFC000  }
0x2e: {  	[spmem:s3] =	stream.indirect.scatter.add.f32 [tilespmem:s14], [sflag:$0x1], $0x80, s17, s16, $0xb8;
	[tilespmem:$0x17B00] =	vst v63  }
0x2f: {  	_ =	swait.ge [sflag:s15], $0x4000  }
0x30: {  	[sflag:s15] =	ssyncset.done $0x0  }
0x31: {  	[sflag:s15] =	ssyncadd.s32 $0xFFFFC000  }
0x32: {  	[spmem:s3] =	stream.indirect.scatter.add.f32 [tilespmem:s14], [sflag:$0x1], $0x80, s18, s16, $0xb8;
	[tilespmem:$0x17B00] =	vst v63  }
0x33: {  	_ =	swait.ge [sflag:s15], $0x4000  }
0x34: {  	s21 =	simm.s32 $0x140;
	s20 =	simm.s32 $0xC0;
	[sflag:s15] =	ssyncset.done $0x0  }
.LBB2_2:
0x35: {  	s22 =	sadd.s32 s20, s10  }
0x36: {  	[sflag:s15] =	ssyncadd.s32 $0xFFFFC000;
	s20 =	smov.u32 s21;
	s23 =	sadd.s32 $0x80, s21  }
0x37: {  	[tilespmem:s4], [sflag:$0x1] =	stream.linear.gather [hbm4b:s22+s4], $0x200, $0x38;
	[tilespmem:$0x17B00] =	vst v63  }
0x38: {  	p1 =	sne.s32 s21, $0x13C0;
	_ =	swait.ge [sflag:s15], $0x200  }
0x39: {  	[sflag:s15] =	ssyncset.done $0x0  }
0x3a: {  	[sflag:s15] =	ssyncadd.s32 $0xFFFFFE00  }
0x3b: {  	[spmem:s3] =	stream.indirect.scatter.add.f32 [tilespmem:s14], [sflag:$0x1], $0x80, s4, s16, $0xb8;
	[tilespmem:$0x17B00] =	vst v63  }
0x3c: {  	_ =	swait.ge [sflag:s15], $0x4000  }
0x3d: {  	[sflag:s15] =	ssyncset.done $0x0  }
0x3e: {  	[sflag:s15] =	ssyncadd.s32 $0xFFFFC000  }
0x3f: {  	[spmem:s3] =	stream.indirect.scatter.add.f32 [tilespmem:s14], [sflag:$0x1], $0x80, s16, s16, $0xb8;
	[tilespmem:$0x17B00] =	vst v63  }
0x40: {  	_ =	swait.ge [sflag:s15], $0x4000  }
0x41: {  	[sflag:s15] =	ssyncset.done $0x0  }
0x42: {  	[sflag:s15] =	ssyncadd.s32 $0xFFFFC000  }
0x43: {  	[spmem:s3] =	stream.indirect.scatter.add.f32 [tilespmem:s14], [sflag:$0x1], $0x80, s17, s16, $0xb8;
	[tilespmem:$0x17B00] =	vst v63  }
0x44: {  	_ =	swait.ge [sflag:s15], $0x4000  }
.Ltmp0:
0x45: {  	[sflag:s15] =	ssyncset.done $0x0;
	(pc) =	sbr.rel @p1 .LBB2_2-.Ltmp0, $4  }
0x46: {  	[sflag:s15] =	ssyncadd.s32 $0xFFFFC000  }
0x47: {  	[spmem:s3] =	stream.indirect.scatter.add.f32 [tilespmem:s14], [sflag:$0x1], $0x80, s18, s16, $0xb8;
	[tilespmem:$0x17B00] =	vst v63  }
0x48: {  	_ =	swait.ge [sflag:s15], $0x4000  }
0x49: {  	s21 =	smov.u32 s23;
	[sflag:s15] =	ssyncset.done $0x0  }
0x4a: {  	s20 =	sadd.s32 s20, s10;
	[sflag:s15] =	ssyncadd.s32 $0xFFFFC000  }
0x4b: {  	[tilespmem:s4], [sflag:$0x1] =	stream.linear.gather [hbm4b:s20+s4], $0x200, $0x38;
	[tilespmem:$0x17B00] =	vst v63  }
0x4c: {  	_ =	swait.ge [sflag:s15], $0x200  }
0x4d: {  	[sflag:s15] =	ssyncset.done $0x0  }
0x4e: {  	[sflag:s15] =	ssyncadd.s32 $0xFFFFFE00  }
0x4f: {  	[spmem:s3] =	stream.indirect.scatter.add.f32 [tilespmem:s14], [sflag:$0x1], $0x80, s4, s16, $0xb8;
	[tilespmem:$0x17B00] =	vst v63  }
0x50: {  	_ =	swait.ge [sflag:s15], $0x4000  }
0x51: {  	[sflag:s15] =	ssyncset.done $0x0  }
0x52: {  	[sflag:s15] =	ssyncadd.s32 $0xFFFFC000  }
0x53: {  	[spmem:s3] =	stream.indirect.scatter.add.f32 [tilespmem:s14], [sflag:$0x1], $0x80, s16, s16, $0xb8;
	[tilespmem:$0x17B00] =	vst v63  }
0x54: {  	_ =	swait.ge [sflag:s15], $0x4000  }
0x55: {  	[sflag:s15] =	ssyncset.done $0x0  }
0x56: {  	[sflag:s15] =	ssyncadd.s32 $0xFFFFC000  }
0x57: {  	[spmem:s3] =	stream.indirect.scatter.add.f32 [tilespmem:s14], [sflag:$0x1], $0x80, s17, s16, $0xb8;
	[tilespmem:$0x17B00] =	vst v63  }
0x58: {  	_ =	swait.ge [sflag:s15], $0x4000  }
0x59: {  	[sflag:s15] =	ssyncset.done $0x0  }
0x5a: {  	[sflag:s15] =	ssyncadd.s32 $0xFFFFC000  }
0x5b: {  	[spmem:s3] =	stream.indirect.scatter.add.f32 [tilespmem:s14], [sflag:$0x1], $0x80, s18, s16, $0xb8;
	[tilespmem:$0x17B00] =	vst v63  }
0x5c: {  	_ =	swait.ge [sflag:s15], $0x4000  }
0x5d: {  	[sflag:s15] =	ssyncset.done $0x0  }
0x5e: {  	[sflag:s15] =	ssyncadd.s32 $0xFFFFC000  }
0x5f: {  	s20 =	simm.s32 @p0 $0x1FC1;
	[bflag:$0x0] =	sbarrier.arrive $0xFFFF  }
0x60: {  	[hbm:s8], [sflag:s20] =	dma.local @p0 [spmem:s11], $0x2180  }
0x61: {  	s20 =	simm.s32 @p0 $0x1  }
0x62: {  	s19 =	sadd.s32 $0x1, s19;
	_ =	swait.ge @p0 [sflag:s20], $0x2180  }
0x63: {  	p1 =	sne.s32 s19, s9;
	[sflag:s20] =	ssyncset.done @p0 $0x0  }
.Ltmp1:
0x64: {  	[sflag:s20] =	ssyncadd.s32 @p0 $0xFFFFDE80;
	s20 =	simm.s32 @!p0 $0x1;
	(pc) =	sbr.rel @p1 .LBB2_1-.Ltmp1, $4  }
0x65: {  	[hbm:s7], [sflag:s12] =	dma.local @!p0 [spmem:s13], $0x2780  }
0x66: {  	_ =	swait.ge @!p0 [sflag:s20], $0x2780  }
0x67: {  	[sflag:s20] =	ssyncset.done @!p0 $0x0  }
0x68: {  	[sflag:s20] =	ssyncadd.s32 @!p0 $0xFFFFD880  }
0x69: {  	_ =	sfence.sel $0x180000  }
0x6a: {  	[bflag:$0x0] =	sbarrier.arrive $0xFFFF  }
0x6b: {  	p0 =	sne.s32 s0, $0x0;
	_ =	strace $0x90000047  }
0x6c: {  	s0 =	sadd.s32 @!p0 $0x100000, s1;
	[bflag:$0x2] =	sbarrier.arrive $0xFFFF  }
0x6d: {  	[sflag:s0] =	ssyncadd.tile.s32 @!p0 $0x1;
	_ =	shalt  }
.Lfunc_end2:
_tile_overlayer_lowered:
.L_overlay_start_2:
0x6e: {  	(tag) =	ssettag $0x2  }
0x6f: {  	s0 =	rddreg [dreg:$0x0];
	s2 =	stileid.u32  }
0x70: {  	s1 =	rddreg [dreg:$0x1];
	p0 =	sne.s32 s2, $0x0  }
0x71: {  	s3 =	rddreg [dreg:$0x2];
	[bflag:$0x3] =	sbarrier.arrive $0xFFFF;
	s2 =	simm.s32 @!p0 $0x1C01  }
0x72: {  	[timem:s3], [sflag:s2] =	dma.local @!p0 [hbm:s0], s1  }
0x73: {  	s0 =	simm.s32 @!p0 $0x1  }
0x74: {  	_ =	swait.ge @!p0 [sflag:s0], s1  }
0x75: {  	s1 =	ssub.s32 @!p0 $0x0, s1;
	[sflag:s0] =	ssyncset.done @!p0 $0x0  }
0x76: {  	[sflag:s0] =	ssyncadd.s32 @!p0 s1  }
0x77: {  	[bflag:$0x3] =	sbarrier.arrive $0xFFFF  }
0x78: {  	_ =	shalt  }

// kernel: kernel.16.cloned.1.call-start
scs
__scs_entry_jumppad:
0x0: {  	(pc) =	sbr.rel $0x88, $3  }
0x1: {  	(tag) =	ssettag $0x0;
	lr =	simm.s32 $0x1  }
0x2: {  	[smem:$0x3F8B] =	sst lr;
	_ =	strace $0xD0000000  }
0x3: {  	_ = 	snop  }
0x4: {  	_ = 	snop  }
0x5: {  	_ = 	snop  }
0x6: {  	_ = 	snop  }
0x7: {  	_ = 	snop  }
__scs_overlays_trampoline_lowered:
0x8: {  	[smem:$0x3F9A] =	sst s0  }
0x9: {  	[smem:$0x3F9B] =	sst s1  }
0xa: {  	[smem:$0x3F9C] =	sst s2  }
0xb: {  	[smem:$0x3F9D] =	sst s3  }
0xc: {  	[smem:$0x3F9E] =	sst s4  }
0xd: {  	[smem:$0x3F9F] =	sst s5  }
0xe: {  	[smem:$0x3FA0] =	sst s6  }
0xf: {  	[smem:$0x3FA1] =	sst s7  }
0x10: {  	[smem:$0x3FA2] =	sst s8  }
0x11: {  	[smem:$0x3FA3] =	sst s9;
	s0 =	simm.s32 @!p0 $0x0  }
0x12: {  	s1 =	sld [smem:$0x3F89];
	s0 =	simm.s32 @p0 $0x1  }
0x13: {  	[smem:$0x3FA4] =	sst s0;
	s0 =	simm.s32 @!p1 $0x0  }
0x14: {  	s2 =	sld [smem:$0x3F88];
	s0 =	simm.s32 @p1 $0x1  }
0x15: {  	[smem:$0x3FA5] =	sst s0;
	s0 =	simm.s32 @!p2 $0x0  }
0x16: {  	s3 =	sld [smem:$0x3FDB];
	s0 =	simm.s32 @p2 $0x1  }
0x17: {  	s4 =	simm.s32 $0x1BF5;
	[smem:$0x3FA7] =	sst s0  }
0x18: {  	s0 =	sld [smem:$0x3F8A];
	_ =	swait.ge [sflag:s4], $0x0  }
0x19: {  	s7 =	sld [smem:$0x3F8B]  }
0x1a: {  	s8 =	sadd.s32 $0xFFFFE003, lr  }
0x1b: {  	s9 =	sadd.s32 $0xFFFFFEF7, lr;
	s5 =	simm.s32 $0xFFFFFFFF;
	p2 =	slt.u32 s8, $0xFFFFF086  }
0x1c: {  	p1 =	slt.u32 s9, $0xF7A;
	s5 =	simm.s32 @!p2 $0x0  }
0x1d: {  	s5 =	simm.s32 @p1 $0x1;
	p0 =	seq.s32 s7, s2  }
0x1e: {  	s7 =	smul.u32 @!p0 $0xF7A, s2;
	p2 =	seq.s32 @!p0 s5, $0x0  }
0x1f: {  	s9 =	smul.u32 $0xF7A, s1;
	s8 =	simm.s32 @!p0 $0x1BF5;
	p2 =	por !p2, p0  }
0x20: {  	[sflag:s8] =	ssyncset.s32 @!p0 $0xFFFFF086;
	s6 =	sadd.s32 @!p0 s3, s7;
	s7 =	simm.s32 @!p0 $0x108  }
0x21: {  	s3 =	sadd.s32 s3, s9;
	s6 =	sadd.s32 @!p0 $0x88, s6;
	s7 =	simm.s32 @p2 $0x1082  }
0x22: {  	[simem:s7], [sflag:s8] =	dma.local @!p0 [hbm:s6], $0xF7A  }
0x23: {  	s9 =	sor.u32 $0xD0000000, s2;
	s6 =	simm.s32 $0x108;
	_ =	swait.ge @!p0 [sflag:s8], $0x0  }
0x24: {  	s3 =	sadd.s32 $0x88, s3;
	s6 =	simm.s32 @!p1 $0x1082;
	[sflag:s4] =	ssyncset.s32 $0xFFFFF086  }
0x25: {  	[simem:s6], [sflag:s4] =	dma.local [hbm:s3], $0xF7A  }
0x26: {  	[smem:$0x3F8B] =	sst s1;
	(tag) =	ssettag s2;
	_ =	strace s9  }
0x27: {  	s1 =	sld [smem:$0x3F9B]  }
0x28: {  	s2 =	sld [smem:$0x3F9C]  }
0x29: {  	s4 =	sld [smem:$0x3F9E]  }
0x2a: {  	p0 =	seq.s32 s5, $0x0;
	s5 =	sld [smem:$0x3F9F]  }
0x2b: {  	s6 =	sld [smem:$0x3FA0]  }
0x2c: {  	s7 =	sld [smem:$0x3FA1]  }
0x2d: {  	s3 =	simm.s32 $0x108;
	s8 =	sld [smem:$0x3FA2]  }
0x2e: {  	s3 =	simm.s32 @!p0 $0x1082;
	s9 =	sld [smem:$0x3FA3]  }
0x2f: {  	lr =	sadd.s32 s0, s3;
	s0 =	sld [smem:$0x3F9A]  }
0x30: {  	s3 =	sld [smem:$0x3F9D]  }
0x31: {  	[smem:$0x3FA6] =	sst s10  }
0x32: {  	s10 =	sld [smem:$0x3FA4];
	_ =	sdelay $0x3  }
0x33: {  	p0 =	seq.s32 s10, $0x1;
	s10 =	sld [smem:$0x3FA6];
	_ =	sdelay $0x3  }
0x34: {  	[smem:$0x3FA6] =	sst s10  }
0x35: {  	s10 =	sld [smem:$0x3FA5];
	_ =	sdelay $0x3  }
0x36: {  	p1 =	seq.s32 s10, $0x1;
	s10 =	sld [smem:$0x3FA6];
	_ =	sdelay $0x3  }
0x37: {  	[smem:$0x3FA6] =	sst s10  }
0x38: {  	s10 =	sld [smem:$0x3FA7]  }
0x39: {  	_ = 	snop;
	(pc) =	sbr.ind lr, $3  }
0x3a: {  	_ = 	snop  }
0x3b: {  	_ = 	snop  }
0x3c: {  	p2 =	seq.s32 s10, $0x1;
	s10 =	sld [smem:$0x3FA6]  }
0x3d: {  	_ =	shalt  }
0x3e: {  	_ =	shalt  }
0x3f: {  	_ =	shalt  }
0x40: {  	_ =	shalt  }
0x41: {  	_ =	shalt  }
0x42: {  	_ =	shalt  }
0x43: {  	_ =	shalt  }
0x44: {  	_ =	shalt  }
0x45: {  	_ =	shalt  }
0x46: {  	_ =	shalt  }
0x47: {  	_ =	shalt  }
0x48: {  	_ =	shalt  }
0x49: {  	_ =	shalt  }
0x4a: {  	_ =	shalt  }
0x4b: {  	_ =	shalt  }
0x4c: {  	_ =	shalt  }
0x4d: {  	_ =	shalt  }
0x4e: {  	_ =	shalt  }
0x4f: {  	_ =	shalt  }
0x50: {  	_ =	shalt  }
0x51: {  	_ =	shalt  }
0x52: {  	_ =	shalt  }
0x53: {  	_ =	shalt  }
0x54: {  	_ =	shalt  }
0x55: {  	_ =	shalt  }
0x56: {  	_ =	shalt  }
0x57: {  	_ =	shalt  }
0x58: {  	_ =	shalt  }
0x59: {  	_ =	shalt  }
0x5a: {  	_ =	shalt  }
0x5b: {  	_ =	shalt  }
0x5c: {  	_ =	shalt  }
0x5d: {  	_ =	shalt  }
0x5e: {  	_ =	shalt  }
0x5f: {  	_ =	shalt  }
0x60: {  	_ =	shalt  }
0x61: {  	_ =	shalt  }
0x62: {  	_ =	shalt  }
0x63: {  	_ =	shalt  }
0x64: {  	_ =	shalt  }
0x65: {  	_ =	shalt  }
0x66: {  	_ =	shalt  }
0x67: {  	_ =	shalt  }
0x68: {  	_ =	shalt  }
0x69: {  	_ =	shalt  }
0x6a: {  	_ =	shalt  }
0x6b: {  	_ =	shalt  }
0x6c: {  	_ =	shalt  }
0x6d: {  	_ =	shalt  }
0x6e: {  	_ =	shalt  }
0x6f: {  	_ =	shalt  }
0x70: {  	_ =	shalt  }
0x71: {  	_ =	shalt  }
0x72: {  	_ =	shalt  }
0x73: {  	_ =	shalt  }
0x74: {  	_ =	shalt  }
0x75: {  	_ =	shalt  }
0x76: {  	_ =	shalt  }
0x77: {  	_ =	shalt  }
0x78: {  	_ =	shalt  }
0x79: {  	_ =	shalt  }
0x7a: {  	_ =	shalt  }
0x7b: {  	_ =	shalt  }
0x7c: {  	_ =	shalt  }
0x7d: {  	_ =	shalt  }
0x7e: {  	_ =	shalt  }
0x7f: {  	_ =	shalt  }
0x80: {  	_ =	shalt  }
0x81: {  	_ =	shalt  }
0x82: {  	_ =	shalt  }
0x83: {  	_ =	shalt  }
0x84: {  	_ =	shalt  }
0x85: {  	_ =	shalt  }
0x86: {  	_ =	shalt  }
0x87: {  	_ =	shalt  }
.Lfunc_end0:
.L_simem_size_0:
called_computation.1_lowered:
.L_overlay_start_0:
0x88: {  	s2 =	sld [smem:$0x3FD9]  }
0x89: {  	s3 =	sld [smem:$0x3FFE];
	_ =	sdelay $0x1  }
0x8a: {  	s1 =	srdreg.scid  }
0x8b: {  	s0 =	sand.u32 $0x1, s1  }
0x8c: {  	s17 =	sshll.u32 s0, $0xA;
	s2 =	sadd.s32 s3, s2  }
0x8d: {  	s2 =	sadd.s32 s2, s17  }
0x8e: {  	[smem:$0x3FB2] =	sst s2  }
0x8f: {  	_ = 	snop  }
0x90: {  	(tm) =	ssettm $0x1  }
0x91: {  	s18 =	sld [smem:$0x3FFB];
	_ =	sdelay $0x3  }
0x92: {  	_ =	strace s18  }
0x93: {  	s2 =	sld [smem:$0x3FFC];
	_ =	sdelay $0x3  }
0x94: {  	_ =	strace s2  }
0x95: {  	s2 =	sld [smem:$0x3FFD];
	_ =	sdelay $0x3  }
0x96: {  	_ =	strace s2  }
0x97: {  	_ =	strace $0x8FFFFFFF  }
0x98: {  	s19 =	sld [smem:$0x3FDB];
	_ =	sdelay $0x1  }
0x99: {  	s20 =	simm.s32 $_scs_section_size  }
0x9a: {  	s4 =	simm.s32 $_size__tile_overlayer_lowered;
	s5 =	simm.s32 $_tile_overlayer_lowered  }
0x9b: {  	s6 =	simm.s32 $0x1BFF;
	s21 =	sshll.u32 s5, $0x1;
	s3 =	sadd.s32 s20, s19  }
0x9c: {  	s22 =	simm.s32 $0x0;
	s4 =	sshll.u32 s4, $0x1;
	s5 =	sadd.s32 s21, s3  }
0x9d: {  	[timem:s22], [sflag:s6] =	dma.local [hbm:s5], s4  }
0x9e: {  	_ =	swait.ge [sflag:s6], s4  }
0x9f: {  	s4 =	ssub.s32 $0x0, s4;
	[sflag:s6] =	ssyncset.done $0x0  }
0xa0: {  	[sflag:s6] =	ssyncadd.s32 s4;
	_ =	sdelay $0x1  }
0xa1: {  	s23 =	simm.s32 $0x1B8B  }
0xa2: {  	_ =	swait.ge [sflag:s23], $0x1  }
0xa3: {  	[sflag:s23] =	ssyncset.done $0x0  }
0xa4: {  	[sflag:s23] =	ssyncadd.s32 $0xFFFFFFFF  }
0xa5: {  	s4 =	sld [smem:$0x0]  }
0xa6: {  	s5 =	sand.u32 $0xFFFFFFFE, s1  }
0xa7: {  	p0 =	sne.s32 s1, s5  }
0xa8: {  	s5 =	sshll.u32 @p0 s5, $0xE  }
0xa9: {  	s5 =	sadd.s32 @p0 $0x11B8D, s5;
	s6 =	sshll.u32 @p0 s4, $0x11  }
0xaa: {  	s5 =	sor.u32 @p0 s6, s5  }
0xab: {  	[sflag:s5] =	ssyncadd.remote.s32 @p0 $0x1;
	_ =	sdelay $0x1  }
0xac: {  	s5 =	simm.s32 @p0 $0x1B8D  }
0xad: {  	_ =	swait.eq @p0 [sflag:s5], $0x1  }
0xae: {  	[sflag:s5] =	ssyncadd.s32 @p0 $0xFFFFFFFF  }
0xaf: {  	s6 =	sshll.u32 @!p0 s1, $0xE  }
0xb0: {  	s6 =	sor.u32 @!p0 $0x4000, s6;
	s5 =	simm.s32 @!p0 $0x1B8D  }
0xb1: {  	s4 =	sshll.u32 @!p0 s4, $0x11;
	s6 =	sadd.s32 @!p0 $0x11B8D, s6;
	_ =	swait.eq @!p0 [sflag:s5], $0x1  }
0xb2: {  	s4 =	sor.u32 @!p0 s4, s6;
	[sflag:s5] =	ssyncadd.s32 @!p0 $0xFFFFFFFF  }
0xb3: {  	s25 =	simm.s32 $0x1B8E;
	s24 =	sld [smem:$0x3FFE];
	[sflag:s4] =	ssyncadd.remote.s32 @!p0 $0x1  }
0xb4: {  	s26 =	simm.s32 $execute0_lowered;
	[smem:$0x3FD2] =	sst s25  }
0xb5: {  	s5 =	sshll.u32 s26, $0x1;
	_ =	strace $0x80000049;
	[dreg:$0x1] =	wrdreg $0xFFFFFFFF  }
0xb6: {  	s28 =	simm.s32 $_size_execute0_lowered;
	s3 =	sadd.s32 s3, s5;
	[dreg:$0x0] =	wrdreg $0x0  }
0xb7: {  	s5 =	sshll.u32 s28, $0x1;
	[dreg:$0x2] =	wrdreg s3  }
0xb8: {  	[dreg:$0x3] =	wrdreg s5  }
0xb9: {  	[dreg:$0x4] =	wrdreg $0xC0  }
0xba: {  	_ =	task [dreg:s22], $0x5FFFF  }
0xbb: {  	[dreg:$0x1] =	wrdreg $0xFFFFFFFF  }
0xbc: {  	[dreg:$0x0] =	wrdreg $0x60  }
0xbd: {  	[dreg:$0x2] =	wrdreg s24  }
0xbe: {  	[dreg:$0x3] =	wrdreg $0xC4000  }
0xbf: {  	[dreg:$0x4] =	wrdreg $0xA  }
0xc0: {  	_ =	task.clear_ibuf [dreg:s22], $0x5FFFF;
	_ =	strace $0x90000049  }
0xc1: {  	s29 =	simm.s32 $0xA;
	_ =	strace $0x8000004B  }
0xc2: {  	_ =	swait.ge [sflag:s29], $0x1  }
0xc3: {  	[sflag:s29] =	ssyncadd.s32 $0xFFFFFFFF  }
0xc4: {  	_ =	strace $0x9000004B  }
0xc5: {  	_ =	sfence  }
0xc6: {  	s30 =	sld [smem:$0x0];
	_ =	sdelay $0x2  }
0xc7: {  	s31 =	sshll.u32 s1, $0xD;
	s1 =	sshrl.u32 s1, $0x2  }
0xc8: {  	s4 =	sand.u32 $0x4000, s31;
	s1 =	sadd.s32 s1, s30  }
0xc9: {  	s0 =	sor.u32 s4, s0;
	s1 =	sshll.u32 s1, $0x11  }
0xca: {  	s0 =	sor.u32 s1, s0  }
0xcb: {  	s0 =	sadd.s32 $0x8F2B, s0  }
0xcc: {  	[sflag:s0] =	ssyncadd.remote.s32 $0x1  }
0xcd: {  	_ =	sfence.sel $0xFFFF  }
0xce: {  	[dreg:$0x0] =	wrdreg $0xFFFFFFFF;
	(pc) =	sbr.abs _section_cstart, $3  }
0xcf: {  	[dreg:$0x1] =	wrdreg $0xFFFFFFFF  }
0xd0: {  	_ =	task.clear_ibuf [dreg:s22], $0x2FFFF;
	_ =	strace $0x9FFFFFFF  }
0xd1: {  	(tm) =	ssettm $0x7FFFFFFF  }
tec
execute0_lowered:
.L_overlay_start_1:
0x0: {  	(tag) =	ssettag $0x1  }
0x1: {  	s0 =	srdreg.scid;
	s1 =	rddreg [dreg:$0x0]  }
0x2: {  	s12 =	stileid.u32;
	s2 =	rddreg [dreg:$0x1];
	s3 =	simm.s32 $0x0  }
0x3: {  	s14 =	simm.s32 $0x7;
	s15 =	simm.s32 $0x80;
	s16 =	simm.s32 $0x400  }
0x4: {  	s17 =	simm.s32 $0x4400;
	s18 =	simm.s32 $0x1;
	s19 =	simm.s32 $0x100  }
0x5: {  	s20 =	simm.s32 $0x8400;
	s21 =	simm.s32 $0x200;
	s22 =	simm.s32 $0x2  }
0x6: {  	s23 =	simm.s32 $0x4;
	s24 =	simm.s32 $0x180;
	s5 =	smul.u32 $0xA000, s12  }
0x7: {  	s28 =	simm.s32 $0x300;
	s29 =	simm.s32 $0x380;
	s6 =	smul.u32 $0x2780, s12  }
0x8: {  	s30 =	simm.s32 $0x5;
	s31 =	simm.s32 $0x6;
	s7 =	smul.u32 $0x4F000, s12  }
0x9: {  	s0 =	sand.u32 $0x1, s0;
	[smem:$0x7FF] =	sst s3;
	s11 =	smul.u32 $0x13C00, s12  }
0xa: {  	s8 =	sadd.s32 $0xF0200, s1;
	p0 =	seq.s32 s12, $0xF;
	s4 =	smul.u32 $0xA0000, s0  }
0xb: {  	_ =	strace $0x8000004A;
	s9 =	ssub.s32 $0x2, s0;
	s0 =	smul.u32 $0x139000, s0  }
0xc: {  	s6 =	sadd.s32 s6, s1;
	s10 =	sshrl.u32 s9, $0x1;
	s7 =	sshrl.u32 s7, $0x2  }
0xd: {  	s5 =	sadd.s32 s5, s4;
	s4 =	sadd.s32 $0xA2000, s1;
	s9 =	ssub.s32 s9, s10  }
0xe: {  	s13 =	sadd.s32 s7, s2;
	s6 =	sadd.s32 $0x2CA00, s6;
	s25 =	sadd.s32 s11, s0  }
0xf: {  	s0 =	sshrl.u32 s0, $0x3;
	s5 =	sshrl.u32 s5, $0x3;
	[dreg:$0x3] =	wrdreg s6  }
0x10: {  	s6 =	sadd.s32 $0x128400, s2;
	s26 =	sshrl.u32 s25, $0x3;
	s0 =	sadd.s32 s8, s0  }
0x11: {  	s9 =	smax.u32 s9, $0x1;
	s13 =	sshrl.u32 @!p0 s13, $0x3;
	s25 =	simm.s32 $0x280  }
0x12: {  	s5 =	sadd.s32 s5, s1;
	s1 =	sadd.s32 $0x51A80, s1;
	s11 =	sshrl.u32 @p0 s6, $0x3  }
0x13: {  	[dreg:$0x4] =	wrdreg s1;
	s1 =	sadd.s32 s8, s26;
	s8 =	sadd.s32 $0x25080, s0  }
0x14: {  	s10 =	sadd.s32 $0x4A00, s5;
	s0 =	sshll.u32 @!p0 s12, $0x6;
	s26 =	simm.s32 $0x3  }
0x15: {  	[dreg:$0x5] =	wrdreg s1;
	s12 =	sor.u32 @!p0 $0x1C07, s0;
	s1 =	simm.s32 $0x0  }
.LBB2_1:
0x16: {  	s0 =	simm.s32 @p0 $0x1FC7;
	s5 =	rddreg [dreg:$0x4]  }
0x17: {  	[spmem:s11], [sflag:s0] =	dma.local @p0 [hbm:s5], $0x2180  }
0x18: {  	s0 =	simm.s32 @p0 $0x7  }
0x19: {  	_ =	swait.ge @p0 [sflag:s0], $0x2180  }
0x1a: {  	[sflag:s0] =	ssyncset.done @p0 $0x0  }
0x1b: {  	[sflag:s0] =	ssyncadd.s32 @p0 $0xFFFFDE80;
	s0 =	rddreg [dreg:$0x3]  }
0x1c: {  	[spmem:s13], [sflag:s12] =	dma.local @!p0 [hbm:s0], $0x2780  }
0x1d: {  	s0 =	simm.s32 @!p0 $0x7  }
0x1e: {  	_ =	swait.ge @!p0 [sflag:s0], $0x2780  }
0x1f: {  	[sflag:s0] =	ssyncset.done @!p0 $0x0  }
0x20: {  	[sflag:s0] =	ssyncadd.s32 @!p0 $0xFFFFD880  }
0x21: {  	s7 =	sadd.s32 $0x0, s10;
	[bflag:$0x0] =	sbarrier.arrive $0xFFFF  }
0x22: {  	[tilespmem:s3], [sflag:$0x7] =	stream.linear.gather [hbm4b:s7+s3], $0x400, $0x38;
	[tilespmem:$0x1FD00] =	vst v63  }
0x23: {  	_ =	swait.ge [sflag:s14], $0x400  }
0x24: {  	[sflag:s14] =	ssyncset.done $0x0  }
0x25: {  	[sflag:s14] =	ssyncadd.s32 $0xFFFFFC00  }
0x26: {  	[tilespmem:s16], [sflag:$0x1] =	stream.indirect.gather [hbm4b:s4+s15], $0x80, s3, s15, $0xb8;
	[tilespmem:$0x1FD00] =	vst v63  }
0x27: {  	_ = 	snop  }
0x28: {  	[tilespmem:s17], [sflag:$0x2] =	stream.indirect.gather [hbm4b:s4+s15], $0x80, s15, s15, $0xb8;
	[tilespmem:$0x1FD00] =	vst v63  }
0x29: {  	_ =	swait.ge [sflag:s18], $0x4000  }
0x2a: {  	[sflag:s18] =	ssyncset.done $0x0  }
0x2b: {  	[sflag:s18] =	ssyncadd.s32 $0xFFFFC000  }
0x2c: {  	[tilespmem:s20], [sflag:$0x3] =	stream.indirect.gather [hbm4b:s4+s15], $0x80, s19, s15, $0xb8;
	[tilespmem:$0x1FD00] =	vst v63  }
0x2d: {  	_ = 	snop  }
0x2e: {  	[spmem:s2] =	stream.indirect.scatter.add.f32 [tilespmem:s16], [sflag:$0x4], $0x80, s21, s15, $0xb8;
	[tilespmem:$0x1FD00] =	vst v63  }
0x2f: {  	_ =	swait.ge [sflag:s22], $0x4000  }
0x30: {  	[sflag:s22] =	ssyncset.done $0x0  }
0x31: {  	[sflag:s22] =	ssyncadd.s32 $0xFFFFC000  }
0x32: {  	_ =	swait.ge [sflag:s23], $0x4000  }
0x33: {  	[sflag:s23] =	ssyncset.done $0x0  }
0x34: {  	[sflag:s23] =	ssyncadd.s32 $0xFFFFC000  }
0x35: {  	[tilespmem:s16], [sflag:$0x1] =	stream.indirect.gather [hbm4b:s4+s15], $0x80, s24, s15, $0xb8;
	[tilespmem:$0x1FD00] =	vst v63  }
0x36: {  	_ = 	snop  }
0x37: {  	[spmem:s2] =	stream.indirect.scatter.add.f32 [tilespmem:s17], [sflag:$0x5], $0x80, s25, s15, $0xb8;
	[tilespmem:$0x1FD00] =	vst v63  }
0x38: {  	_ =	swait.ge [sflag:s26], $0x4000  }
0x39: {  	[sflag:s26] =	ssyncset.done $0x0  }
0x3a: {  	[sflag:s26] =	ssyncadd.s32 $0xFFFFC000  }
0x3b: {  	[spmem:s2] =	stream.indirect.scatter.add.f32 [tilespmem:s20], [sflag:$0x6], $0x80, s28, s15, $0xb8;
	[tilespmem:$0x1FD00] =	vst v63  }
0x3c: {  	_ =	swait.ge [sflag:s18], $0x4000  }
0x3d: {  	[sflag:s18] =	ssyncset.done $0x0  }
0x3e: {  	[sflag:s18] =	ssyncadd.s32 $0xFFFFC000  }
0x3f: {  	[spmem:s2] =	stream.indirect.scatter.add.f32 [tilespmem:s16], [sflag:$0x4], $0x80, s29, s15, $0xb8;
	[tilespmem:$0x1FD00] =	vst v63  }
0x40: {  	_ =	swait.ge [sflag:s30], $0x4000  }
0x41: {  	[sflag:s30] =	ssyncset.done $0x0  }
0x42: {  	[sflag:s30] =	ssyncadd.s32 $0xFFFFC000  }
0x43: {  	_ =	swait.ge [sflag:s31], $0x4000  }
0x44: {  	[sflag:s31] =	ssyncset.done $0x0  }
0x45: {  	[sflag:s31] =	ssyncadd.s32 $0xFFFFC000  }
0x46: {  	_ =	swait.ge [sflag:s23], $0x4000  }
0x47: {  	s5 =	simm.s32 $0x100;
	s0 =	simm.s32 $0x80;
	[sflag:s23] =	ssyncset.done $0x0  }
.LBB2_2:
0x48: {  	s7 =	sadd.s32 s0, s10  }
0x49: {  	[sflag:s23] =	ssyncadd.s32 $0xFFFFC000;
	s0 =	smov.u32 s5;
	s6 =	sadd.s32 $0x80, s5  }
0x4a: {  	[tilespmem:s3], [sflag:$0x7] =	stream.linear.gather [hbm4b:s7+s3], $0x400, $0x38;
	[tilespmem:$0x1FD00] =	vst v63  }
0x4b: {  	p1 =	sne.s32 s5, $0x1380;
	_ =	swait.ge [sflag:s14], $0x400  }
0x4c: {  	[sflag:s14] =	ssyncset.done $0x0  }
0x4d: {  	[sflag:s14] =	ssyncadd.s32 $0xFFFFFC00  }
0x4e: {  	[tilespmem:s16], [sflag:$0x1] =	stream.indirect.gather [hbm4b:s4+s15], $0x80, s3, s15, $0xb8;
	[tilespmem:$0x1FD00] =	vst v63  }
0x4f: {  	_ = 	snop  }
0x50: {  	[tilespmem:s17], [sflag:$0x2] =	stream.indirect.gather [hbm4b:s4+s15], $0x80, s15, s15, $0xb8;
	[tilespmem:$0x1FD00] =	vst v63  }
0x51: {  	_ =	swait.ge [sflag:s18], $0x4000  }
0x52: {  	[sflag:s18] =	ssyncset.done $0x0  }
0x53: {  	[sflag:s18] =	ssyncadd.s32 $0xFFFFC000  }
0x54: {  	[tilespmem:s20], [sflag:$0x3] =	stream.indirect.gather [hbm4b:s4+s15], $0x80, s19, s15, $0xb8;
	[tilespmem:$0x1FD00] =	vst v63  }
0x55: {  	_ = 	snop  }
0x56: {  	[spmem:s2] =	stream.indirect.scatter.add.f32 [tilespmem:s16], [sflag:$0x4], $0x80, s21, s15, $0xb8;
	[tilespmem:$0x1FD00] =	vst v63  }
0x57: {  	_ =	swait.ge [sflag:s22], $0x4000  }
0x58: {  	[sflag:s22] =	ssyncset.done $0x0  }
0x59: {  	[sflag:s22] =	ssyncadd.s32 $0xFFFFC000  }
0x5a: {  	_ =	swait.ge [sflag:s23], $0x4000  }
0x5b: {  	[sflag:s23] =	ssyncset.done $0x0  }
0x5c: {  	[sflag:s23] =	ssyncadd.s32 $0xFFFFC000  }
0x5d: {  	[tilespmem:s16], [sflag:$0x1] =	stream.indirect.gather [hbm4b:s4+s15], $0x80, s24, s15, $0xb8;
	[tilespmem:$0x1FD00] =	vst v63  }
0x5e: {  	_ = 	snop  }
0x5f: {  	[spmem:s2] =	stream.indirect.scatter.add.f32 [tilespmem:s17], [sflag:$0x5], $0x80, s25, s15, $0xb8;
	[tilespmem:$0x1FD00] =	vst v63  }
0x60: {  	_ =	swait.ge [sflag:s26], $0x4000  }
0x61: {  	[sflag:s26] =	ssyncset.done $0x0  }
0x62: {  	[sflag:s26] =	ssyncadd.s32 $0xFFFFC000  }
0x63: {  	[spmem:s2] =	stream.indirect.scatter.add.f32 [tilespmem:s20], [sflag:$0x6], $0x80, s28, s15, $0xb8;
	[tilespmem:$0x1FD00] =	vst v63  }
0x64: {  	_ =	swait.ge [sflag:s18], $0x4000  }
0x65: {  	[sflag:s18] =	ssyncset.done $0x0  }
0x66: {  	[sflag:s18] =	ssyncadd.s32 $0xFFFFC000  }
0x67: {  	[spmem:s2] =	stream.indirect.scatter.add.f32 [tilespmem:s16], [sflag:$0x4], $0x80, s29, s15, $0xb8;
	[tilespmem:$0x1FD00] =	vst v63  }
0x68: {  	_ =	swait.ge [sflag:s30], $0x4000  }
0x69: {  	[sflag:s30] =	ssyncset.done $0x0  }
0x6a: {  	[sflag:s30] =	ssyncadd.s32 $0xFFFFC000  }
.Ltmp0:
0x6b: {  	_ =	swait.ge [sflag:s31], $0x4000;
	(pc) =	sbr.rel @p1 .LBB2_2-.Ltmp0, $4  }
0x6c: {  	[sflag:s31] =	ssyncset.done $0x0  }
0x6d: {  	[sflag:s31] =	ssyncadd.s32 $0xFFFFC000  }
0x6e: {  	_ =	swait.ge [sflag:s23], $0x4000  }
0x6f: {  	s5 =	smov.u32 s6;
	[sflag:s23] =	ssyncset.done $0x0  }
0x70: {  	s0 =	sadd.s32 s0, s10;
	[sflag:s23] =	ssyncadd.s32 $0xFFFFC000  }
0x71: {  	[tilespmem:s3], [sflag:$0x7] =	stream.linear.gather [hbm4b:s0+s3], $0x400, $0x38;
	[tilespmem:$0x1FD00] =	vst v63  }
0x72: {  	_ =	swait.ge [sflag:s14], $0x400  }
0x73: {  	[sflag:s14] =	ssyncset.done $0x0  }
0x74: {  	[sflag:s14] =	ssyncadd.s32 $0xFFFFFC00  }
0x75: {  	[tilespmem:s16], [sflag:$0x1] =	stream.indirect.gather [hbm4b:s4+s15], $0x80, s3, s15, $0xb8;
	[tilespmem:$0x1FD00] =	vst v63  }
0x76: {  	_ = 	snop  }
0x77: {  	[tilespmem:s17], [sflag:$0x2] =	stream.indirect.gather [hbm4b:s4+s15], $0x80, s15, s15, $0xb8;
	[tilespmem:$0x1FD00] =	vst v63  }
0x78: {  	_ =	swait.ge [sflag:s18], $0x4000  }
0x79: {  	[sflag:s18] =	ssyncset.done $0x0  }
0x7a: {  	[sflag:s18] =	ssyncadd.s32 $0xFFFFC000  }
0x7b: {  	[tilespmem:s20], [sflag:$0x3] =	stream.indirect.gather [hbm4b:s4+s15], $0x80, s19, s15, $0xb8;
	[tilespmem:$0x1FD00] =	vst v63  }
0x7c: {  	_ = 	snop  }
0x7d: {  	[spmem:s2] =	stream.indirect.scatter.add.f32 [tilespmem:s16], [sflag:$0x4], $0x80, s21, s15, $0xb8;
	[tilespmem:$0x1FD00] =	vst v63  }
0x7e: {  	_ =	swait.ge [sflag:s22], $0x4000  }
0x7f: {  	[sflag:s22] =	ssyncset.done $0x0  }
0x80: {  	[sflag:s22] =	ssyncadd.s32 $0xFFFFC000  }
0x81: {  	_ =	swait.ge [sflag:s23], $0x4000  }
0x82: {  	[sflag:s23] =	ssyncset.done $0x0  }
0x83: {  	[sflag:s23] =	ssyncadd.s32 $0xFFFFC000  }
0x84: {  	[tilespmem:s16], [sflag:$0x1] =	stream.indirect.gather [hbm4b:s4+s15], $0x80, s24, s15, $0xb8;
	[tilespmem:$0x1FD00] =	vst v63  }
0x85: {  	_ = 	snop  }
0x86: {  	[spmem:s2] =	stream.indirect.scatter.add.f32 [tilespmem:s17], [sflag:$0x5], $0x80, s25, s15, $0xb8;
	[tilespmem:$0x1FD00] =	vst v63  }
0x87: {  	_ =	swait.ge [sflag:s26], $0x4000  }
0x88: {  	[sflag:s26] =	ssyncset.done $0x0  }
0x89: {  	[sflag:s26] =	ssyncadd.s32 $0xFFFFC000  }
0x8a: {  	[spmem:s2] =	stream.indirect.scatter.add.f32 [tilespmem:s20], [sflag:$0x6], $0x80, s28, s15, $0xb8;
	[tilespmem:$0x1FD00] =	vst v63  }
0x8b: {  	_ =	swait.ge [sflag:s18], $0x4000  }
0x8c: {  	[sflag:s18] =	ssyncset.done $0x0  }
0x8d: {  	[sflag:s18] =	ssyncadd.s32 $0xFFFFC000  }
0x8e: {  	[spmem:s2] =	stream.indirect.scatter.add.f32 [tilespmem:s16], [sflag:$0x4], $0x80, s29, s15, $0xb8;
	[tilespmem:$0x1FD00] =	vst v63  }
0x8f: {  	_ =	swait.ge [sflag:s30], $0x4000  }
0x90: {  	[sflag:s30] =	ssyncset.done $0x0  }
0x91: {  	[sflag:s30] =	ssyncadd.s32 $0xFFFFC000  }
0x92: {  	_ =	swait.ge [sflag:s31], $0x4000  }
0x93: {  	[sflag:s31] =	ssyncset.done $0x0  }
0x94: {  	[sflag:s31] =	ssyncadd.s32 $0xFFFFC000  }
0x95: {  	_ =	swait.ge [sflag:s23], $0x4000  }
0x96: {  	[sflag:s23] =	ssyncset.done $0x0  }
0x97: {  	[sflag:s23] =	ssyncadd.s32 $0xFFFFC000  }
0x98: {  	s0 =	simm.s32 @p0 $0x1FC7;
	[bflag:$0x0] =	sbarrier.arrive $0xFFFF  }
0x99: {  	[hbm:s8], [sflag:s0] =	dma.local @p0 [spmem:s11], $0x2180  }
0x9a: {  	s0 =	simm.s32 @p0 $0x7  }
0x9b: {  	_ =	swait.ge @p0 [sflag:s0], $0x2180  }
0x9c: {  	s1 =	sadd.s32 $0x1, s1;
	[sflag:s0] =	ssyncset.done @p0 $0x0  }
0x9d: {  	p1 =	sne.s32 s1, s9;
	[sflag:s0] =	ssyncadd.s32 @p0 $0xFFFFDE80;
	s0 =	rddreg [dreg:$0x5]  }
0x9e: {  	[hbm:s0], [sflag:s12] =	dma.local @!p0 [spmem:s13], $0x2780  }
.Ltmp1:
0x9f: {  	_ = 	snop;
	(pc) =	sbr.rel @p1 .LBB2_1-.Ltmp1, $4  }
0xa0: {  	s0 =	simm.s32 @!p0 $0x7  }
0xa1: {  	_ =	swait.ge @!p0 [sflag:s0], $0x2780  }
0xa2: {  	[sflag:s0] =	ssyncset.done @!p0 $0x0  }
0xa3: {  	[sflag:s0] =	ssyncadd.s32 @!p0 $0xFFFFD880  }
0xa4: {  	_ =	sfence.sel $0x180000  }
0xa5: {  	[bflag:$0x0] =	sbarrier.arrive $0xFFFF  }
0xa6: {  	_ =	strace $0x9000004A  }
0xa7: {  	s0 =	stileid.u32;
	[bflag:$0x2] =	sbarrier.arrive $0xFFFF  }
0xa8: {  	p0 =	sne.s32 s0, $0x0;
	s0 =	rddreg [dreg:$0x2]  }
0xa9: {  	s0 =	sadd.s32 @!p0 $0x100000, s0  }
0xaa: {  	[sflag:s0] =	ssyncadd.tile.s32 @!p0 $0x1;
	_ =	shalt  }
.Lfunc_end2:
_tile_overlayer_lowered:
.L_overlay_start_2:
0xab: {  	(tag) =	ssettag $0x2  }
0xac: {  	s0 =	rddreg [dreg:$0x0];
	s2 =	stileid.u32  }
0xad: {  	s1 =	rddreg [dreg:$0x1];
	p0 =	sne.s32 s2, $0x0  }
0xae: {  	s3 =	rddreg [dreg:$0x2];
	[bflag:$0x3] =	sbarrier.arrive $0xFFFF;
	s2 =	simm.s32 @!p0 $0x1C07  }
0xaf: {  	[timem:s3], [sflag:s2] =	dma.local @!p0 [hbm:s0], s1  }
0xb0: {  	s0 =	simm.s32 @!p0 $0x7  }
0xb1: {  	_ =	swait.ge @!p0 [sflag:s0], s1  }
0xb2: {  	s1 =	ssub.s32 @!p0 $0x0, s1;
	[sflag:s0] =	ssyncset.done @!p0 $0x0  }
0xb3: {  	[sflag:s0] =	ssyncadd.s32 @!p0 s1  }
0xb4: {  	[bflag:$0x3] =	sbarrier.arrive $0xFFFF  }
0xb5: {  	_ =	shalt  }

// kernel: kernel.19.cloned.1.call-start
scs
__scs_entry_jumppad:
0x0: {  	(pc) =	sbr.rel $0x88, $3  }
0x1: {  	(tag) =	ssettag $0x0;
	lr =	simm.s32 $0x1  }
0x2: {  	[smem:$0x3F8B] =	sst lr;
	_ =	strace $0xD0000000  }
0x3: {  	_ = 	snop  }
0x4: {  	_ = 	snop  }
0x5: {  	_ = 	snop  }
0x6: {  	_ = 	snop  }
0x7: {  	_ = 	snop  }
__scs_overlays_trampoline_lowered:
0x8: {  	[smem:$0x3F9A] =	sst s0  }
0x9: {  	[smem:$0x3F9B] =	sst s1  }
0xa: {  	[smem:$0x3F9C] =	sst s2  }
0xb: {  	[smem:$0x3F9D] =	sst s3  }
0xc: {  	[smem:$0x3F9E] =	sst s4  }
0xd: {  	[smem:$0x3F9F] =	sst s5  }
0xe: {  	[smem:$0x3FA0] =	sst s6  }
0xf: {  	[smem:$0x3FA1] =	sst s7  }
0x10: {  	[smem:$0x3FA2] =	sst s8  }
0x11: {  	[smem:$0x3FA3] =	sst s9;
	s0 =	simm.s32 @!p0 $0x0  }
0x12: {  	s1 =	sld [smem:$0x3F89];
	s0 =	simm.s32 @p0 $0x1  }
0x13: {  	[smem:$0x3FA4] =	sst s0;
	s0 =	simm.s32 @!p1 $0x0  }
0x14: {  	s2 =	sld [smem:$0x3F88];
	s0 =	simm.s32 @p1 $0x1  }
0x15: {  	[smem:$0x3FA5] =	sst s0;
	s0 =	simm.s32 @!p2 $0x0  }
0x16: {  	s3 =	sld [smem:$0x3FDB];
	s0 =	simm.s32 @p2 $0x1  }
0x17: {  	s4 =	simm.s32 $0x1BF5;
	[smem:$0x3FA7] =	sst s0  }
0x18: {  	s0 =	sld [smem:$0x3F8A];
	_ =	swait.ge [sflag:s4], $0x0  }
0x19: {  	s7 =	sld [smem:$0x3F8B]  }
0x1a: {  	s8 =	sadd.s32 $0xFFFFE003, lr  }
0x1b: {  	s9 =	sadd.s32 $0xFFFFFEF7, lr;
	s5 =	simm.s32 $0xFFFFFFFF;
	p2 =	slt.u32 s8, $0xFFFFF086  }
0x1c: {  	p1 =	slt.u32 s9, $0xF7A;
	s5 =	simm.s32 @!p2 $0x0  }
0x1d: {  	s5 =	simm.s32 @p1 $0x1;
	p0 =	seq.s32 s7, s2  }
0x1e: {  	s7 =	smul.u32 @!p0 $0xF7A, s2;
	p2 =	seq.s32 @!p0 s5, $0x0  }
0x1f: {  	s9 =	smul.u32 $0xF7A, s1;
	s8 =	simm.s32 @!p0 $0x1BF5;
	p2 =	por !p2, p0  }
0x20: {  	[sflag:s8] =	ssyncset.s32 @!p0 $0xFFFFF086;
	s6 =	sadd.s32 @!p0 s3, s7;
	s7 =	simm.s32 @!p0 $0x108  }
0x21: {  	s3 =	sadd.s32 s3, s9;
	s6 =	sadd.s32 @!p0 $0x88, s6;
	s7 =	simm.s32 @p2 $0x1082  }
0x22: {  	[simem:s7], [sflag:s8] =	dma.local @!p0 [hbm:s6], $0xF7A  }
0x23: {  	s9 =	sor.u32 $0xD0000000, s2;
	s6 =	simm.s32 $0x108;
	_ =	swait.ge @!p0 [sflag:s8], $0x0  }
0x24: {  	s3 =	sadd.s32 $0x88, s3;
	s6 =	simm.s32 @!p1 $0x1082;
	[sflag:s4] =	ssyncset.s32 $0xFFFFF086  }
0x25: {  	[simem:s6], [sflag:s4] =	dma.local [hbm:s3], $0xF7A  }
0x26: {  	[smem:$0x3F8B] =	sst s1;
	(tag) =	ssettag s2;
	_ =	strace s9  }
0x27: {  	s1 =	sld [smem:$0x3F9B]  }
0x28: {  	s2 =	sld [smem:$0x3F9C]  }
0x29: {  	s4 =	sld [smem:$0x3F9E]  }
0x2a: {  	p0 =	seq.s32 s5, $0x0;
	s5 =	sld [smem:$0x3F9F]  }
0x2b: {  	s6 =	sld [smem:$0x3FA0]  }
0x2c: {  	s7 =	sld [smem:$0x3FA1]  }
0x2d: {  	s3 =	simm.s32 $0x108;
	s8 =	sld [smem:$0x3FA2]  }
0x2e: {  	s3 =	simm.s32 @!p0 $0x1082;
	s9 =	sld [smem:$0x3FA3]  }
0x2f: {  	lr =	sadd.s32 s0, s3;
	s0 =	sld [smem:$0x3F9A]  }
0x30: {  	s3 =	sld [smem:$0x3F9D]  }
0x31: {  	[smem:$0x3FA6] =	sst s10  }
0x32: {  	s10 =	sld [smem:$0x3FA4];
	_ =	sdelay $0x3  }
0x33: {  	p0 =	seq.s32 s10, $0x1;
	s10 =	sld [smem:$0x3FA6];
	_ =	sdelay $0x3  }
0x34: {  	[smem:$0x3FA6] =	sst s10  }
0x35: {  	s10 =	sld [smem:$0x3FA5];
	_ =	sdelay $0x3  }
0x36: {  	p1 =	seq.s32 s10, $0x1;
	s10 =	sld [smem:$0x3FA6];
	_ =	sdelay $0x3  }
0x37: {  	[smem:$0x3FA6] =	sst s10  }
0x38: {  	s10 =	sld [smem:$0x3FA7]  }
0x39: {  	_ = 	snop;
	(pc) =	sbr.ind lr, $3  }
0x3a: {  	_ = 	snop  }
0x3b: {  	_ = 	snop  }
0x3c: {  	p2 =	seq.s32 s10, $0x1;
	s10 =	sld [smem:$0x3FA6]  }
0x3d: {  	_ =	shalt  }
0x3e: {  	_ =	shalt  }
0x3f: {  	_ =	shalt  }
0x40: {  	_ =	shalt  }
0x41: {  	_ =	shalt  }
0x42: {  	_ =	shalt  }
0x43: {  	_ =	shalt  }
0x44: {  	_ =	shalt  }
0x45: {  	_ =	shalt  }
0x46: {  	_ =	shalt  }
0x47: {  	_ =	shalt  }
0x48: {  	_ =	shalt  }
0x49: {  	_ =	shalt  }
0x4a: {  	_ =	shalt  }
0x4b: {  	_ =	shalt  }
0x4c: {  	_ =	shalt  }
0x4d: {  	_ =	shalt  }
0x4e: {  	_ =	shalt  }
0x4f: {  	_ =	shalt  }
0x50: {  	_ =	shalt  }
0x51: {  	_ =	shalt  }
0x52: {  	_ =	shalt  }
0x53: {  	_ =	shalt  }
0x54: {  	_ =	shalt  }
0x55: {  	_ =	shalt  }
0x56: {  	_ =	shalt  }
0x57: {  	_ =	shalt  }
0x58: {  	_ =	shalt  }
0x59: {  	_ =	shalt  }
0x5a: {  	_ =	shalt  }
0x5b: {  	_ =	shalt  }
0x5c: {  	_ =	shalt  }
0x5d: {  	_ =	shalt  }
0x5e: {  	_ =	shalt  }
0x5f: {  	_ =	shalt  }
0x60: {  	_ =	shalt  }
0x61: {  	_ =	shalt  }
0x62: {  	_ =	shalt  }
0x63: {  	_ =	shalt  }
0x64: {  	_ =	shalt  }
0x65: {  	_ =	shalt  }
0x66: {  	_ =	shalt  }
0x67: {  	_ =	shalt  }
0x68: {  	_ =	shalt  }
0x69: {  	_ =	shalt  }
0x6a: {  	_ =	shalt  }
0x6b: {  	_ =	shalt  }
0x6c: {  	_ =	shalt  }
0x6d: {  	_ =	shalt  }
0x6e: {  	_ =	shalt  }
0x6f: {  	_ =	shalt  }
0x70: {  	_ =	shalt  }
0x71: {  	_ =	shalt  }
0x72: {  	_ =	shalt  }
0x73: {  	_ =	shalt  }
0x74: {  	_ =	shalt  }
0x75: {  	_ =	shalt  }
0x76: {  	_ =	shalt  }
0x77: {  	_ =	shalt  }
0x78: {  	_ =	shalt  }
0x79: {  	_ =	shalt  }
0x7a: {  	_ =	shalt  }
0x7b: {  	_ =	shalt  }
0x7c: {  	_ =	shalt  }
0x7d: {  	_ =	shalt  }
0x7e: {  	_ =	shalt  }
0x7f: {  	_ =	shalt  }
0x80: {  	_ =	shalt  }
0x81: {  	_ =	shalt  }
0x82: {  	_ =	shalt  }
0x83: {  	_ =	shalt  }
0x84: {  	_ =	shalt  }
0x85: {  	_ =	shalt  }
0x86: {  	_ =	shalt  }
0x87: {  	_ =	shalt  }
.Lfunc_end0:
.L_simem_size_0:
called_computation.2_lowered:
.L_overlay_start_0:
0x88: {  	s2 =	sld [smem:$0x3FD9]  }
0x89: {  	s3 =	sld [smem:$0x3FFE];
	_ =	sdelay $0x1  }
0x8a: {  	s1 =	srdreg.scid  }
0x8b: {  	s0 =	sand.u32 $0x1, s1  }
0x8c: {  	s16 =	sshll.u32 s0, $0xA;
	s2 =	sadd.s32 s3, s2  }
0x8d: {  	s2 =	sadd.s32 s2, s16  }
0x8e: {  	[smem:$0x3FB2] =	sst s2  }
0x8f: {  	_ = 	snop  }
0x90: {  	(tm) =	ssettm $0x1  }
0x91: {  	s17 =	sld [smem:$0x3FFB];
	_ =	sdelay $0x3  }
0x92: {  	_ =	strace s17  }
0x93: {  	s2 =	sld [smem:$0x3FFC];
	_ =	sdelay $0x3  }
0x94: {  	_ =	strace s2  }
0x95: {  	s2 =	sld [smem:$0x3FFD];
	_ =	sdelay $0x3  }
0x96: {  	_ =	strace s2  }
0x97: {  	_ =	strace $0x8FFFFFFF  }
0x98: {  	s18 =	sld [smem:$0x3FDB];
	_ =	sdelay $0x1  }
0x99: {  	s19 =	simm.s32 $_scs_section_size  }
0x9a: {  	s4 =	simm.s32 $_size__tile_overlayer_lowered;
	s5 =	simm.s32 $_tile_overlayer_lowered  }
0x9b: {  	s22 =	simm.s32 $0x1BFF;
	s21 =	sshll.u32 s5, $0x1;
	s2 =	sadd.s32 s19, s18  }
0x9c: {  	s6 =	simm.s32 $0x0;
	s20 =	sshll.u32 s4, $0x1;
	s4 =	sadd.s32 s21, s2  }
0x9d: {  	[timem:s6], [sflag:s22] =	dma.local [hbm:s4], s20  }
0x9e: {  	_ =	swait.ge [sflag:s22], s20  }
0x9f: {  	s3 =	ssub.s32 $0x0, s20;
	[sflag:s22] =	ssyncset.done $0x0  }
0xa0: {  	[sflag:s22] =	ssyncadd.s32 s3;
	_ =	sdelay $0x1  }
0xa1: {  	s23 =	simm.s32 $0x1B8B  }
0xa2: {  	_ =	swait.ge [sflag:s23], $0x1  }
0xa3: {  	[sflag:s23] =	ssyncset.done $0x0  }
0xa4: {  	s25 =	simm.s32 $0x1B8E;
	s24 =	sld [smem:$0x3FFE];
	[sflag:s23] =	ssyncadd.s32 $0xFFFFFFFF  }
0xa5: {  	s26 =	simm.s32 $execute0_lowered;
	[smem:$0x3FD2] =	sst s25  }
0xa6: {  	s4 =	sshll.u32 s26, $0x1;
	_ =	strace $0x8000004C;
	[dreg:$0x1] =	wrdreg $0xFFFFFFFF  }
0xa7: {  	s28 =	simm.s32 $_size_execute0_lowered;
	s2 =	sadd.s32 s2, s4;
	[dreg:$0x0] =	wrdreg $0x0  }
0xa8: {  	s4 =	sshll.u32 s28, $0x1;
	[dreg:$0x2] =	wrdreg s2  }
0xa9: {  	[dreg:$0x3] =	wrdreg s4  }
0xaa: {  	[dreg:$0x4] =	wrdreg $0xC0  }
0xab: {  	_ =	task [dreg:s6], $0x5FFFF  }
0xac: {  	[dreg:$0x1] =	wrdreg $0xFFFFFFFF  }
0xad: {  	[dreg:$0x0] =	wrdreg $0x60  }
0xae: {  	[dreg:$0x2] =	wrdreg s24  }
0xaf: {  	[dreg:$0x3] =	wrdreg $0xC4000  }
0xb0: {  	[dreg:$0x4] =	wrdreg $0x9  }
0xb1: {  	_ =	task.clear_ibuf [dreg:s6], $0x5FFFF;
	_ =	strace $0x9000004C  }
0xb2: {  	s29 =	simm.s32 $0x9;
	_ =	strace $0x8000004E  }
0xb3: {  	_ =	swait.ge [sflag:s29], $0x1  }
0xb4: {  	[sflag:s29] =	ssyncadd.s32 $0xFFFFFFFF  }
0xb5: {  	_ =	strace $0x9000004E  }
0xb6: {  	_ =	sfence  }
0xb7: {  	s30 =	sld [smem:$0x0];
	_ =	sdelay $0x2  }
0xb8: {  	s31 =	sshll.u32 s1, $0xD;
	s1 =	sshrl.u32 s1, $0x2  }
0xb9: {  	s3 =	sand.u32 $0x4000, s31;
	s1 =	sadd.s32 s1, s30  }
0xba: {  	s0 =	sor.u32 s3, s0;
	s1 =	sshll.u32 s1, $0x11  }
0xbb: {  	s0 =	sor.u32 s1, s0  }
0xbc: {  	s0 =	sadd.s32 $0x8F2B, s0  }
0xbd: {  	[sflag:s0] =	ssyncadd.remote.s32 $0x1  }
0xbe: {  	_ =	sfence.sel $0xFFFF  }
0xbf: {  	[dreg:$0x0] =	wrdreg $0xFFFFFFFF;
	(pc) =	sbr.abs _section_cstart, $3  }
0xc0: {  	[dreg:$0x1] =	wrdreg $0xFFFFFFFF  }
0xc1: {  	_ =	task.clear_ibuf [dreg:s6], $0x2FFFF;
	_ =	strace $0x9FFFFFFF  }
0xc2: {  	(tm) =	ssettm $0x7FFFFFFF  }
0xc3: {  	_ =	shalt  }
tec
execute0_lowered:
.L_overlay_start_1:
0x0: {  	(tag) =	ssettag $0x1  }
0x1: {  	s0 =	srdreg.scid;
	s1 =	rddreg [dreg:$0x0]  }
0x2: {  	s12 =	stileid.u32;
	s2 =	rddreg [dreg:$0x1];
	s3 =	simm.s32 $0x0  }
0x3: {  	s14 =	simm.s32 $0x7;
	s15 =	simm.s32 $0x80;
	s16 =	simm.s32 $0x400  }
0x4: {  	s17 =	simm.s32 $0x4400;
	s18 =	simm.s32 $0x1;
	s19 =	simm.s32 $0x100  }
0x5: {  	s20 =	simm.s32 $0x8400;
	s21 =	simm.s32 $0x200;
	s22 =	simm.s32 $0x2  }
0x6: {  	s23 =	simm.s32 $0x4;
	s24 =	simm.s32 $0x180;
	s5 =	smul.u32 $0xA000, s12  }
0x7: {  	s28 =	simm.s32 $0x300;
	s29 =	simm.s32 $0x380;
	s6 =	smul.u32 $0x2780, s12  }
0x8: {  	s30 =	simm.s32 $0x5;
	s31 =	simm.s32 $0x6;
	s7 =	smul.u32 $0x4F000, s12  }
0x9: {  	s0 =	sand.u32 $0x1, s0;
	[smem:$0x7FF] =	sst s3;
	s11 =	smul.u32 $0x13C00, s12  }
0xa: {  	s8 =	sadd.s32 $0xF0200, s1;
	p0 =	seq.s32 s12, $0xF;
	s4 =	smul.u32 $0xA0000, s0  }
0xb: {  	_ =	strace $0x8000004D;
	s9 =	ssub.s32 $0x2, s0;
	s0 =	smul.u32 $0x139000, s0  }
0xc: {  	s6 =	sadd.s32 s6, s1;
	s10 =	sshrl.u32 s9, $0x1;
	s7 =	sshrl.u32 s7, $0x2  }
0xd: {  	s5 =	sadd.s32 s5, s4;
	s4 =	sadd.s32 $0xA2000, s1;
	s9 =	ssub.s32 s9, s10  }
0xe: {  	s13 =	sadd.s32 s7, s2;
	s6 =	sadd.s32 $0x2CA00, s6;
	s25 =	sadd.s32 s11, s0  }
0xf: {  	s0 =	sshrl.u32 s0, $0x3;
	s5 =	sshrl.u32 s5, $0x3;
	[dreg:$0x3] =	wrdreg s6  }
0x10: {  	s6 =	sadd.s32 $0x128400, s2;
	s26 =	sshrl.u32 s25, $0x3;
	s0 =	sadd.s32 s8, s0  }
0x11: {  	s9 =	smax.u32 s9, $0x1;
	s13 =	sshrl.u32 @!p0 s13, $0x3;
	s25 =	simm.s32 $0x280  }
0x12: {  	s5 =	sadd.s32 s5, s1;
	s1 =	sadd.s32 $0x51A80, s1;
	s11 =	sshrl.u32 @p0 s6, $0x3  }
0x13: {  	[dreg:$0x4] =	wrdreg s1;
	s1 =	sadd.s32 s8, s26;
	s8 =	sadd.s32 $0x25080, s0  }
0x14: {  	s10 =	sadd.s32 $0x4A00, s5;
	s0 =	sshll.u32 @!p0 s12, $0x6;
	s26 =	simm.s32 $0x3  }
0x15: {  	[dreg:$0x5] =	wrdreg s1;
	s12 =	sor.u32 @!p0 $0x1C07, s0;
	s1 =	simm.s32 $0x0  }
.LBB2_1:
0x16: {  	s0 =	simm.s32 @p0 $0x1FC7;
	s5 =	rddreg [dreg:$0x4]  }
0x17: {  	[spmem:s11], [sflag:s0] =	dma.local @p0 [hbm:s5], $0x2180  }
0x18: {  	s0 =	simm.s32 @p0 $0x7  }
0x19: {  	_ =	swait.ge @p0 [sflag:s0], $0x2180  }
0x1a: {  	[sflag:s0] =	ssyncset.done @p0 $0x0  }
0x1b: {  	[sflag:s0] =	ssyncadd.s32 @p0 $0xFFFFDE80;
	s0 =	rddreg [dreg:$0x3]  }
0x1c: {  	[spmem:s13], [sflag:s12] =	dma.local @!p0 [hbm:s0], $0x2780  }
0x1d: {  	s0 =	simm.s32 @!p0 $0x7  }
0x1e: {  	_ =	swait.ge @!p0 [sflag:s0], $0x2780  }
0x1f: {  	[sflag:s0] =	ssyncset.done @!p0 $0x0  }
0x20: {  	[sflag:s0] =	ssyncadd.s32 @!p0 $0xFFFFD880  }
0x21: {  	s7 =	sadd.s32 $0x0, s10;
	[bflag:$0x0] =	sbarrier.arrive $0xFFFF  }
0x22: {  	[tilespmem:s3], [sflag:$0x7] =	stream.linear.gather [hbm4b:s7+s3], $0x400, $0x38;
	[tilespmem:$0x1FD00] =	vst v63  }
0x23: {  	_ =	swait.ge [sflag:s14], $0x400  }
0x24: {  	[sflag:s14] =	ssyncset.done $0x0  }
0x25: {  	[sflag:s14] =	ssyncadd.s32 $0xFFFFFC00  }
0x26: {  	[tilespmem:s16], [sflag:$0x1] =	stream.indirect.gather [hbm4b:s4+s15], $0x80, s3, s15, $0xb8;
	[tilespmem:$0x1FD00] =	vst v63  }
0x27: {  	_ = 	snop  }
0x28: {  	[tilespmem:s17], [sflag:$0x2] =	stream.indirect.gather [hbm4b:s4+s15], $0x80, s15, s15, $0xb8;
	[tilespmem:$0x1FD00] =	vst v63  }
0x29: {  	_ =	swait.ge [sflag:s18], $0x4000  }
0x2a: {  	[sflag:s18] =	ssyncset.done $0x0  }
0x2b: {  	[sflag:s18] =	ssyncadd.s32 $0xFFFFC000  }
0x2c: {  	[tilespmem:s20], [sflag:$0x3] =	stream.indirect.gather [hbm4b:s4+s15], $0x80, s19, s15, $0xb8;
	[tilespmem:$0x1FD00] =	vst v63  }
0x2d: {  	_ = 	snop  }
0x2e: {  	[spmem:s2] =	stream.indirect.scatter.add.f32 [tilespmem:s16], [sflag:$0x4], $0x80, s21, s15, $0xb8;
	[tilespmem:$0x1FD00] =	vst v63  }
0x2f: {  	_ =	swait.ge [sflag:s22], $0x4000  }
0x30: {  	[sflag:s22] =	ssyncset.done $0x0  }
0x31: {  	[sflag:s22] =	ssyncadd.s32 $0xFFFFC000  }
0x32: {  	_ =	swait.ge [sflag:s23], $0x4000  }
0x33: {  	[sflag:s23] =	ssyncset.done $0x0  }
0x34: {  	[sflag:s23] =	ssyncadd.s32 $0xFFFFC000  }
0x35: {  	[tilespmem:s16], [sflag:$0x1] =	stream.indirect.gather [hbm4b:s4+s15], $0x80, s24, s15, $0xb8;
	[tilespmem:$0x1FD00] =	vst v63  }
0x36: {  	_ = 	snop  }
0x37: {  	[spmem:s2] =	stream.indirect.scatter.add.f32 [tilespmem:s17], [sflag:$0x5], $0x80, s25, s15, $0xb8;
	[tilespmem:$0x1FD00] =	vst v63  }
0x38: {  	_ =	swait.ge [sflag:s26], $0x4000  }
0x39: {  	[sflag:s26] =	ssyncset.done $0x0  }
0x3a: {  	[sflag:s26] =	ssyncadd.s32 $0xFFFFC000  }
0x3b: {  	[spmem:s2] =	stream.indirect.scatter.add.f32 [tilespmem:s20], [sflag:$0x6], $0x80, s28, s15, $0xb8;
	[tilespmem:$0x1FD00] =	vst v63  }
0x3c: {  	_ =	swait.ge [sflag:s18], $0x4000  }
0x3d: {  	[sflag:s18] =	ssyncset.done $0x0  }
0x3e: {  	[sflag:s18] =	ssyncadd.s32 $0xFFFFC000  }
0x3f: {  	[spmem:s2] =	stream.indirect.scatter.add.f32 [tilespmem:s16], [sflag:$0x4], $0x80, s29, s15, $0xb8;
	[tilespmem:$0x1FD00] =	vst v63  }
0x40: {  	_ =	swait.ge [sflag:s30], $0x4000  }
0x41: {  	[sflag:s30] =	ssyncset.done $0x0  }
0x42: {  	[sflag:s30] =	ssyncadd.s32 $0xFFFFC000  }
0x43: {  	_ =	swait.ge [sflag:s31], $0x4000  }
0x44: {  	[sflag:s31] =	ssyncset.done $0x0  }
0x45: {  	[sflag:s31] =	ssyncadd.s32 $0xFFFFC000  }
0x46: {  	_ =	swait.ge [sflag:s23], $0x4000  }
0x47: {  	s5 =	simm.s32 $0x100;
	s0 =	simm.s32 $0x80;
	[sflag:s23] =	ssyncset.done $0x0  }
.LBB2_2:
0x48: {  	s7 =	sadd.s32 s0, s10  }
0x49: {  	[sflag:s23] =	ssyncadd.s32 $0xFFFFC000;
	s0 =	smov.u32 s5;
	s6 =	sadd.s32 $0x80, s5  }
0x4a: {  	[tilespmem:s3], [sflag:$0x7] =	stream.linear.gather [hbm4b:s7+s3], $0x400, $0x38;
	[tilespmem:$0x1FD00] =	vst v63  }
0x4b: {  	p1 =	sne.s32 s5, $0x1380;
	_ =	swait.ge [sflag:s14], $0x400  }
0x4c: {  	[sflag:s14] =	ssyncset.done $0x0  }
0x4d: {  	[sflag:s14] =	ssyncadd.s32 $0xFFFFFC00  }
0x4e: {  	[tilespmem:s16], [sflag:$0x1] =	stream.indirect.gather [hbm4b:s4+s15], $0x80, s3, s15, $0xb8;
	[tilespmem:$0x1FD00] =	vst v63  }
0x4f: {  	_ = 	snop  }
0x50: {  	[tilespmem:s17], [sflag:$0x2] =	stream.indirect.gather [hbm4b:s4+s15], $0x80, s15, s15, $0xb8;
	[tilespmem:$0x1FD00] =	vst v63  }
0x51: {  	_ =	swait.ge [sflag:s18], $0x4000  }
0x52: {  	[sflag:s18] =	ssyncset.done $0x0  }
0x53: {  	[sflag:s18] =	ssyncadd.s32 $0xFFFFC000  }
0x54: {  	[tilespmem:s20], [sflag:$0x3] =	stream.indirect.gather [hbm4b:s4+s15], $0x80, s19, s15, $0xb8;
	[tilespmem:$0x1FD00] =	vst v63  }
0x55: {  	_ = 	snop  }
0x56: {  	[spmem:s2] =	stream.indirect.scatter.add.f32 [tilespmem:s16], [sflag:$0x4], $0x80, s21, s15, $0xb8;
	[tilespmem:$0x1FD00] =	vst v63  }
0x57: {  	_ =	swait.ge [sflag:s22], $0x4000  }
0x58: {  	[sflag:s22] =	ssyncset.done $0x0  }
0x59: {  	[sflag:s22] =	ssyncadd.s32 $0xFFFFC000  }
0x5a: {  	_ =	swait.ge [sflag:s23], $0x4000  }
0x5b: {  	[sflag:s23] =	ssyncset.done $0x0  }
0x5c: {  	[sflag:s23] =	ssyncadd.s32 $0xFFFFC000  }
0x5d: {  	[tilespmem:s16], [sflag:$0x1] =	stream.indirect.gather [hbm4b:s4+s15], $0x80, s24, s15, $0xb8;
	[tilespmem:$0x1FD00] =	vst v63  }
0x5e: {  	_ = 	snop  }
0x5f: {  	[spmem:s2] =	stream.indirect.scatter.add.f32 [tilespmem:s17], [sflag:$0x5], $0x80, s25, s15, $0xb8;
	[tilespmem:$0x1FD00] =	vst v63  }
0x60: {  	_ =	swait.ge [sflag:s26], $0x4000  }
0x61: {  	[sflag:s26] =	ssyncset.done $0x0  }
0x62: {  	[sflag:s26] =	ssyncadd.s32 $0xFFFFC000  }
0x63: {  	[spmem:s2] =	stream.indirect.scatter.add.f32 [tilespmem:s20], [sflag:$0x6], $0x80, s28, s15, $0xb8;
	[tilespmem:$0x1FD00] =	vst v63  }
0x64: {  	_ =	swait.ge [sflag:s18], $0x4000  }
0x65: {  	[sflag:s18] =	ssyncset.done $0x0  }
0x66: {  	[sflag:s18] =	ssyncadd.s32 $0xFFFFC000  }
0x67: {  	[spmem:s2] =	stream.indirect.scatter.add.f32 [tilespmem:s16], [sflag:$0x4], $0x80, s29, s15, $0xb8;
	[tilespmem:$0x1FD00] =	vst v63  }
0x68: {  	_ =	swait.ge [sflag:s30], $0x4000  }
0x69: {  	[sflag:s30] =	ssyncset.done $0x0  }
0x6a: {  	[sflag:s30] =	ssyncadd.s32 $0xFFFFC000  }
.Ltmp0:
0x6b: {  	_ =	swait.ge [sflag:s31], $0x4000;
	(pc) =	sbr.rel @p1 .LBB2_2-.Ltmp0, $4  }
0x6c: {  	[sflag:s31] =	ssyncset.done $0x0  }
0x6d: {  	[sflag:s31] =	ssyncadd.s32 $0xFFFFC000  }
0x6e: {  	_ =	swait.ge [sflag:s23], $0x4000  }
0x6f: {  	s5 =	smov.u32 s6;
	[sflag:s23] =	ssyncset.done $0x0  }
0x70: {  	s0 =	sadd.s32 s0, s10;
	[sflag:s23] =	ssyncadd.s32 $0xFFFFC000  }
0x71: {  	[tilespmem:s3], [sflag:$0x7] =	stream.linear.gather [hbm4b:s0+s3], $0x400, $0x38;
	[tilespmem:$0x1FD00] =	vst v63  }
0x72: {  	_ =	swait.ge [sflag:s14], $0x400  }
0x73: {  	[sflag:s14] =	ssyncset.done $0x0  }
0x74: {  	[sflag:s14] =	ssyncadd.s32 $0xFFFFFC00  }
0x75: {  	[tilespmem:s16], [sflag:$0x1] =	stream.indirect.gather [hbm4b:s4+s15], $0x80, s3, s15, $0xb8;
	[tilespmem:$0x1FD00] =	vst v63  }
0x76: {  	_ = 	snop  }
0x77: {  	[tilespmem:s17], [sflag:$0x2] =	stream.indirect.gather [hbm4b:s4+s15], $0x80, s15, s15, $0xb8;
	[tilespmem:$0x1FD00] =	vst v63  }
0x78: {  	_ =	swait.ge [sflag:s18], $0x4000  }
0x79: {  	[sflag:s18] =	ssyncset.done $0x0  }
0x7a: {  	[sflag:s18] =	ssyncadd.s32 $0xFFFFC000  }
0x7b: {  	[tilespmem:s20], [sflag:$0x3] =	stream.indirect.gather [hbm4b:s4+s15], $0x80, s19, s15, $0xb8;
	[tilespmem:$0x1FD00] =	vst v63  }
0x7c: {  	_ = 	snop  }
0x7d: {  	[spmem:s2] =	stream.indirect.scatter.add.f32 [tilespmem:s16], [sflag:$0x4], $0x80, s21, s15, $0xb8;
	[tilespmem:$0x1FD00] =	vst v63  }
0x7e: {  	_ =	swait.ge [sflag:s22], $0x4000  }
0x7f: {  	[sflag:s22] =	ssyncset.done $0x0  }
0x80: {  	[sflag:s22] =	ssyncadd.s32 $0xFFFFC000  }
0x81: {  	_ =	swait.ge [sflag:s23], $0x4000  }
0x82: {  	[sflag:s23] =	ssyncset.done $0x0  }
0x83: {  	[sflag:s23] =	ssyncadd.s32 $0xFFFFC000  }
0x84: {  	[tilespmem:s16], [sflag:$0x1] =	stream.indirect.gather [hbm4b:s4+s15], $0x80, s24, s15, $0xb8;
	[tilespmem:$0x1FD00] =	vst v63  }
0x85: {  	_ = 	snop  }
0x86: {  	[spmem:s2] =	stream.indirect.scatter.add.f32 [tilespmem:s17], [sflag:$0x5], $0x80, s25, s15, $0xb8;
	[tilespmem:$0x1FD00] =	vst v63  }
0x87: {  	_ =	swait.ge [sflag:s26], $0x4000  }
0x88: {  	[sflag:s26] =	ssyncset.done $0x0  }
0x89: {  	[sflag:s26] =	ssyncadd.s32 $0xFFFFC000  }
0x8a: {  	[spmem:s2] =	stream.indirect.scatter.add.f32 [tilespmem:s20], [sflag:$0x6], $0x80, s28, s15, $0xb8;
	[tilespmem:$0x1FD00] =	vst v63  }
0x8b: {  	_ =	swait.ge [sflag:s18], $0x4000  }
0x8c: {  	[sflag:s18] =	ssyncset.done $0x0  }
0x8d: {  	[sflag:s18] =	ssyncadd.s32 $0xFFFFC000  }
0x8e: {  	[spmem:s2] =	stream.indirect.scatter.add.f32 [tilespmem:s16], [sflag:$0x4], $0x80, s29, s15, $0xb8;
	[tilespmem:$0x1FD00] =	vst v63  }
0x8f: {  	_ =	swait.ge [sflag:s30], $0x4000  }
0x90: {  	[sflag:s30] =	ssyncset.done $0x0  }
0x91: {  	[sflag:s30] =	ssyncadd.s32 $0xFFFFC000  }
0x92: {  	_ =	swait.ge [sflag:s31], $0x4000  }
0x93: {  	[sflag:s31] =	ssyncset.done $0x0  }
0x94: {  	[sflag:s31] =	ssyncadd.s32 $0xFFFFC000  }
0x95: {  	_ =	swait.ge [sflag:s23], $0x4000  }
0x96: {  	[sflag:s23] =	ssyncset.done $0x0  }
0x97: {  	[sflag:s23] =	ssyncadd.s32 $0xFFFFC000  }
0x98: {  	s0 =	simm.s32 @p0 $0x1FC7;
	[bflag:$0x0] =	sbarrier.arrive $0xFFFF  }
0x99: {  	[hbm:s8], [sflag:s0] =	dma.local @p0 [spmem:s11], $0x2180  }
0x9a: {  	s0 =	simm.s32 @p0 $0x7  }
0x9b: {  	_ =	swait.ge @p0 [sflag:s0], $0x2180  }
0x9c: {  	s1 =	sadd.s32 $0x1, s1;
	[sflag:s0] =	ssyncset.done @p0 $0x0  }
0x9d: {  	p1 =	sne.s32 s1, s9;
	[sflag:s0] =	ssyncadd.s32 @p0 $0xFFFFDE80;
	s0 =	rddreg [dreg:$0x5]  }
0x9e: {  	[hbm:s0], [sflag:s12] =	dma.local @!p0 [spmem:s13], $0x2780  }
.Ltmp1:
0x9f: {  	_ = 	snop;
	(pc) =	sbr.rel @p1 .LBB2_1-.Ltmp1, $4  }
0xa0: {  	s0 =	simm.s32 @!p0 $0x7  }
0xa1: {  	_ =	swait.ge @!p0 [sflag:s0], $0x2780  }
0xa2: {  	[sflag:s0] =	ssyncset.done @!p0 $0x0  }
0xa3: {  	[sflag:s0] =	ssyncadd.s32 @!p0 $0xFFFFD880  }
0xa4: {  	_ =	sfence.sel $0x180000  }
0xa5: {  	[bflag:$0x0] =	sbarrier.arrive $0xFFFF  }
0xa6: {  	_ =	strace $0x9000004D  }
0xa7: {  	s0 =	stileid.u32;
	[bflag:$0x2] =	sbarrier.arrive $0xFFFF  }
0xa8: {  	p0 =	sne.s32 s0, $0x0;
	s0 =	rddreg [dreg:$0x2]  }
0xa9: {  	s0 =	sadd.s32 @!p0 $0x100000, s0  }
0xaa: {  	[sflag:s0] =	ssyncadd.tile.s32 @!p0 $0x1;
	_ =	shalt  }
.Lfunc_end2:
_tile_overlayer_lowered:
.L_overlay_start_2:
0xab: {  	(tag) =	ssettag $0x2  }
0xac: {  	s0 =	rddreg [dreg:$0x0];
	s2 =	stileid.u32  }
0xad: {  	s1 =	rddreg [dreg:$0x1];
	p0 =	sne.s32 s2, $0x0  }
0xae: {  	s3 =	rddreg [dreg:$0x2];
	[bflag:$0x3] =	sbarrier.arrive $0xFFFF;
	s2 =	simm.s32 @!p0 $0x1C07  }
0xaf: {  	[timem:s3], [sflag:s2] =	dma.local @!p0 [hbm:s0], s1  }
0xb0: {  	s0 =	simm.s32 @!p0 $0x7  }
0xb1: {  	_ =	swait.ge @!p0 [sflag:s0], s1  }
0xb2: {  	s1 =	ssub.s32 @!p0 $0x0, s1;
	[sflag:s0] =	ssyncset.done @!p0 $0x0  }
0xb3: {  	[sflag:s0] =	ssyncadd.s32 @!p0 s1  }
0xb4: {  	[bflag:$0x3] =	sbarrier.arrive $0xFFFF  }
0xb5: {  	_ =	shalt  }

// kernel: kernel.22.cloned.1.call-start
scs
__scs_entry_jumppad:
0x0: {  	(pc) =	sbr.rel $0x88, $3  }
0x1: {  	(tag) =	ssettag $0x0;
	lr =	simm.s32 $0x1  }
0x2: {  	[smem:$0x3F8B] =	sst lr;
	_ =	strace $0xD0000000  }
0x3: {  	_ = 	snop  }
0x4: {  	_ = 	snop  }
0x5: {  	_ = 	snop  }
0x6: {  	_ = 	snop  }
0x7: {  	_ = 	snop  }
__scs_overlays_trampoline_lowered:
0x8: {  	[smem:$0x3F9A] =	sst s0  }
0x9: {  	[smem:$0x3F9B] =	sst s1  }
0xa: {  	[smem:$0x3F9C] =	sst s2  }
0xb: {  	[smem:$0x3F9D] =	sst s3  }
0xc: {  	[smem:$0x3F9E] =	sst s4  }
0xd: {  	[smem:$0x3F9F] =	sst s5  }
0xe: {  	[smem:$0x3FA0] =	sst s6  }
0xf: {  	[smem:$0x3FA1] =	sst s7  }
0x10: {  	[smem:$0x3FA2] =	sst s8  }
0x11: {  	[smem:$0x3FA3] =	sst s9;
	s0 =	simm.s32 @!p0 $0x0  }
0x12: {  	s1 =	sld [smem:$0x3F89];
	s0 =	simm.s32 @p0 $0x1  }
0x13: {  	[smem:$0x3FA4] =	sst s0;
	s0 =	simm.s32 @!p1 $0x0  }
0x14: {  	s2 =	sld [smem:$0x3F88];
	s0 =	simm.s32 @p1 $0x1  }
0x15: {  	[smem:$0x3FA5] =	sst s0;
	s0 =	simm.s32 @!p2 $0x0  }
0x16: {  	s3 =	sld [smem:$0x3FDB];
	s0 =	simm.s32 @p2 $0x1  }
0x17: {  	s4 =	simm.s32 $0x1BF5;
	[smem:$0x3FA7] =	sst s0  }
0x18: {  	s0 =	sld [smem:$0x3F8A];
	_ =	swait.ge [sflag:s4], $0x0  }
0x19: {  	s7 =	sld [smem:$0x3F8B]  }
0x1a: {  	s8 =	sadd.s32 $0xFFFFE003, lr  }
0x1b: {  	s9 =	sadd.s32 $0xFFFFFEF7, lr;
	s5 =	simm.s32 $0xFFFFFFFF;
	p2 =	slt.u32 s8, $0xFFFFF086  }
0x1c: {  	p1 =	slt.u32 s9, $0xF7A;
	s5 =	simm.s32 @!p2 $0x0  }
0x1d: {  	s5 =	simm.s32 @p1 $0x1;
	p0 =	seq.s32 s7, s2  }
0x1e: {  	s7 =	smul.u32 @!p0 $0xF7A, s2;
	p2 =	seq.s32 @!p0 s5, $0x0  }
0x1f: {  	s9 =	smul.u32 $0xF7A, s1;
	s8 =	simm.s32 @!p0 $0x1BF5;
	p2 =	por !p2, p0  }
0x20: {  	[sflag:s8] =	ssyncset.s32 @!p0 $0xFFFFF086;
	s6 =	sadd.s32 @!p0 s3, s7;
	s7 =	simm.s32 @!p0 $0x108  }
0x21: {  	s3 =	sadd.s32 s3, s9;
	s6 =	sadd.s32 @!p0 $0x88, s6;
	s7 =	simm.s32 @p2 $0x1082  }
0x22: {  	[simem:s7], [sflag:s8] =	dma.local @!p0 [hbm:s6], $0xF7A  }
0x23: {  	s9 =	sor.u32 $0xD0000000, s2;
	s6 =	simm.s32 $0x108;
	_ =	swait.ge @!p0 [sflag:s8], $0x0  }
0x24: {  	s3 =	sadd.s32 $0x88, s3;
	s6 =	simm.s32 @!p1 $0x1082;
	[sflag:s4] =	ssyncset.s32 $0xFFFFF086  }
0x25: {  	[simem:s6], [sflag:s4] =	dma.local [hbm:s3], $0xF7A  }
0x26: {  	[smem:$0x3F8B] =	sst s1;
	(tag) =	ssettag s2;
	_ =	strace s9  }
0x27: {  	s1 =	sld [smem:$0x3F9B]  }
0x28: {  	s2 =	sld [smem:$0x3F9C]  }
0x29: {  	s4 =	sld [smem:$0x3F9E]  }
0x2a: {  	p0 =	seq.s32 s5, $0x0;
	s5 =	sld [smem:$0x3F9F]  }
0x2b: {  	s6 =	sld [smem:$0x3FA0]  }
0x2c: {  	s7 =	sld [smem:$0x3FA1]  }
0x2d: {  	s3 =	simm.s32 $0x108;
	s8 =	sld [smem:$0x3FA2]  }
0x2e: {  	s3 =	simm.s32 @!p0 $0x1082;
	s9 =	sld [smem:$0x3FA3]  }
0x2f: {  	lr =	sadd.s32 s0, s3;
	s0 =	sld [smem:$0x3F9A]  }
0x30: {  	s3 =	sld [smem:$0x3F9D]  }
0x31: {  	[smem:$0x3FA6] =	sst s10  }
0x32: {  	s10 =	sld [smem:$0x3FA4];
	_ =	sdelay $0x3  }
0x33: {  	p0 =	seq.s32 s10, $0x1;
	s10 =	sld [smem:$0x3FA6];
	_ =	sdelay $0x3  }
0x34: {  	[smem:$0x3FA6] =	sst s10  }
0x35: {  	s10 =	sld [smem:$0x3FA5];
	_ =	sdelay $0x3  }
0x36: {  	p1 =	seq.s32 s10, $0x1;
	s10 =	sld [smem:$0x3FA6];
	_ =	sdelay $0x3  }
0x37: {  	[smem:$0x3FA6] =	sst s10  }
0x38: {  	s10 =	sld [smem:$0x3FA7]  }
0x39: {  	_ = 	snop;
	(pc) =	sbr.ind lr, $3  }
0x3a: {  	_ = 	snop  }
0x3b: {  	_ = 	snop  }
0x3c: {  	p2 =	seq.s32 s10, $0x1;
	s10 =	sld [smem:$0x3FA6]  }
0x3d: {  	_ =	shalt  }
0x3e: {  	_ =	shalt  }
0x3f: {  	_ =	shalt  }
0x40: {  	_ =	shalt  }
0x41: {  	_ =	shalt  }
0x42: {  	_ =	shalt  }
0x43: {  	_ =	shalt  }
0x44: {  	_ =	shalt  }
0x45: {  	_ =	shalt  }
0x46: {  	_ =	shalt  }
0x47: {  	_ =	shalt  }
0x48: {  	_ =	shalt  }
0x49: {  	_ =	shalt  }
0x4a: {  	_ =	shalt  }
0x4b: {  	_ =	shalt  }
0x4c: {  	_ =	shalt  }
0x4d: {  	_ =	shalt  }
0x4e: {  	_ =	shalt  }
0x4f: {  	_ =	shalt  }
0x50: {  	_ =	shalt  }
0x51: {  	_ =	shalt  }
0x52: {  	_ =	shalt  }
0x53: {  	_ =	shalt  }
0x54: {  	_ =	shalt  }
0x55: {  	_ =	shalt  }
0x56: {  	_ =	shalt  }
0x57: {  	_ =	shalt  }
0x58: {  	_ =	shalt  }
0x59: {  	_ =	shalt  }
0x5a: {  	_ =	shalt  }
0x5b: {  	_ =	shalt  }
0x5c: {  	_ =	shalt  }
0x5d: {  	_ =	shalt  }
0x5e: {  	_ =	shalt  }
0x5f: {  	_ =	shalt  }
0x60: {  	_ =	shalt  }
0x61: {  	_ =	shalt  }
0x62: {  	_ =	shalt  }
0x63: {  	_ =	shalt  }
0x64: {  	_ =	shalt  }
0x65: {  	_ =	shalt  }
0x66: {  	_ =	shalt  }
0x67: {  	_ =	shalt  }
0x68: {  	_ =	shalt  }
0x69: {  	_ =	shalt  }
0x6a: {  	_ =	shalt  }
0x6b: {  	_ =	shalt  }
0x6c: {  	_ =	shalt  }
0x6d: {  	_ =	shalt  }
0x6e: {  	_ =	shalt  }
0x6f: {  	_ =	shalt  }
0x70: {  	_ =	shalt  }
0x71: {  	_ =	shalt  }
0x72: {  	_ =	shalt  }
0x73: {  	_ =	shalt  }
0x74: {  	_ =	shalt  }
0x75: {  	_ =	shalt  }
0x76: {  	_ =	shalt  }
0x77: {  	_ =	shalt  }
0x78: {  	_ =	shalt  }
0x79: {  	_ =	shalt  }
0x7a: {  	_ =	shalt  }
0x7b: {  	_ =	shalt  }
0x7c: {  	_ =	shalt  }
0x7d: {  	_ =	shalt  }
0x7e: {  	_ =	shalt  }
0x7f: {  	_ =	shalt  }
0x80: {  	_ =	shalt  }
0x81: {  	_ =	shalt  }
0x82: {  	_ =	shalt  }
0x83: {  	_ =	shalt  }
0x84: {  	_ =	shalt  }
0x85: {  	_ =	shalt  }
0x86: {  	_ =	shalt  }
0x87: {  	_ =	shalt  }
.Lfunc_end0:
.L_simem_size_0:
called_computation.3_lowered:
.L_overlay_start_0:
0x88: {  	s2 =	sld [smem:$0x3FD9]  }
0x89: {  	s3 =	sld [smem:$0x3FFE];
	_ =	sdelay $0x1  }
0x8a: {  	s1 =	srdreg.scid  }
0x8b: {  	s0 =	sand.u32 $0x1, s1  }
0x8c: {  	s16 =	sshll.u32 s0, $0xA;
	s2 =	sadd.s32 s3, s2  }
0x8d: {  	s2 =	sadd.s32 s2, s16  }
0x8e: {  	[smem:$0x3FB2] =	sst s2  }
0x8f: {  	_ = 	snop  }
0x90: {  	(tm) =	ssettm $0x1  }
0x91: {  	s17 =	sld [smem:$0x3FFB];
	_ =	sdelay $0x3  }
0x92: {  	_ =	strace s17  }
0x93: {  	s2 =	sld [smem:$0x3FFC];
	_ =	sdelay $0x3  }
0x94: {  	_ =	strace s2  }
0x95: {  	s2 =	sld [smem:$0x3FFD];
	_ =	sdelay $0x3  }
0x96: {  	_ =	strace s2  }
0x97: {  	_ =	strace $0x8FFFFFFF  }
0x98: {  	s18 =	sld [smem:$0x3FDB];
	_ =	sdelay $0x1  }
0x99: {  	s19 =	simm.s32 $_scs_section_size  }
0x9a: {  	s4 =	simm.s32 $_size__tile_overlayer_lowered;
	s5 =	simm.s32 $_tile_overlayer_lowered  }
0x9b: {  	s22 =	simm.s32 $0x1BFF;
	s21 =	sshll.u32 s5, $0x1;
	s2 =	sadd.s32 s19, s18  }
0x9c: {  	s6 =	simm.s32 $0x0;
	s20 =	sshll.u32 s4, $0x1;
	s4 =	sadd.s32 s21, s2  }
0x9d: {  	[timem:s6], [sflag:s22] =	dma.local [hbm:s4], s20  }
0x9e: {  	_ =	swait.ge [sflag:s22], s20  }
0x9f: {  	s3 =	ssub.s32 $0x0, s20;
	[sflag:s22] =	ssyncset.done $0x0  }
0xa0: {  	[sflag:s22] =	ssyncadd.s32 s3;
	_ =	sdelay $0x1  }
0xa1: {  	s23 =	simm.s32 $0x1B8B  }
0xa2: {  	_ =	swait.ge [sflag:s23], $0x1  }
0xa3: {  	[sflag:s23] =	ssyncset.done $0x0  }
0xa4: {  	s25 =	simm.s32 $0x1B8E;
	s24 =	sld [smem:$0x3FFE];
	[sflag:s23] =	ssyncadd.s32 $0xFFFFFFFF  }
0xa5: {  	s26 =	simm.s32 $execute0_lowered;
	[smem:$0x3FD2] =	sst s25  }
0xa6: {  	s4 =	sshll.u32 s26, $0x1;
	_ =	strace $0x8000004F;
	[dreg:$0x1] =	wrdreg $0xFFFFFFFF  }
0xa7: {  	s28 =	simm.s32 $_size_execute0_lowered;
	s2 =	sadd.s32 s2, s4;
	[dreg:$0x0] =	wrdreg $0x0  }
0xa8: {  	s4 =	sshll.u32 s28, $0x1;
	[dreg:$0x2] =	wrdreg s2  }
0xa9: {  	[dreg:$0x3] =	wrdreg s4  }
0xaa: {  	[dreg:$0x4] =	wrdreg $0xC0  }
0xab: {  	_ =	task [dreg:s6], $0x5FFFF  }
0xac: {  	[dreg:$0x1] =	wrdreg $0xFFFFFFFF  }
0xad: {  	[dreg:$0x0] =	wrdreg $0x60  }
0xae: {  	[dreg:$0x2] =	wrdreg s24  }
0xaf: {  	[dreg:$0x3] =	wrdreg $0xC4000  }
0xb0: {  	[dreg:$0x4] =	wrdreg $0x9  }
0xb1: {  	_ =	task.clear_ibuf [dreg:s6], $0x5FFFF;
	_ =	strace $0x9000004F  }
0xb2: {  	s29 =	simm.s32 $0x9;
	_ =	strace $0x80000051  }
0xb3: {  	_ =	swait.ge [sflag:s29], $0x1  }
0xb4: {  	[sflag:s29] =	ssyncadd.s32 $0xFFFFFFFF  }
0xb5: {  	_ =	strace $0x90000051  }
0xb6: {  	_ =	sfence  }
0xb7: {  	s30 =	sld [smem:$0x0];
	_ =	sdelay $0x2  }
0xb8: {  	s31 =	sshll.u32 s1, $0xD;
	s1 =	sshrl.u32 s1, $0x2  }
0xb9: {  	s3 =	sand.u32 $0x4000, s31;
	s1 =	sadd.s32 s1, s30  }
0xba: {  	s0 =	sor.u32 s3, s0;
	s1 =	sshll.u32 s1, $0x11  }
0xbb: {  	s0 =	sor.u32 s1, s0  }
0xbc: {  	s0 =	sadd.s32 $0x8F2B, s0  }
0xbd: {  	[sflag:s0] =	ssyncadd.remote.s32 $0x1  }
0xbe: {  	_ =	sfence.sel $0xFFFF  }
0xbf: {  	[dreg:$0x0] =	wrdreg $0xFFFFFFFF;
	(pc) =	sbr.abs _section_cstart, $3  }
0xc0: {  	[dreg:$0x1] =	wrdreg $0xFFFFFFFF  }
0xc1: {  	_ =	task.clear_ibuf [dreg:s6], $0x2FFFF;
	_ =	strace $0x9FFFFFFF  }
0xc2: {  	(tm) =	ssettm $0x7FFFFFFF  }
0xc3: {  	_ =	shalt  }
tec
execute0_lowered:
.L_overlay_start_1:
0x0: {  	(tag) =	ssettag $0x1  }
0x1: {  	s0 =	srdreg.scid;
	s1 =	rddreg [dreg:$0x0]  }
0x2: {  	s12 =	stileid.u32;
	s2 =	rddreg [dreg:$0x1];
	s3 =	simm.s32 $0x0  }
0x3: {  	s14 =	simm.s32 $0x7;
	s15 =	simm.s32 $0x80;
	s16 =	simm.s32 $0x400  }
0x4: {  	s17 =	simm.s32 $0x4400;
	s18 =	simm.s32 $0x1;
	s19 =	simm.s32 $0x100  }
0x5: {  	s20 =	simm.s32 $0x8400;
	s21 =	simm.s32 $0x200;
	s22 =	simm.s32 $0x2  }
0x6: {  	s23 =	simm.s32 $0x4;
	s24 =	simm.s32 $0x180;
	s5 =	smul.u32 $0xA000, s12  }
0x7: {  	s28 =	simm.s32 $0x300;
	s29 =	simm.s32 $0x380;
	s6 =	smul.u32 $0x2780, s12  }
0x8: {  	s30 =	simm.s32 $0x5;
	s31 =	simm.s32 $0x6;
	s7 =	smul.u32 $0x4F000, s12  }
0x9: {  	s0 =	sand.u32 $0x1, s0;
	[smem:$0x7FF] =	sst s3;
	s11 =	smul.u32 $0x13C00, s12  }
0xa: {  	s8 =	sadd.s32 $0x13E400, s1;
	p0 =	seq.s32 s12, $0xF;
	s4 =	smul.u32 $0xA0000, s0  }
0xb: {  	_ =	strace $0x80000050;
	s9 =	ssub.s32 $0x2, s0;
	s0 =	smul.u32 $0x139000, s0  }
0xc: {  	s6 =	sadd.s32 s6, s1;
	s10 =	sshrl.u32 s9, $0x1;
	s7 =	sshrl.u32 s7, $0x2  }
0xd: {  	s5 =	sadd.s32 s5, s4;
	s4 =	sadd.s32 $0xA2000, s1;
	s9 =	ssub.s32 s9, s10  }
0xe: {  	s13 =	sadd.s32 s7, s2;
	s6 =	sadd.s32 $0x2CA00, s6;
	s25 =	sadd.s32 s11, s0  }
0xf: {  	s0 =	sshrl.u32 s0, $0x3;
	s5 =	sshrl.u32 s5, $0x3;
	[dreg:$0x3] =	wrdreg s6  }
0x10: {  	s6 =	sadd.s32 $0x128400, s2;
	s26 =	sshrl.u32 s25, $0x3;
	s0 =	sadd.s32 s8, s0  }
0x11: {  	s9 =	smax.u32 s9, $0x1;
	s13 =	sshrl.u32 @!p0 s13, $0x3;
	s25 =	simm.s32 $0x280  }
0x12: {  	s5 =	sadd.s32 s5, s1;
	s1 =	sadd.s32 $0x51A80, s1;
	s11 =	sshrl.u32 @p0 s6, $0x3  }
0x13: {  	[dreg:$0x4] =	wrdreg s1;
	s1 =	sadd.s32 s8, s26;
	s8 =	sadd.s32 $0x25080, s0  }
0x14: {  	s10 =	sadd.s32 $0x4A00, s5;
	s0 =	sshll.u32 @!p0 s12, $0x6;
	s26 =	simm.s32 $0x3  }
0x15: {  	[dreg:$0x5] =	wrdreg s1;
	s12 =	sor.u32 @!p0 $0x1C07, s0;
	s1 =	simm.s32 $0x0  }
.LBB2_1:
0x16: {  	s0 =	simm.s32 @p0 $0x1FC7;
	s5 =	rddreg [dreg:$0x4]  }
0x17: {  	[spmem:s11], [sflag:s0] =	dma.local @p0 [hbm:s5], $0x2180  }
0x18: {  	s0 =	simm.s32 @p0 $0x7  }
0x19: {  	_ =	swait.ge @p0 [sflag:s0], $0x2180  }
0x1a: {  	[sflag:s0] =	ssyncset.done @p0 $0x0  }
0x1b: {  	[sflag:s0] =	ssyncadd.s32 @p0 $0xFFFFDE80;
	s0 =	rddreg [dreg:$0x3]  }
0x1c: {  	[spmem:s13], [sflag:s12] =	dma.local @!p0 [hbm:s0], $0x2780  }
0x1d: {  	s0 =	simm.s32 @!p0 $0x7  }
0x1e: {  	_ =	swait.ge @!p0 [sflag:s0], $0x2780  }
0x1f: {  	[sflag:s0] =	ssyncset.done @!p0 $0x0  }
0x20: {  	[sflag:s0] =	ssyncadd.s32 @!p0 $0xFFFFD880  }
0x21: {  	s7 =	sadd.s32 $0x0, s10;
	[bflag:$0x0] =	sbarrier.arrive $0xFFFF  }
0x22: {  	[tilespmem:s3], [sflag:$0x7] =	stream.linear.gather [hbm4b:s7+s3], $0x400, $0x38;
	[tilespmem:$0x1FD00] =	vst v63  }
0x23: {  	_ =	swait.ge [sflag:s14], $0x400  }
0x24: {  	[sflag:s14] =	ssyncset.done $0x0  }
0x25: {  	[sflag:s14] =	ssyncadd.s32 $0xFFFFFC00  }
0x26: {  	[tilespmem:s16], [sflag:$0x1] =	stream.indirect.gather [hbm4b:s4+s15], $0x80, s3, s15, $0xb8;
	[tilespmem:$0x1FD00] =	vst v63  }
0x27: {  	_ = 	snop  }
0x28: {  	[tilespmem:s17], [sflag:$0x2] =	stream.indirect.gather [hbm4b:s4+s15], $0x80, s15, s15, $0xb8;
	[tilespmem:$0x1FD00] =	vst v63  }
0x29: {  	_ =	swait.ge [sflag:s18], $0x4000  }
0x2a: {  	[sflag:s18] =	ssyncset.done $0x0  }
0x2b: {  	[sflag:s18] =	ssyncadd.s32 $0xFFFFC000  }
0x2c: {  	[tilespmem:s20], [sflag:$0x3] =	stream.indirect.gather [hbm4b:s4+s15], $0x80, s19, s15, $0xb8;
	[tilespmem:$0x1FD00] =	vst v63  }
0x2d: {  	_ = 	snop  }
0x2e: {  	[spmem:s2] =	stream.indirect.scatter.add.f32 [tilespmem:s16], [sflag:$0x4], $0x80, s21, s15, $0xb8;
	[tilespmem:$0x1FD00] =	vst v63  }
0x2f: {  	_ =	swait.ge [sflag:s22], $0x4000  }
0x30: {  	[sflag:s22] =	ssyncset.done $0x0  }
0x31: {  	[sflag:s22] =	ssyncadd.s32 $0xFFFFC000  }
0x32: {  	_ =	swait.ge [sflag:s23], $0x4000  }
0x33: {  	[sflag:s23] =	ssyncset.done $0x0  }
0x34: {  	[sflag:s23] =	ssyncadd.s32 $0xFFFFC000  }
0x35: {  	[tilespmem:s16], [sflag:$0x1] =	stream.indirect.gather [hbm4b:s4+s15], $0x80, s24, s15, $0xb8;
	[tilespmem:$0x1FD00] =	vst v63  }
0x36: {  	_ = 	snop  }
0x37: {  	[spmem:s2] =	stream.indirect.scatter.add.f32 [tilespmem:s17], [sflag:$0x5], $0x80, s25, s15, $0xb8;
	[tilespmem:$0x1FD00] =	vst v63  }
0x38: {  	_ =	swait.ge [sflag:s26], $0x4000  }
0x39: {  	[sflag:s26] =	ssyncset.done $0x0  }
0x3a: {  	[sflag:s26] =	ssyncadd.s32 $0xFFFFC000  }
0x3b: {  	[spmem:s2] =	stream.indirect.scatter.add.f32 [tilespmem:s20], [sflag:$0x6], $0x80, s28, s15, $0xb8;
	[tilespmem:$0x1FD00] =	vst v63  }
0x3c: {  	_ =	swait.ge [sflag:s18], $0x4000  }
0x3d: {  	[sflag:s18] =	ssyncset.done $0x0  }
0x3e: {  	[sflag:s18] =	ssyncadd.s32 $0xFFFFC000  }
0x3f: {  	[spmem:s2] =	stream.indirect.scatter.add.f32 [tilespmem:s16], [sflag:$0x4], $0x80, s29, s15, $0xb8;
	[tilespmem:$0x1FD00] =	vst v63  }
0x40: {  	_ =	swait.ge [sflag:s30], $0x4000  }
0x41: {  	[sflag:s30] =	ssyncset.done $0x0  }
0x42: {  	[sflag:s30] =	ssyncadd.s32 $0xFFFFC000  }
0x43: {  	_ =	swait.ge [sflag:s31], $0x4000  }
0x44: {  	[sflag:s31] =	ssyncset.done $0x0  }
0x45: {  	[sflag:s31] =	ssyncadd.s32 $0xFFFFC000  }
0x46: {  	_ =	swait.ge [sflag:s23], $0x4000  }
0x47: {  	s5 =	simm.s32 $0x100;
	s0 =	simm.s32 $0x80;
	[sflag:s23] =	ssyncset.done $0x0  }
.LBB2_2:
0x48: {  	s7 =	sadd.s32 s0, s10  }
0x49: {  	[sflag:s23] =	ssyncadd.s32 $0xFFFFC000;
	s0 =	smov.u32 s5;
	s6 =	sadd.s32 $0x80, s5  }
0x4a: {  	[tilespmem:s3], [sflag:$0x7] =	stream.linear.gather [hbm4b:s7+s3], $0x400, $0x38;
	[tilespmem:$0x1FD00] =	vst v63  }
0x4b: {  	p1 =	sne.s32 s5, $0x1380;
	_ =	swait.ge [sflag:s14], $0x400  }
0x4c: {  	[sflag:s14] =	ssyncset.done $0x0  }
0x4d: {  	[sflag:s14] =	ssyncadd.s32 $0xFFFFFC00  }
0x4e: {  	[tilespmem:s16], [sflag:$0x1] =	stream.indirect.gather [hbm4b:s4+s15], $0x80, s3, s15, $0xb8;
	[tilespmem:$0x1FD00] =	vst v63  }
0x4f: {  	_ = 	snop  }
0x50: {  	[tilespmem:s17], [sflag:$0x2] =	stream.indirect.gather [hbm4b:s4+s15], $0x80, s15, s15, $0xb8;
	[tilespmem:$0x1FD00] =	vst v63  }
0x51: {  	_ =	swait.ge [sflag:s18], $0x4000  }
0x52: {  	[sflag:s18] =	ssyncset.done $0x0  }
0x53: {  	[sflag:s18] =	ssyncadd.s32 $0xFFFFC000  }
0x54: {  	[tilespmem:s20], [sflag:$0x3] =	stream.indirect.gather [hbm4b:s4+s15], $0x80, s19, s15, $0xb8;
	[tilespmem:$0x1FD00] =	vst v63  }
0x55: {  	_ = 	snop  }
0x56: {  	[spmem:s2] =	stream.indirect.scatter.add.f32 [tilespmem:s16], [sflag:$0x4], $0x80, s21, s15, $0xb8;
	[tilespmem:$0x1FD00] =	vst v63  }
0x57: {  	_ =	swait.ge [sflag:s22], $0x4000  }
0x58: {  	[sflag:s22] =	ssyncset.done $0x0  }
0x59: {  	[sflag:s22] =	ssyncadd.s32 $0xFFFFC000  }
0x5a: {  	_ =	swait.ge [sflag:s23], $0x4000  }
0x5b: {  	[sflag:s23] =	ssyncset.done $0x0  }
0x5c: {  	[sflag:s23] =	ssyncadd.s32 $0xFFFFC000  }
0x5d: {  	[tilespmem:s16], [sflag:$0x1] =	stream.indirect.gather [hbm4b:s4+s15], $0x80, s24, s15, $0xb8;
	[tilespmem:$0x1FD00] =	vst v63  }
0x5e: {  	_ = 	snop  }
0x5f: {  	[spmem:s2] =	stream.indirect.scatter.add.f32 [tilespmem:s17], [sflag:$0x5], $0x80, s25, s15, $0xb8;
	[tilespmem:$0x1FD00] =	vst v63  }
0x60: {  	_ =	swait.ge [sflag:s26], $0x4000  }
0x61: {  	[sflag:s26] =	ssyncset.done $0x0  }
0x62: {  	[sflag:s26] =	ssyncadd.s32 $0xFFFFC000  }
0x63: {  	[spmem:s2] =	stream.indirect.scatter.add.f32 [tilespmem:s20], [sflag:$0x6], $0x80, s28, s15, $0xb8;
	[tilespmem:$0x1FD00] =	vst v63  }
0x64: {  	_ =	swait.ge [sflag:s18], $0x4000  }
0x65: {  	[sflag:s18] =	ssyncset.done $0x0  }
0x66: {  	[sflag:s18] =	ssyncadd.s32 $0xFFFFC000  }
0x67: {  	[spmem:s2] =	stream.indirect.scatter.add.f32 [tilespmem:s16], [sflag:$0x4], $0x80, s29, s15, $0xb8;
	[tilespmem:$0x1FD00] =	vst v63  }
0x68: {  	_ =	swait.ge [sflag:s30], $0x4000  }
0x69: {  	[sflag:s30] =	ssyncset.done $0x0  }
0x6a: {  	[sflag:s30] =	ssyncadd.s32 $0xFFFFC000  }
.Ltmp0:
0x6b: {  	_ =	swait.ge [sflag:s31], $0x4000;
	(pc) =	sbr.rel @p1 .LBB2_2-.Ltmp0, $4  }
0x6c: {  	[sflag:s31] =	ssyncset.done $0x0  }
0x6d: {  	[sflag:s31] =	ssyncadd.s32 $0xFFFFC000  }
0x6e: {  	_ =	swait.ge [sflag:s23], $0x4000  }
0x6f: {  	s5 =	smov.u32 s6;
	[sflag:s23] =	ssyncset.done $0x0  }
0x70: {  	s0 =	sadd.s32 s0, s10;
	[sflag:s23] =	ssyncadd.s32 $0xFFFFC000  }
0x71: {  	[tilespmem:s3], [sflag:$0x7] =	stream.linear.gather [hbm4b:s0+s3], $0x400, $0x38;
	[tilespmem:$0x1FD00] =	vst v63  }
0x72: {  	_ =	swait.ge [sflag:s14], $0x400  }
0x73: {  	[sflag:s14] =	ssyncset.done $0x0  }
0x74: {  	[sflag:s14] =	ssyncadd.s32 $0xFFFFFC00  }
0x75: {  	[tilespmem:s16], [sflag:$0x1] =	stream.indirect.gather [hbm4b:s4+s15], $0x80, s3, s15, $0xb8;
	[tilespmem:$0x1FD00] =	vst v63  }
0x76: {  	_ = 	snop  }
0x77: {  	[tilespmem:s17], [sflag:$0x2] =	stream.indirect.gather [hbm4b:s4+s15], $0x80, s15, s15, $0xb8;
	[tilespmem:$0x1FD00] =	vst v63  }
0x78: {  	_ =	swait.ge [sflag:s18], $0x4000  }
0x79: {  	[sflag:s18] =	ssyncset.done $0x0  }
0x7a: {  	[sflag:s18] =	ssyncadd.s32 $0xFFFFC000  }
0x7b: {  	[tilespmem:s20], [sflag:$0x3] =	stream.indirect.gather [hbm4b:s4+s15], $0x80, s19, s15, $0xb8;
	[tilespmem:$0x1FD00] =	vst v63  }
0x7c: {  	_ = 	snop  }
0x7d: {  	[spmem:s2] =	stream.indirect.scatter.add.f32 [tilespmem:s16], [sflag:$0x4], $0x80, s21, s15, $0xb8;
	[tilespmem:$0x1FD00] =	vst v63  }
0x7e: {  	_ =	swait.ge [sflag:s22], $0x4000  }
0x7f: {  	[sflag:s22] =	ssyncset.done $0x0  }
0x80: {  	[sflag:s22] =	ssyncadd.s32 $0xFFFFC000  }
0x81: {  	_ =	swait.ge [sflag:s23], $0x4000  }
0x82: {  	[sflag:s23] =	ssyncset.done $0x0  }
0x83: {  	[sflag:s23] =	ssyncadd.s32 $0xFFFFC000  }
0x84: {  	[tilespmem:s16], [sflag:$0x1] =	stream.indirect.gather [hbm4b:s4+s15], $0x80, s24, s15, $0xb8;
	[tilespmem:$0x1FD00] =	vst v63  }
0x85: {  	_ = 	snop  }
0x86: {  	[spmem:s2] =	stream.indirect.scatter.add.f32 [tilespmem:s17], [sflag:$0x5], $0x80, s25, s15, $0xb8;
	[tilespmem:$0x1FD00] =	vst v63  }
0x87: {  	_ =	swait.ge [sflag:s26], $0x4000  }
0x88: {  	[sflag:s26] =	ssyncset.done $0x0  }
0x89: {  	[sflag:s26] =	ssyncadd.s32 $0xFFFFC000  }
0x8a: {  	[spmem:s2] =	stream.indirect.scatter.add.f32 [tilespmem:s20], [sflag:$0x6], $0x80, s28, s15, $0xb8;
	[tilespmem:$0x1FD00] =	vst v63  }
0x8b: {  	_ =	swait.ge [sflag:s18], $0x4000  }
0x8c: {  	[sflag:s18] =	ssyncset.done $0x0  }
0x8d: {  	[sflag:s18] =	ssyncadd.s32 $0xFFFFC000  }
0x8e: {  	[spmem:s2] =	stream.indirect.scatter.add.f32 [tilespmem:s16], [sflag:$0x4], $0x80, s29, s15, $0xb8;
	[tilespmem:$0x1FD00] =	vst v63  }
0x8f: {  	_ =	swait.ge [sflag:s30], $0x4000  }
0x90: {  	[sflag:s30] =	ssyncset.done $0x0  }
0x91: {  	[sflag:s30] =	ssyncadd.s32 $0xFFFFC000  }
0x92: {  	_ =	swait.ge [sflag:s31], $0x4000  }
0x93: {  	[sflag:s31] =	ssyncset.done $0x0  }
0x94: {  	[sflag:s31] =	ssyncadd.s32 $0xFFFFC000  }
0x95: {  	_ =	swait.ge [sflag:s23], $0x4000  }
0x96: {  	[sflag:s23] =	ssyncset.done $0x0  }
0x97: {  	[sflag:s23] =	ssyncadd.s32 $0xFFFFC000  }
0x98: {  	s0 =	simm.s32 @p0 $0x1FC7;
	[bflag:$0x0] =	sbarrier.arrive $0xFFFF  }
0x99: {  	[hbm:s8], [sflag:s0] =	dma.local @p0 [spmem:s11], $0x2180  }
0x9a: {  	s0 =	simm.s32 @p0 $0x7  }
0x9b: {  	_ =	swait.ge @p0 [sflag:s0], $0x2180  }
0x9c: {  	s1 =	sadd.s32 $0x1, s1;
	[sflag:s0] =	ssyncset.done @p0 $0x0  }
0x9d: {  	p1 =	sne.s32 s1, s9;
	[sflag:s0] =	ssyncadd.s32 @p0 $0xFFFFDE80;
	s0 =	rddreg [dreg:$0x5]  }
0x9e: {  	[hbm:s0], [sflag:s12] =	dma.local @!p0 [spmem:s13], $0x2780  }
.Ltmp1:
0x9f: {  	_ = 	snop;
	(pc) =	sbr.rel @p1 .LBB2_1-.Ltmp1, $4  }
0xa0: {  	s0 =	simm.s32 @!p0 $0x7  }
0xa1: {  	_ =	swait.ge @!p0 [sflag:s0], $0x2780  }
0xa2: {  	[sflag:s0] =	ssyncset.done @!p0 $0x0  }
0xa3: {  	[sflag:s0] =	ssyncadd.s32 @!p0 $0xFFFFD880  }
0xa4: {  	_ =	sfence.sel $0x180000  }
0xa5: {  	[bflag:$0x0] =	sbarrier.arrive $0xFFFF  }
0xa6: {  	_ =	strace $0x90000050  }
0xa7: {  	s0 =	stileid.u32;
	[bflag:$0x2] =	sbarrier.arrive $0xFFFF  }
0xa8: {  	p0 =	sne.s32 s0, $0x0;
	s0 =	rddreg [dreg:$0x2]  }
0xa9: {  	s0 =	sadd.s32 @!p0 $0x100000, s0  }
0xaa: {  	[sflag:s0] =	ssyncadd.tile.s32 @!p0 $0x1;
	_ =	shalt  }
.Lfunc_end2:
_tile_overlayer_lowered:
.L_overlay_start_2:
0xab: {  	(tag) =	ssettag $0x2  }
0xac: {  	s0 =	rddreg [dreg:$0x0];
	s2 =	stileid.u32  }
0xad: {  	s1 =	rddreg [dreg:$0x1];
	p0 =	sne.s32 s2, $0x0  }
0xae: {  	s3 =	rddreg [dreg:$0x2];
	[bflag:$0x3] =	sbarrier.arrive $0xFFFF;
	s2 =	simm.s32 @!p0 $0x1C07  }
0xaf: {  	[timem:s3], [sflag:s2] =	dma.local @!p0 [hbm:s0], s1  }
0xb0: {  	s0 =	simm.s32 @!p0 $0x7  }
0xb1: {  	_ =	swait.ge @!p0 [sflag:s0], s1  }
0xb2: {  	s1 =	ssub.s32 @!p0 $0x0, s1;
	[sflag:s0] =	ssyncset.done @!p0 $0x0  }
0xb3: {  	[sflag:s0] =	ssyncadd.s32 @!p0 s1  }
0xb4: {  	[bflag:$0x3] =	sbarrier.arrive $0xFFFF  }
0xb5: {  	_ =	shalt  }

</sc_bundles>
